<compile_context>
chip_gen: v7x
topology: tpu7x:2x2x1
jax: 0.10.2.dev20260603
libtpu: 0.0.44.dev20260713+nightly
codegen_flags: <defaults>
</compile_context>

<pallas_src>
import functools

import jax
import jax.numpy as jnp
from jax import lax
from jax.experimental import pallas as pl
from jax.experimental.pallas import tpu as pltpu
from jax.experimental.pallas import tpu_sc as plsc

_N = 10000
_E = 160000
_F = 128
_NC = 2
_NS = 16
_W = _NC * _NS

_CH = 128
_EP = 163840
_EROWS = _EP // _CH
_TROWS = _EROWS // _NS
_DROWS = _EROWS // _W
_RPT = 9984 // _NS
_RTAIL = _N - _RPT * _NS

_mesh = plsc.VectorSubcoreMesh(core_axis_name="c", subcore_axis_name="s")


@functools.partial(
    pl.kernel,
    mesh=_mesh,
    out_type=[
        jax.ShapeDtypeStruct((_N, 16), jnp.float32),
        jax.ShapeDtypeStruct((_N, 16), jnp.float32),
    ],
    scratch_types=[
        pltpu.VMEM((_DROWS, _CH), jnp.int32),
        pltpu.VMEM((_CH, 16), jnp.float32),
        pltpu.VMEM((_CH, 16), jnp.float32),
        pltpu.VMEM_SHARED((_N + 128, 16), jnp.float32),
        pltpu.SemaphoreType.DMA,
    ],
)
def _deg_kernel(dstp_hbm, out0_hbm, out1_hbm, dst_v, ones_v, zeros_v,
                acc_sh, sem):
    c = lax.axis_index("c")
    s = lax.axis_index("s")
    w = s * _NC + c

    zero16f = jnp.zeros((16,), jnp.float32)
    ones16f = jnp.ones((16,), jnp.float32)

    def fbody(i, carry):
        ones_v[i, pl.ds(0, 16)] = ones16f
        zeros_v[i, pl.ds(0, 16)] = zero16f
        return carry

    lax.fori_loop(0, _CH, fbody, 0)

    r0 = s * _RPT
    for k in range(_RPT // _CH):
        pltpu.sync_copy(zeros_v, acc_sh.at[pl.ds(r0 + k * _CH, _CH)])
    rem = _RPT % _CH
    pltpu.sync_copy(zeros_v.at[pl.ds(0, rem)],
                    acc_sh.at[pl.ds(r0 + (_RPT // _CH) * _CH, rem)])

    @pl.when(s == 0)
    def _():
        pltpu.sync_copy(zeros_v.at[pl.ds(0, _RTAIL)],
                        acc_sh.at[pl.ds(_RPT * _NS, _RTAIL)])

    pltpu.sync_copy(dstp_hbm.at[pl.ds(w * _DROWS, _DROWS)], dst_v)

    plsc.subcore_barrier()

    def body(j, carry):
        pltpu.async_copy(ones_v, acc_sh.at[dst_v.at[j]], sem, add=True)
        return carry

    lax.fori_loop(0, _DROWS, body, 0)

    def dbody(j, carry):
        pltpu.make_async_copy(ones_v, acc_sh.at[dst_v.at[j]], sem).wait()
        return carry

    lax.fori_loop(0, _DROWS, dbody, 0)

    plsc.subcore_barrier()

    @pl.when(c == 0)
    def _():
        pltpu.sync_copy(acc_sh.at[pl.ds(r0, _RPT)],
                        out0_hbm.at[pl.ds(r0, _RPT)])

        @pl.when(s == 0)
        def _():
            pltpu.sync_copy(acc_sh.at[pl.ds(_RPT * _NS, _RTAIL)],
                            out0_hbm.at[pl.ds(_RPT * _NS, _RTAIL)])

    @pl.when(c == 1)
    def _():
        pltpu.sync_copy(acc_sh.at[pl.ds(r0, _RPT)],
                        out1_hbm.at[pl.ds(r0, _RPT)])

        @pl.when(s == 0)
        def _():
            pltpu.sync_copy(acc_sh.at[pl.ds(_RPT * _NS, _RTAIL)],
                            out1_hbm.at[pl.ds(_RPT * _NS, _RTAIL)])


@functools.partial(
    pl.kernel,
    mesh=_mesh,
    out_type=[
        jax.ShapeDtypeStruct((_N, _F), jnp.float32),
        jax.ShapeDtypeStruct((_N, _F), jnp.float32),
    ],
    scratch_types=[
        pltpu.VMEM((_CH,), jnp.int32),
        pltpu.VMEM((_CH,), jnp.int32),
        pltpu.VMEM((_CH,), jnp.int32),
        pltpu.VMEM((_CH,), jnp.int32),
        pltpu.VMEM((_CH,), jnp.int32),
        pltpu.VMEM((_CH,), jnp.int32),
        pltpu.VMEM((_CH,), jnp.int32),
        pltpu.VMEM((_CH,), jnp.int32),
        pltpu.VMEM((_CH, _F), jnp.float32),
        pltpu.VMEM((_CH, _F), jnp.float32),
        pltpu.VMEM_SHARED((_N + 128, _F), jnp.float32),
        pltpu.SemaphoreType.DMA,
        pltpu.SemaphoreType.DMA,
        pltpu.SemaphoreType.DMA,
        pltpu.SemaphoreType.DMA,
        pltpu.SemaphoreType.DMA,
        pltpu.SemaphoreType.DMA,
    ],
)
def _scatter_kernel(ulo_hbm, uhi_hbm, srcp_hbm, dstp_hbm, outlo_hbm,
                    outhi_hbm, src_i0, dst_i0, src_i1, dst_i1, src_i2,
                    dst_i2, src_i3, dst_i3, rows_v0, rows_v1, acc_sh,
                    semg0, semg1, semi0, semi1, semi2, semi3):
    c = lax.axis_index("c")
    s = lax.axis_index("s")

    src_i = (src_i0, src_i1, src_i2, src_i3)
    dst_i = (dst_i0, dst_i1, dst_i2, dst_i3)
    semi = (semi0, semi1, semi2, semi3)
    rows = (rows_v0, rows_v1)
    semg = (semg0, semg1)
    rb = s * _TROWS

    def _fire_idx(m, b):
        off = (rb + m) * _CH
        pltpu.async_copy(srcp_hbm.at[pl.ds(off, _CH)], src_i[b], semi[b])
        pltpu.async_copy(dstp_hbm.at[pl.ds(off, _CH)], dst_i[b], semi[b])

    def _drain_idx(m, b):
        off = (rb + m) * _CH
        pltpu.make_async_copy(srcp_hbm.at[pl.ds(off, _CH)], src_i[b],
                              semi[b]).wait()
        pltpu.make_async_copy(dstp_hbm.at[pl.ds(off, _CH)], dst_i[b],
                              semi[b]).wait()

    def _fire(b, r):
        @pl.when(c == 0)
        def _():
            pltpu.async_copy(ulo_hbm.at[src_i[b]], rows[r], semg[r])

        @pl.when(c == 1)
        def _():
            pltpu.async_copy(uhi_hbm.at[src_i[b]], rows[r], semg[r])

    def _drain(b, r):
        @pl.when(c == 0)
        def _():
            pltpu.make_async_copy(ulo_hbm.at[src_i[b]], rows[r],
                                  semg[r]).wait()

        @pl.when(c == 1)
        def _():
            pltpu.make_async_copy(uhi_hbm.at[src_i[b]], rows[r],
                                  semg[r]).wait()

    zero16f = jnp.zeros((16,), jnp.float32)

    def zbody(i, carry):
        for j in range(_F // 16):
            rows_v0[i, pl.ds(j * 16, 16)] = zero16f
        return carry

    lax.fori_loop(0, _CH, zbody, 0)

    r0 = s * _RPT
    for k in range(_RPT // _CH):
        pltpu.sync_copy(rows_v0, acc_sh.at[pl.ds(r0 + k * _CH, _CH)])
    rem = _RPT % _CH
    pltpu.sync_copy(rows_v0.at[pl.ds(0, rem)],
                    acc_sh.at[pl.ds(r0 + (_RPT // _CH) * _CH, rem)])

    @pl.when(s == 0)
    def _():
        pltpu.sync_copy(rows_v0.at[pl.ds(0, _RTAIL)],
                        acc_sh.at[pl.ds(_RPT * _NS, _RTAIL)])

    plsc.subcore_barrier()

    _fire_idx(0, 0)
    _fire_idx(1, 1)
    _drain_idx(0, 0)
    _fire(0, 0)

    def body(k, carry):
        for u in range(4):
            j = 4 * k + u
            r = u % 2
            b = u
            bn = (u + 1) % 4
            bp = (u + 2) % 4

            @pl.when(j + 2 < _TROWS)
            def _():
                _fire_idx(j + 2, bp)

            @pl.when(j + 1 < _TROWS)
            def _():
                _drain_idx(j + 1, bn)
                _fire(bn, 1 - r)

            _drain(b, r)
            pltpu.sync_copy(rows[r], acc_sh.at[dst_i[b]], add=True)
        return carry

    lax.fori_loop(0, _TROWS // 4, body, 0)

    plsc.subcore_barrier()

    @pl.when(c == 0)
    def _():
        pltpu.sync_copy(acc_sh.at[pl.ds(r0, _RPT)],
                        outlo_hbm.at[pl.ds(r0, _RPT)])

        @pl.when(s == 0)
        def _():
            pltpu.sync_copy(acc_sh.at[pl.ds(_RPT * _NS, _RTAIL)],
                            outlo_hbm.at[pl.ds(_RPT * _NS, _RTAIL)])

    @pl.when(c == 1)
    def _():
        pltpu.sync_copy(acc_sh.at[pl.ds(r0, _RPT)],
                        outhi_hbm.at[pl.ds(r0, _RPT)])

        @pl.when(s == 0)
        def _():
            pltpu.sync_copy(acc_sh.at[pl.ds(_RPT * _NS, _RTAIL)],
                            outhi_hbm.at[pl.ds(_RPT * _NS, _RTAIL)])


_R = 512
_GRID = (_N + _R - 1) // _R


def _prep_body(deg0_ref, deg1_ref, x_ref, ulo_ref, uhi_ref, dinv_ref):
    deg = deg0_ref[:, 0:1] + deg1_ref[:, 0:1] + 1.0
    dinv = lax.rsqrt(deg)
    dinv_ref[...] = dinv
    ulo_ref[...] = x_ref[:, :_F] * dinv
    uhi_ref[...] = x_ref[:, _F:] * dinv


def _prep_call(deg0, deg1, x):
    return pl.pallas_call(
        _prep_body,
        grid=(_GRID,),
        in_specs=[
            pl.BlockSpec((_R, 16), lambda r: (r, 0)),
            pl.BlockSpec((_R, 16), lambda r: (r, 0)),
            pl.BlockSpec((_R, 2 * _F), lambda r: (r, 0)),
        ],
        out_specs=[
            pl.BlockSpec((_R, _F), lambda r: (r, 0)),
            pl.BlockSpec((_R, _F), lambda r: (r, 0)),
            pl.BlockSpec((_R, 1), lambda r: (r, 0)),
        ],
        out_shape=[
            jax.ShapeDtypeStruct((_N, _F), jnp.float32),
            jax.ShapeDtypeStruct((_N, _F), jnp.float32),
            jax.ShapeDtypeStruct((_N, 1), jnp.float32),
        ],
    )(deg0, deg1, x)


def _mid_body(slo_ref, shi_ref, ulo_ref, uhi_ref, dinv_ref, w1_ref, b1_ref,
              w2_ref, olo_ref, ohi_ref):
    dv = dinv_ref[...]
    alo = (slo_ref[...] + ulo_ref[...]) * dv
    ahi = (shi_ref[...] + uhi_ref[...]) * dv
    h = jnp.dot(alo, w1_ref[:_F, :], preferred_element_type=jnp.float32)
    h = h + jnp.dot(ahi, w1_ref[_F:, :], preferred_element_type=jnp.float32)
    h = jnp.maximum(h + b1_ref[...], 0.0)
    g = jnp.dot(h, w2_ref[...], preferred_element_type=jnp.float32)
    olo_ref[...] = g[:, :_F] * dv
    ohi_ref[...] = g[:, _F:] * dv


def _mid_call(slo, shi, ulo, uhi, dinv, W1, b1, W2):
    return pl.pallas_call(
        _mid_body,
        grid=(_GRID,),
        in_specs=[
            pl.BlockSpec((_R, _F), lambda r: (r, 0)),
            pl.BlockSpec((_R, _F), lambda r: (r, 0)),
            pl.BlockSpec((_R, _F), lambda r: (r, 0)),
            pl.BlockSpec((_R, _F), lambda r: (r, 0)),
            pl.BlockSpec((_R, 1), lambda r: (r, 0)),
            pl.BlockSpec((2 * _F, 512), lambda r: (0, 0)),
            pl.BlockSpec((1, 512), lambda r: (0, 0)),
            pl.BlockSpec((512, 2 * _F), lambda r: (0, 0)),
        ],
        out_specs=[
            pl.BlockSpec((_R, _F), lambda r: (r, 0)),
            pl.BlockSpec((_R, _F), lambda r: (r, 0)),
        ],
        out_shape=[
            jax.ShapeDtypeStruct((_N, _F), jnp.float32),
            jax.ShapeDtypeStruct((_N, _F), jnp.float32),
        ],
    )(slo, shi, ulo, uhi, dinv, W1, b1, W2)


def _final_body(slo_ref, shi_ref, ulo_ref, uhi_ref, dinv_ref, b2_ref,
                out_ref):
    dv = dinv_ref[...]
    out_ref[:, :_F] = jax.nn.sigmoid((slo_ref[...] + ulo_ref[...]) * dv
                                     + b2_ref[:, :_F])
    out_ref[:, _F:] = jax.nn.sigmoid((shi_ref[...] + uhi_ref[...]) * dv
                                     + b2_ref[:, _F:])


def _final_call(slo, shi, ulo, uhi, dinv, b2):
    return pl.pallas_call(
        _final_body,
        grid=(_GRID,),
        in_specs=[
            pl.BlockSpec((_R, _F), lambda r: (r, 0)),
            pl.BlockSpec((_R, _F), lambda r: (r, 0)),
            pl.BlockSpec((_R, _F), lambda r: (r, 0)),
            pl.BlockSpec((_R, _F), lambda r: (r, 0)),
            pl.BlockSpec((_R, 1), lambda r: (r, 0)),
            pl.BlockSpec((1, 2 * _F), lambda r: (0, 0)),
        ],
        out_specs=pl.BlockSpec((_R, 2 * _F), lambda r: (r, 0)),
        out_shape=jax.ShapeDtypeStruct((_N, 2 * _F), jnp.float32),
    )(slo, shi, ulo, uhi, dinv, b2)


def kernel(x, edge_index, W1, b1, W2, b2):
    src = edge_index[0].astype(jnp.int32)
    dst = edge_index[1].astype(jnp.int32)
    pad_idx = jnp.arange(_EP - _E, dtype=jnp.int32) % 128
    srcp = jnp.concatenate([src, pad_idx]).reshape(_EROWS, _CH)
    dstp = jnp.concatenate([dst, _N + pad_idx]).reshape(_EROWS, _CH)

    srcp1 = srcp.reshape(_EP)
    dstp1 = dstp.reshape(_EP)

    deg0, deg1 = _deg_kernel(dstp)
    ulo, uhi, dinv = _prep_call(deg0, deg1, x)
    s1lo, s1hi = _scatter_kernel(ulo, uhi, srcp1, dstp1)
    u2lo, u2hi = _mid_call(s1lo, s1hi, ulo, uhi, dinv, W1,
                           b1.reshape(1, -1), W2)
    s2lo, s2hi = _scatter_kernel(u2lo, u2hi, srcp1, dstp1)
    return _final_call(s2lo, s2hi, u2lo, u2hi, dinv, b2.reshape(1, -1))

# --- scband reference (transcript-rebuilt; emitter-appended) ---
"""Pipeline reference for scband-gnnmodel-28114855920357 (READ-ONLY COPY).

The authoritative reference and input builder live on the scoring server;
editing this copy changes nothing except your own understanding.
"""

import jax, jax.numpy as jnp
import numpy as np

N_NODES = 10000
N_EDGES = 160000
D_IN = 256
D_H = 512
D_OUT = 256


def _gcn_conv(x, edge_index, W, b, num_nodes):
    # Faithful GCNConv: add self-loops, symmetric degree normalization,
    # linear transform, scatter-add aggregation, bias.
    src = edge_index[0]
    dst = edge_index[1]
    loop = jnp.arange(num_nodes, dtype=src.dtype)
    src = jnp.concatenate([src, loop], axis=0)
    dst = jnp.concatenate([dst, loop], axis=0)
    deg = jnp.zeros((num_nodes,), dtype=x.dtype).at[dst].add(1.0)
    deg_inv_sqrt = jnp.where(deg > 0, 1.0 / jnp.sqrt(deg), 0.0)
    norm = deg_inv_sqrt[src] * deg_inv_sqrt[dst]
    h = x @ W  # dense transform (compute-heavy)
    msg = h[src] * norm[:, None]  # gather + scale
    out = jax.ops.segment_sum(msg, dst, num_segments=num_nodes)  # scatter-add
    return out + b


def setup_inputs(seed: int = 0) -> dict:
    key = jax.random.key(seed)
    k1, k2, k3, k4, k5, k6 = jax.random.split(key, 6)
    x = jax.random.normal(k1, (N_NODES, D_IN), dtype=jnp.float32)
    edge_index = jax.random.randint(k2, (2, N_EDGES), 0, N_NODES)
    W1 = jax.random.normal(k3, (D_IN, D_H), dtype=jnp.float32) * (1.0 / np.sqrt(D_IN))
    b1 = jnp.zeros((D_H,), dtype=jnp.float32)
    W2 = jax.random.normal(k4, (D_H, D_OUT), dtype=jnp.float32) * (1.0 / np.sqrt(D_H))
    b2 = jnp.zeros((D_OUT,), dtype=jnp.float32)
    return {"x": x, "edge_index": edge_index, "W1": W1, "b1": b1, "W2": W2, "b2": b2}


def reference(x, edge_index, W1, b1, W2, b2):
    h = _gcn_conv(x, edge_index, W1, b1, N_NODES)
    h = jax.nn.relu(h)
    # dropout is identity in eval mode
    h = _gcn_conv(h, edge_index, W2, b2, N_NODES)
    return jax.nn.sigmoid(h)

if __name__ == "__main__":
    import jax
    _d = setup_inputs()
    print(jax.jit(kernel)(*tuple(_d.values())))

</pallas_src>

<mosaic_0001>
#map = affine_map<(d0, d1) -> (0, 0)>
module attributes {stable_mosaic.version = 14 : i64} {
  func.func @_deg_kernel(%arg0: i32, %arg1: i32, %arg2: memref<1280x128xi32, #tpu.memory_space<hbm>>, %arg3: memref<10000x16xf32, #tpu.memory_space<hbm>>, %arg4: memref<10000x16xf32, #tpu.memory_space<hbm>>, %arg5: memref<40x128xi32, #tpu.memory_space<vmem>>, %arg6: memref<128x16xf32, #tpu.memory_space<vmem>>, %arg7: memref<128x16xf32, #tpu.memory_space<vmem>>, %arg8: memref<10128x16xf32, #tpu.memory_space<vmem_shared>>, %arg9: memref<!tpu.dma_semaphore, #tpu.memory_space<semaphore_mem>>) attributes {dimension_semantics = [#tpu.dimension_semantics<core_parallel>, #tpu.dimension_semantics<subcore_parallel>], iteration_bounds = array<i64: 2, 16>, scalar_prefetch = 0 : i64, scratch_operands = 5 : i64, tpu.core_type = #tpu.core_type<sc_vector_subcore>, window_params = [{transform_indices = #map}, {transform_indices = #map}, {transform_indices = #map}]} {
    %mul3A = arith.constant 2 : i32
    %mul3A_0 = arith.muli %arg1, %mul3A : i32
    %add3A = arith.addi %mul3A_0, %arg0 : i32
    %broadcast_in_dim3A = arith.constant 0.000000e+00 : f32
    %broadcast_in_dim3A_1 = vector.broadcast %broadcast_in_dim3A : f32 to vector<16xf32>
    %broadcast_in_dim3A_2 = arith.constant 1.000000e+00 : f32
    %broadcast_in_dim3A_3 = vector.broadcast %broadcast_in_dim3A_2 : f32 to vector<16xf32>
    %scan3A = arith.constant 0 : i32
    %scan3A_4 = arith.constant 0 : i32
    %scan3A_5 = arith.constant 128 : i32
    %scan3A_6 = arith.addi %scan3A_4, %scan3A_5 : i32
    %scan3A_7 = arith.constant 1 : i32
    scf.for %scan3A_48 = %scan3A_4 to %scan3A_6 step %scan3A_7  : i32 {
      %swap3A = arith.index_cast %scan3A_48 : i32 to index
      %swap3A_49 = arith.constant 0 : index
      %swap3A_50 = tpu.vector_load %arg6[%swap3A, %swap3A_49] {strides = array<i32>} : memref<128x16xf32, #tpu.memory_space<vmem>>, vector<1x16xf32>,
      %swap3A_51 = vector.shape_cast %swap3A_50 : vector<1x16xf32> to vector<16xf32>
      %swap3A_52 = vector.shape_cast %broadcast_in_dim3A_3 : vector<16xf32> to vector<1x16xf32>
      tpu.vector_store %arg6[%swap3A, %swap3A_49], %swap3A_52 {strides = array<i32>} : memref<128x16xf32, #tpu.memory_space<vmem>>, vector<1x16xf32>,
      %swap3A_53 = arith.index_cast %scan3A_48 : i32 to index
      %swap3A_54 = arith.constant 0 : index
      %swap3A_55 = tpu.vector_load %arg7[%swap3A_53, %swap3A_54] {strides = array<i32>} : memref<128x16xf32, #tpu.memory_space<vmem>>, vector<1x16xf32>,
      %swap3A_56 = vector.shape_cast %swap3A_55 : vector<1x16xf32> to vector<16xf32>
      %swap3A_57 = vector.shape_cast %broadcast_in_dim3A_1 : vector<16xf32> to vector<1x16xf32>
      tpu.vector_store %arg7[%swap3A_53, %swap3A_54], %swap3A_57 {strides = array<i32>} : memref<128x16xf32, #tpu.memory_space<vmem>>, vector<1x16xf32>,
    }
    %scan3A_8 = arith.constant 128 : i32
    %mul3A_9 = arith.constant 624 : i32
    %mul3A_10 = arith.muli %arg1, %mul3A_9 : i32
    %add3A_11 = arith.constant 0 : i32
    %add3A_12 = arith.addi %mul3A_10, %add3A_11 : i32
    "tpu.region"() ({
      %run_scoped3A = tpu.sem_alloc : memref<!tpu.dma_semaphore, #tpu.memory_space<semaphore_mem>>
      %dma_start3A = arith.constant 0 : i32
      %dma_start3A_48 = tpu.memref_slice %arg8[%add3A_12, %dma_start3A] : memref<10128x16xf32, #tpu.memory_space<vmem_shared>> -> memref<128x16xf32, #tpu.memory_space<vmem_shared>>
      %dma_start3A_49 = arith.constant 0 : i32
      %dma_start3A_50 = tpu.memref_slice %arg8[%add3A_12, %dma_start3A_49] : memref<10128x16xf32, #tpu.memory_space<vmem_shared>> -> memref<128x16xf32, #tpu.memory_space<vmem_shared>>
      tpu.enqueue_dma source(%arg7 : memref<128x16xf32, #tpu.memory_space<vmem>>) target(%dma_start3A_50 : memref<128x16xf32, #tpu.memory_space<vmem_shared>>) target_semaphore(%run_scoped3A : memref<!tpu.dma_semaphore, #tpu.memory_space<semaphore_mem>>)
      %dma_wait3A = arith.constant 0 : i32
      %dma_wait3A_51 = tpu.memref_slice %arg8[%add3A_12, %dma_wait3A] : memref<10128x16xf32, #tpu.memory_space<vmem_shared>> -> memref<128x16xf32, #tpu.memory_space<vmem_shared>>
      %dma_wait3A_52 = arith.constant 0 : i32
      %dma_wait3A_53 = tpu.memref_slice %arg8[%add3A_12, %dma_wait3A_52] : memref<10128x16xf32, #tpu.memory_space<vmem_shared>> -> memref<128x16xf32, #tpu.memory_space<vmem_shared>>
      tpu.wait_dma2 semaphore(%run_scoped3A : memref<!tpu.dma_semaphore, #tpu.memory_space<semaphore_mem>>) src(%arg7 : memref<128x16xf32, #tpu.memory_space<vmem>>) dst(%dma_wait3A_53 : memref<128x16xf32, #tpu.memory_space<vmem_shared>>)
      tpu.yield
    }) : () -> ()
    %add3A_13 = arith.constant 128 : i32
    %add3A_14 = arith.addi %mul3A_10, %add3A_13 : i32
    "tpu.region"() ({
      %run_scoped3A = tpu.sem_alloc : memref<!tpu.dma_semaphore, #tpu.memory_space<semaphore_mem>>
      %dma_start3A = arith.constant 0 : i32
      %dma_start3A_48 = tpu.memref_slice %arg8[%add3A_14, %dma_start3A] : memref<10128x16xf32, #tpu.memory_space<vmem_shared>> -> memref<128x16xf32, #tpu.memory_space<vmem_shared>>
      %dma_start3A_49 = arith.constant 0 : i32
      %dma_start3A_50 = tpu.memref_slice %arg8[%add3A_14, %dma_start3A_49] : memref<10128x16xf32, #tpu.memory_space<vmem_shared>> -> memref<128x16xf32, #tpu.memory_space<vmem_shared>>
      tpu.enqueue_dma source(%arg7 : memref<128x16xf32, #tpu.memory_space<vmem>>) target(%dma_start3A_50 : memref<128x16xf32, #tpu.memory_space<vmem_shared>>) target_semaphore(%run_scoped3A : memref<!tpu.dma_semaphore, #tpu.memory_space<semaphore_mem>>)
      %dma_wait3A = arith.constant 0 : i32
      %dma_wait3A_51 = tpu.memref_slice %arg8[%add3A_14, %dma_wait3A] : memref<10128x16xf32, #tpu.memory_space<vmem_shared>> -> memref<128x16xf32, #tpu.memory_space<vmem_shared>>
      %dma_wait3A_52 = arith.constant 0 : i32
      %dma_wait3A_53 = tpu.memref_slice %arg8[%add3A_14, %dma_wait3A_52] : memref<10128x16xf32, #tpu.memory_space<vmem_shared>> -> memref<128x16xf32, #tpu.memory_space<vmem_shared>>
      tpu.wait_dma2 semaphore(%run_scoped3A : memref<!tpu.dma_semaphore, #tpu.memory_space<semaphore_mem>>) src(%arg7 : memref<128x16xf32, #tpu.memory_space<vmem>>) dst(%dma_wait3A_53 : memref<128x16xf32, #tpu.memory_space<vmem_shared>>)
      tpu.yield
    }) : () -> ()
    %add3A_15 = arith.constant 256 : i32
    %add3A_16 = arith.addi %mul3A_10, %add3A_15 : i32
    "tpu.region"() ({
      %run_scoped3A = tpu.sem_alloc : memref<!tpu.dma_semaphore, #tpu.memory_space<semaphore_mem>>
      %dma_start3A = arith.constant 0 : i32
      %dma_start3A_48 = tpu.memref_slice %arg8[%add3A_16, %dma_start3A] : memref<10128x16xf32, #tpu.memory_space<vmem_shared>> -> memref<128x16xf32, #tpu.memory_space<vmem_shared>>
      %dma_start3A_49 = arith.constant 0 : i32
      %dma_start3A_50 = tpu.memref_slice %arg8[%add3A_16, %dma_start3A_49] : memref<10128x16xf32, #tpu.memory_space<vmem_shared>> -> memref<128x16xf32, #tpu.memory_space<vmem_shared>>
      tpu.enqueue_dma source(%arg7 : memref<128x16xf32, #tpu.memory_space<vmem>>) target(%dma_start3A_50 : memref<128x16xf32, #tpu.memory_space<vmem_shared>>) target_semaphore(%run_scoped3A : memref<!tpu.dma_semaphore, #tpu.memory_space<semaphore_mem>>)
      %dma_wait3A = arith.constant 0 : i32
      %dma_wait3A_51 = tpu.memref_slice %arg8[%add3A_16, %dma_wait3A] : memref<10128x16xf32, #tpu.memory_space<vmem_shared>> -> memref<128x16xf32, #tpu.memory_space<vmem_shared>>
      %dma_wait3A_52 = arith.constant 0 : i32
      %dma_wait3A_53 = tpu.memref_slice %arg8[%add3A_16, %dma_wait3A_52] : memref<10128x16xf32, #tpu.memory_space<vmem_shared>> -> memref<128x16xf32, #tpu.memory_space<vmem_shared>>
      tpu.wait_dma2 semaphore(%run_scoped3A : memref<!tpu.dma_semaphore, #tpu.memory_space<semaphore_mem>>) src(%arg7 : memref<128x16xf32, #tpu.memory_space<vmem>>) dst(%dma_wait3A_53 : memref<128x16xf32, #tpu.memory_space<vmem_shared>>)
      tpu.yield
    }) : () -> ()
    %add3A_17 = arith.constant 384 : i32
    %add3A_18 = arith.addi %mul3A_10, %add3A_17 : i32
    "tpu.region"() ({
      %run_scoped3A = tpu.sem_alloc : memref<!tpu.dma_semaphore, #tpu.memory_space<semaphore_mem>>
      %dma_start3A = arith.constant 0 : i32
      %dma_start3A_48 = tpu.memref_slice %arg8[%add3A_18, %dma_start3A] : memref<10128x16xf32, #tpu.memory_space<vmem_shared>> -> memref<128x16xf32, #tpu.memory_space<vmem_shared>>
      %dma_start3A_49 = arith.constant 0 : i32
      %dma_start3A_50 = tpu.memref_slice %arg8[%add3A_18, %dma_start3A_49] : memref<10128x16xf32, #tpu.memory_space<vmem_shared>> -> memref<128x16xf32, #tpu.memory_space<vmem_shared>>
      tpu.enqueue_dma source(%arg7 : memref<128x16xf32, #tpu.memory_space<vmem>>) target(%dma_start3A_50 : memref<128x16xf32, #tpu.memory_space<vmem_shared>>) target_semaphore(%run_scoped3A : memref<!tpu.dma_semaphore, #tpu.memory_space<semaphore_mem>>)
      %dma_wait3A = arith.constant 0 : i32
      %dma_wait3A_51 = tpu.memref_slice %arg8[%add3A_18, %dma_wait3A] : memref<10128x16xf32, #tpu.memory_space<vmem_shared>> -> memref<128x16xf32, #tpu.memory_space<vmem_shared>>
      %dma_wait3A_52 = arith.constant 0 : i32
      %dma_wait3A_53 = tpu.memref_slice %arg8[%add3A_18, %dma_wait3A_52] : memref<10128x16xf32, #tpu.memory_space<vmem_shared>> -> memref<128x16xf32, #tpu.memory_space<vmem_shared>>
      tpu.wait_dma2 semaphore(%run_scoped3A : memref<!tpu.dma_semaphore, #tpu.memory_space<semaphore_mem>>) src(%arg7 : memref<128x16xf32, #tpu.memory_space<vmem>>) dst(%dma_wait3A_53 : memref<128x16xf32, #tpu.memory_space<vmem_shared>>)
      tpu.yield
    }) : () -> ()
    %add3A_19 = arith.constant 512 : i32
    %add3A_20 = arith.addi %mul3A_10, %add3A_19 : i32
    "tpu.region"() ({
      %run_scoped3A = tpu.sem_alloc : memref<!tpu.dma_semaphore, #tpu.memory_space<semaphore_mem>>
      %dma_start3A = arith.constant 0 : i32
      %dma_start3A_48 = arith.constant 0 : i32
      %dma_start3A_49 = tpu.memref_slice %arg7[%dma_start3A, %dma_start3A_48] : memref<128x16xf32, #tpu.memory_space<vmem>> -> memref<112x16xf32, #tpu.memory_space<vmem>>
      %dma_start3A_50 = arith.constant 0 : i32
      %dma_start3A_51 = tpu.memref_slice %arg8[%add3A_20, %dma_start3A_50] : memref<10128x16xf32, #tpu.memory_space<vmem_shared>> -> memref<112x16xf32, #tpu.memory_space<vmem_shared>>
      %dma_start3A_52 = arith.constant 0 : i32
      %dma_start3A_53 = tpu.memref_slice %arg8[%add3A_20, %dma_start3A_52] : memref<10128x16xf32, #tpu.memory_space<vmem_shared>> -> memref<112x16xf32, #tpu.memory_space<vmem_shared>>
      %dma_start3A_54 = arith.constant 0 : i32
      %dma_start3A_55 = arith.constant 0 : i32
      %dma_start3A_56 = tpu.memref_slice %arg7[%dma_start3A_54, %dma_start3A_55] : memref<128x16xf32, #tpu.memory_space<vmem>> -> memref<112x16xf32, #tpu.memory_space<vmem>>
      tpu.enqueue_dma source(%dma_start3A_56 : memref<112x16xf32, #tpu.memory_space<vmem>>) target(%dma_start3A_53 : memref<112x16xf32, #tpu.memory_space<vmem_shared>>) target_semaphore(%run_scoped3A : memref<!tpu.dma_semaphore, #tpu.memory_space<semaphore_mem>>)
      %dma_wait3A = arith.constant 0 : i32
      %dma_wait3A_57 = arith.constant 0 : i32
      %dma_wait3A_58 = tpu.memref_slice %arg7[%dma_wait3A, %dma_wait3A_57] : memref<128x16xf32, #tpu.memory_space<vmem>> -> memref<112x16xf32, #tpu.memory_space<vmem>>
      %dma_wait3A_59 = arith.constant 0 : i32
      %dma_wait3A_60 = tpu.memref_slice %arg8[%add3A_20, %dma_wait3A_59] : memref<10128x16xf32, #tpu.memory_space<vmem_shared>> -> memref<112x16xf32, #tpu.memory_space<vmem_shared>>
      %dma_wait3A_61 = arith.constant 0 : i32
      %dma_wait3A_62 = tpu.memref_slice %arg8[%add3A_20, %dma_wait3A_61] : memref<10128x16xf32, #tpu.memory_space<vmem_shared>> -> memref<112x16xf32, #tpu.memory_space<vmem_shared>>
      %dma_wait3A_63 = arith.constant 0 : i32
      %dma_wait3A_64 = arith.constant 0 : i32
      %dma_wait3A_65 = tpu.memref_slice %arg7[%dma_wait3A_63, %dma_wait3A_64] : memref<128x16xf32, #tpu.memory_space<vmem>> -> memref<112x16xf32, #tpu.memory_space<vmem>>
      tpu.wait_dma2 semaphore(%run_scoped3A : memref<!tpu.dma_semaphore, #tpu.memory_space<semaphore_mem>>) src(%dma_wait3A_65 : memref<112x16xf32, #tpu.memory_space<vmem>>) dst(%dma_wait3A_62 : memref<112x16xf32, #tpu.memory_space<vmem_shared>>)
      tpu.yield
    }) : () -> ()
    %eq3A = arith.constant 0 : i32
    %eq3A_21 = arith.cmpi eq, %arg1, %eq3A : i32
    %convert_element_type3A = arith.extui %eq3A_21 : i1 to i32
    %cond3A = arith.constant 0 : i32
    %cond3A_22 = arith.cmpi ne, %convert_element_type3A, %cond3A : i32
    scf.if %cond3A_22 {
      "tpu.region"() ({
        %run_scoped3A = tpu.sem_alloc : memref<!tpu.dma_semaphore, #tpu.memory_space<semaphore_mem>>
        %dma_start3A = arith.constant 0 : i32
        %dma_start3A_48 = arith.constant 0 : i32
        %dma_start3A_49 = tpu.memref_slice %arg7[%dma_start3A, %dma_start3A_48] : memref<128x16xf32, #tpu.memory_space<vmem>> -> memref<16x16xf32, #tpu.memory_space<vmem>>
        %dma_start3A_50 = arith.constant 9984 : i32
        %dma_start3A_51 = arith.constant 0 : i32
        %dma_start3A_52 = tpu.memref_slice %arg8[%dma_start3A_50, %dma_start3A_51] : memref<10128x16xf32, #tpu.memory_space<vmem_shared>> -> memref<16x16xf32, #tpu.memory_space<vmem_shared>>
        %dma_start3A_53 = arith.constant 9984 : i32
        %dma_start3A_54 = arith.constant 0 : i32
        %dma_start3A_55 = tpu.memref_slice %arg8[%dma_start3A_53, %dma_start3A_54] : memref<10128x16xf32, #tpu.memory_space<vmem_shared>> -> memref<16x16xf32, #tpu.memory_space<vmem_shared>>
        %dma_start3A_56 = arith.constant 0 : i32
        %dma_start3A_57 = arith.constant 0 : i32
        %dma_start3A_58 = tpu.memref_slice %arg7[%dma_start3A_56, %dma_start3A_57] : memref<128x16xf32, #tpu.memory_space<vmem>> -> memref<16x16xf32, #tpu.memory_space<vmem>>
        tpu.enqueue_dma source(%dma_start3A_58 : memref<16x16xf32, #tpu.memory_space<vmem>>) target(%dma_start3A_55 : memref<16x16xf32, #tpu.memory_space<vmem_shared>>) target_semaphore(%run_scoped3A : memref<!tpu.dma_semaphore, #tpu.memory_space<semaphore_mem>>)
        %dma_wait3A = arith.constant 0 : i32
        %dma_wait3A_59 = arith.constant 0 : i32
        %dma_wait3A_60 = tpu.memref_slice %arg7[%dma_wait3A, %dma_wait3A_59] : memref<128x16xf32, #tpu.memory_space<vmem>> -> memref<16x16xf32, #tpu.memory_space<vmem>>
        %dma_wait3A_61 = arith.constant 9984 : i32
        %dma_wait3A_62 = arith.constant 0 : i32
        %dma_wait3A_63 = tpu.memref_slice %arg8[%dma_wait3A_61, %dma_wait3A_62] : memref<10128x16xf32, #tpu.memory_space<vmem_shared>> -> memref<16x16xf32, #tpu.memory_space<vmem_shared>>
        %dma_wait3A_64 = arith.constant 9984 : i32
        %dma_wait3A_65 = arith.constant 0 : i32
        %dma_wait3A_66 = tpu.memref_slice %arg8[%dma_wait3A_64, %dma_wait3A_65] : memref<10128x16xf32, #tpu.memory_space<vmem_shared>> -> memref<16x16xf32, #tpu.memory_space<vmem_shared>>
        %dma_wait3A_67 = arith.constant 0 : i32
        %dma_wait3A_68 = arith.constant 0 : i32
        %dma_wait3A_69 = tpu.memref_slice %arg7[%dma_wait3A_67, %dma_wait3A_68] : memref<128x16xf32, #tpu.memory_space<vmem>> -> memref<16x16xf32, #tpu.memory_space<vmem>>
        tpu.wait_dma2 semaphore(%run_scoped3A : memref<!tpu.dma_semaphore, #tpu.memory_space<semaphore_mem>>) src(%dma_wait3A_69 : memref<16x16xf32, #tpu.memory_space<vmem>>) dst(%dma_wait3A_66 : memref<16x16xf32, #tpu.memory_space<vmem_shared>>)
        tpu.yield
      }) : () -> ()
    } else {
    }
    %mul3A_23 = arith.constant 40 : i32
    %mul3A_24 = arith.muli %add3A, %mul3A_23 : i32
    "tpu.region"() ({
      %run_scoped3A = tpu.sem_alloc : memref<!tpu.dma_semaphore, #tpu.memory_space<semaphore_mem>>
      %dma_start3A = arith.constant 0 : i32
      %dma_start3A_48 = tpu.memref_slice %arg2[%mul3A_24, %dma_start3A] : memref<1280x128xi32, #tpu.memory_space<hbm>> -> memref<40x128xi32, #tpu.memory_space<hbm>>
      %dma_start3A_49 = arith.constant 0 : i32
      %dma_start3A_50 = tpu.memref_slice %arg2[%mul3A_24, %dma_start3A_49] : memref<1280x128xi32, #tpu.memory_space<hbm>> -> memref<40x128xi32, #tpu.memory_space<hbm>>
      tpu.enqueue_dma source(%dma_start3A_50 : memref<40x128xi32, #tpu.memory_space<hbm>>) target(%arg5 : memref<40x128xi32, #tpu.memory_space<vmem>>) target_semaphore(%run_scoped3A : memref<!tpu.dma_semaphore, #tpu.memory_space<semaphore_mem>>)
      %dma_wait3A = arith.constant 0 : i32
      %dma_wait3A_51 = tpu.memref_slice %arg2[%mul3A_24, %dma_wait3A] : memref<1280x128xi32, #tpu.memory_space<hbm>> -> memref<40x128xi32, #tpu.memory_space<hbm>>
      %dma_wait3A_52 = arith.constant 0 : i32
      %dma_wait3A_53 = tpu.memref_slice %arg2[%mul3A_24, %dma_wait3A_52] : memref<1280x128xi32, #tpu.memory_space<hbm>> -> memref<40x128xi32, #tpu.memory_space<hbm>>
      tpu.wait_dma2 semaphore(%run_scoped3A : memref<!tpu.dma_semaphore, #tpu.memory_space<semaphore_mem>>) src(%dma_wait3A_53 : memref<40x128xi32, #tpu.memory_space<hbm>>) dst(%arg5 : memref<40x128xi32, #tpu.memory_space<vmem>>)
      tpu.yield
    }) : () -> ()
    %barrier3A = arith.constant 0 : index
    tpu.barrier barrier_id(%barrier3A)
    %scan3A_25 = arith.constant 0 : i32
    %scan3A_26 = arith.constant 0 : i32
    %scan3A_27 = arith.constant 40 : i32
    %scan3A_28 = arith.addi %scan3A_26, %scan3A_27 : i32
    %scan3A_29 = arith.constant 1 : i32
    scf.for %scan3A_48 = %scan3A_26 to %scan3A_28 step %scan3A_29  : i32 {
      %dma_start3A = arith.constant 0 : i32
      %dma_start3A_49 = tpu.memref_slice %arg5[%scan3A_48, %dma_start3A] : memref<40x128xi32, #tpu.memory_space<vmem>> -> memref<1x128xi32, #tpu.memory_space<vmem>>
      %dma_start3A_50 = tpu.memref_squeeze %dma_start3A_49 : memref<1x128xi32, #tpu.memory_space<vmem>> -> memref<128xi32, #tpu.memory_space<vmem>>
      %dma_start3A_51 = arith.constant 0 : i32
      %dma_start3A_52 = arith.constant 0 : i32
      %dma_start3A_53 = tpu.memref_slice %arg8[%dma_start3A_51, %dma_start3A_52] : memref<10128x16xf32, #tpu.memory_space<vmem_shared>> -> memref<10128x16xf32, #tpu.memory_space<vmem_shared>>
      tpu.enqueue_indirect_dma source(%arg6 : memref<128x16xf32, #tpu.memory_space<vmem>>) target(%dma_start3A_53 : memref<10128x16xf32, #tpu.memory_space<vmem_shared>>) offsets(%dma_start3A_50 : memref<128xi32, #tpu.memory_space<vmem>>) semaphore(%arg9 : memref<!tpu.dma_semaphore, #tpu.memory_space<semaphore_mem>>) {add = true}
    }
    %scan3A_30 = arith.constant 40 : i32
    %scan3A_31 = arith.constant 0 : i32
    %scan3A_32 = arith.constant 0 : i32
    %scan3A_33 = arith.constant 40 : i32
    %scan3A_34 = arith.addi %scan3A_32, %scan3A_33 : i32
    %scan3A_35 = arith.constant 1 : i32
    scf.for %scan3A_48 = %scan3A_32 to %scan3A_34 step %scan3A_35  : i32 {
      %dma_wait3A = arith.constant 0 : i32
      %dma_wait3A_49 = tpu.memref_slice %arg5[%scan3A_48, %dma_wait3A] : memref<40x128xi32, #tpu.memory_space<vmem>> -> memref<1x128xi32, #tpu.memory_space<vmem>>
      %dma_wait3A_50 = tpu.memref_squeeze %dma_wait3A_49 : memref<1x128xi32, #tpu.memory_space<vmem>> -> memref<128xi32, #tpu.memory_space<vmem>>
      %dma_wait3A_51 = arith.constant 0 : i32
      %dma_wait3A_52 = arith.constant 0 : i32
      %dma_wait3A_53 = tpu.memref_slice %arg8[%dma_wait3A_51, %dma_wait3A_52] : memref<10128x16xf32, #tpu.memory_space<vmem_shared>> -> memref<10128x16xf32, #tpu.memory_space<vmem_shared>>
      tpu.wait_indirect_dma semaphore(%arg9 : memref<!tpu.dma_semaphore, #tpu.memory_space<semaphore_mem>>) src(%arg6 : memref<128x16xf32, #tpu.memory_space<vmem>>) dst(%dma_wait3A_53 : memref<10128x16xf32, #tpu.memory_space<vmem_shared>>)
    }
    %scan3A_36 = arith.constant 40 : i32
    %barrier3A_37 = arith.constant 0 : index
    tpu.barrier barrier_id(%barrier3A_37)
    %eq3A_38 = arith.constant 0 : i32
    %eq3A_39 = arith.cmpi eq, %arg0, %eq3A_38 : i32
    %convert_element_type3A_40 = arith.extui %eq3A_39 : i1 to i32
    %cond3A_41 = arith.constant 0 : i32
    %cond3A_42 = arith.cmpi ne, %convert_element_type3A_40, %cond3A_41 : i32
    scf.if %cond3A_42 {
      "tpu.region"() ({
        %run_scoped3A = tpu.sem_alloc : memref<!tpu.dma_semaphore, #tpu.memory_space<semaphore_mem>>
        %dma_start3A = arith.constant 0 : i32
        %dma_start3A_53 = tpu.memref_slice %arg3[%mul3A_10, %dma_start3A] : memref<10000x16xf32, #tpu.memory_space<hbm>> -> memref<624x16xf32, #tpu.memory_space<hbm>>
        %dma_start3A_54 = arith.constant 0 : i32
        %dma_start3A_55 = tpu.memref_slice %arg8[%mul3A_10, %dma_start3A_54] : memref<10128x16xf32, #tpu.memory_space<vmem_shared>> -> memref<624x16xf32, #tpu.memory_space<vmem_shared>>
        tpu.enqueue_dma source(%dma_start3A_55 : memref<624x16xf32, #tpu.memory_space<vmem_shared>>) target(%dma_start3A_53 : memref<624x16xf32, #tpu.memory_space<hbm>>) target_semaphore(%run_scoped3A : memref<!tpu.dma_semaphore, #tpu.memory_space<semaphore_mem>>)
        %dma_wait3A = arith.constant 0 : i32
        %dma_wait3A_56 = tpu.memref_slice %arg3[%mul3A_10, %dma_wait3A] : memref<10000x16xf32, #tpu.memory_space<hbm>> -> memref<624x16xf32, #tpu.memory_space<hbm>>
        %dma_wait3A_57 = arith.constant 0 : i32
        %dma_wait3A_58 = tpu.memref_slice %arg8[%mul3A_10, %dma_wait3A_57] : memref<10128x16xf32, #tpu.memory_space<vmem_shared>> -> memref<624x16xf32, #tpu.memory_space<vmem_shared>>
        tpu.wait_dma2 semaphore(%run_scoped3A : memref<!tpu.dma_semaphore, #tpu.memory_space<semaphore_mem>>) src(%dma_wait3A_58 : memref<624x16xf32, #tpu.memory_space<vmem_shared>>) dst(%dma_wait3A_56 : memref<624x16xf32, #tpu.memory_space<hbm>>)
        tpu.yield
      }) : () -> ()
      %eq3A_48 = arith.constant 0 : i32
      %eq3A_49 = arith.cmpi eq, %arg1, %eq3A_48 : i32
      %convert_element_type3A_50 = arith.extui %eq3A_49 : i1 to i32
      %cond3A_51 = arith.constant 0 : i32
      %cond3A_52 = arith.cmpi ne, %convert_element_type3A_50, %cond3A_51 : i32
      scf.if %cond3A_52 {
        "tpu.region"() ({
          %run_scoped3A = tpu.sem_alloc : memref<!tpu.dma_semaphore, #tpu.memory_space<semaphore_mem>>
          %dma_start3A = arith.constant 9984 : i32
          %dma_start3A_53 = arith.constant 0 : i32
          %dma_start3A_54 = tpu.memref_slice %arg3[%dma_start3A, %dma_start3A_53] : memref<10000x16xf32, #tpu.memory_space<hbm>> -> memref<16x16xf32, #tpu.memory_space<hbm>>
          %dma_start3A_55 = arith.constant 9984 : i32
          %dma_start3A_56 = arith.constant 0 : i32
          %dma_start3A_57 = tpu.memref_slice %arg8[%dma_start3A_55, %dma_start3A_56] : memref<10128x16xf32, #tpu.memory_space<vmem_shared>> -> memref<16x16xf32, #tpu.memory_space<vmem_shared>>
          tpu.enqueue_dma source(%dma_start3A_57 : memref<16x16xf32, #tpu.memory_space<vmem_shared>>) target(%dma_start3A_54 : memref<16x16xf32, #tpu.memory_space<hbm>>) target_semaphore(%run_scoped3A : memref<!tpu.dma_semaphore, #tpu.memory_space<semaphore_mem>>)
          %dma_wait3A = arith.constant 9984 : i32
          %dma_wait3A_58 = arith.constant 0 : i32
          %dma_wait3A_59 = tpu.memref_slice %arg3[%dma_wait3A, %dma_wait3A_58] : memref<10000x16xf32, #tpu.memory_space<hbm>> -> memref<16x16xf32, #tpu.memory_space<hbm>>
          %dma_wait3A_60 = arith.constant 9984 : i32
          %dma_wait3A_61 = arith.constant 0 : i32
          %dma_wait3A_62 = tpu.memref_slice %arg8[%dma_wait3A_60, %dma_wait3A_61] : memref<10128x16xf32, #tpu.memory_space<vmem_shared>> -> memref<16x16xf32, #tpu.memory_space<vmem_shared>>
          tpu.wait_dma2 semaphore(%run_scoped3A : memref<!tpu.dma_semaphore, #tpu.memory_space<semaphore_mem>>) src(%dma_wait3A_62 : memref<16x16xf32, #tpu.memory_space<vmem_shared>>) dst(%dma_wait3A_59 : memref<16x16xf32, #tpu.memory_space<hbm>>)
          tpu.yield
        }) : () -> ()
      } else {
      }
    } else {
    }
    %eq3A_43 = arith.constant 1 : i32
    %eq3A_44 = arith.cmpi eq, %arg0, %eq3A_43 : i32
    %convert_element_type3A_45 = arith.extui %eq3A_44 : i1 to i32
    %cond3A_46 = arith.constant 0 : i32
    %cond3A_47 = arith.cmpi ne, %convert_element_type3A_45, %cond3A_46 : i32
    scf.if %cond3A_47 {
      "tpu.region"() ({
        %run_scoped3A = tpu.sem_alloc : memref<!tpu.dma_semaphore, #tpu.memory_space<semaphore_mem>>
        %dma_start3A = arith.constant 0 : i32
        %dma_start3A_53 = tpu.memref_slice %arg4[%mul3A_10, %dma_start3A] : memref<10000x16xf32, #tpu.memory_space<hbm>> -> memref<624x16xf32, #tpu.memory_space<hbm>>
        %dma_start3A_54 = arith.constant 0 : i32
        %dma_start3A_55 = tpu.memref_slice %arg8[%mul3A_10, %dma_start3A_54] : memref<10128x16xf32, #tpu.memory_space<vmem_shared>> -> memref<624x16xf32, #tpu.memory_space<vmem_shared>>
        tpu.enqueue_dma source(%dma_start3A_55 : memref<624x16xf32, #tpu.memory_space<vmem_shared>>) target(%dma_start3A_53 : memref<624x16xf32, #tpu.memory_space<hbm>>) target_semaphore(%run_scoped3A : memref<!tpu.dma_semaphore, #tpu.memory_space<semaphore_mem>>)
        %dma_wait3A = arith.constant 0 : i32
        %dma_wait3A_56 = tpu.memref_slice %arg4[%mul3A_10, %dma_wait3A] : memref<10000x16xf32, #tpu.memory_space<hbm>> -> memref<624x16xf32, #tpu.memory_space<hbm>>
        %dma_wait3A_57 = arith.constant 0 : i32
        %dma_wait3A_58 = tpu.memref_slice %arg8[%mul3A_10, %dma_wait3A_57] : memref<10128x16xf32, #tpu.memory_space<vmem_shared>> -> memref<624x16xf32, #tpu.memory_space<vmem_shared>>
        tpu.wait_dma2 semaphore(%run_scoped3A : memref<!tpu.dma_semaphore, #tpu.memory_space<semaphore_mem>>) src(%dma_wait3A_58 : memref<624x16xf32, #tpu.memory_space<vmem_shared>>) dst(%dma_wait3A_56 : memref<624x16xf32, #tpu.memory_space<hbm>>)
        tpu.yield
      }) : () -> ()
      %eq3A_48 = arith.constant 0 : i32
      %eq3A_49 = arith.cmpi eq, %arg1, %eq3A_48 : i32
      %convert_element_type3A_50 = arith.extui %eq3A_49 : i1 to i32
      %cond3A_51 = arith.constant 0 : i32
      %cond3A_52 = arith.cmpi ne, %convert_element_type3A_50, %cond3A_51 : i32
      scf.if %cond3A_52 {
        "tpu.region"() ({
          %run_scoped3A = tpu.sem_alloc : memref<!tpu.dma_semaphore, #tpu.memory_space<semaphore_mem>>
          %dma_start3A = arith.constant 9984 : i32
          %dma_start3A_53 = arith.constant 0 : i32
          %dma_start3A_54 = tpu.memref_slice %arg4[%dma_start3A, %dma_start3A_53] : memref<10000x16xf32, #tpu.memory_space<hbm>> -> memref<16x16xf32, #tpu.memory_space<hbm>>
          %dma_start3A_55 = arith.constant 9984 : i32
          %dma_start3A_56 = arith.constant 0 : i32
          %dma_start3A_57 = tpu.memref_slice %arg8[%dma_start3A_55, %dma_start3A_56] : memref<10128x16xf32, #tpu.memory_space<vmem_shared>> -> memref<16x16xf32, #tpu.memory_space<vmem_shared>>
          tpu.enqueue_dma source(%dma_start3A_57 : memref<16x16xf32, #tpu.memory_space<vmem_shared>>) target(%dma_start3A_54 : memref<16x16xf32, #tpu.memory_space<hbm>>) target_semaphore(%run_scoped3A : memref<!tpu.dma_semaphore, #tpu.memory_space<semaphore_mem>>)
          %dma_wait3A = arith.constant 9984 : i32
          %dma_wait3A_58 = arith.constant 0 : i32
          %dma_wait3A_59 = tpu.memref_slice %arg4[%dma_wait3A, %dma_wait3A_58] : memref<10000x16xf32, #tpu.memory_space<hbm>> -> memref<16x16xf32, #tpu.memory_space<hbm>>
          %dma_wait3A_60 = arith.constant 9984 : i32
          %dma_wait3A_61 = arith.constant 0 : i32
          %dma_wait3A_62 = tpu.memref_slice %arg8[%dma_wait3A_60, %dma_wait3A_61] : memref<10128x16xf32, #tpu.memory_space<vmem_shared>> -> memref<16x16xf32, #tpu.memory_space<vmem_shared>>
          tpu.wait_dma2 semaphore(%run_scoped3A : memref<!tpu.dma_semaphore, #tpu.memory_space<semaphore_mem>>) src(%dma_wait3A_62 : memref<16x16xf32, #tpu.memory_space<vmem_shared>>) dst(%dma_wait3A_59 : memref<16x16xf32, #tpu.memory_space<hbm>>)
          tpu.yield
        }) : () -> ()
      } else {
      }
    } else {
    }
    return
  }
}

#map = affine_map<(d0, d1) -> (0, 0)>
#map1 = affine_map<(d0, d1) -> (0)>
module attributes {stable_mosaic.version = 14 : i64} {
  func.func @_scatter_kernel(%arg0: i32, %arg1: i32, %arg2: memref<10000x128xf32, #tpu.memory_space<hbm>>, %arg3: memref<10000x128xf32, #tpu.memory_space<hbm>>, %arg4: memref<163840xi32, #tpu.memory_space<hbm>>, %arg5: memref<163840xi32, #tpu.memory_space<hbm>>, %arg6: memref<10000x128xf32, #tpu.memory_space<hbm>>, %arg7: memref<10000x128xf32, #tpu.memory_space<hbm>>, %arg8: memref<128xi32, #tpu.memory_space<vmem>>, %arg9: memref<128xi32, #tpu.memory_space<vmem>>, %arg10: memref<128xi32, #tpu.memory_space<vmem>>, %arg11: memref<128xi32, #tpu.memory_space<vmem>>, %arg12: memref<128xi32, #tpu.memory_space<vmem>>, %arg13: memref<128xi32, #tpu.memory_space<vmem>>, %arg14: memref<128xi32, #tpu.memory_space<vmem>>, %arg15: memref<128xi32, #tpu.memory_space<vmem>>, %arg16: memref<128x128xf32, #tpu.memory_space<vmem>>, %arg17: memref<128x128xf32, #tpu.memory_space<vmem>>, %arg18: memref<10128x128xf32, #tpu.memory_space<vmem_shared>>, %arg19: memref<!tpu.dma_semaphore, #tpu.memory_space<semaphore_mem>>, %arg20: memref<!tpu.dma_semaphore, #tpu.memory_space<semaphore_mem>>, %arg21: memref<!tpu.dma_semaphore, #tpu.memory_space<semaphore_mem>>, %arg22: memref<!tpu.dma_semaphore, #tpu.memory_space<semaphore_mem>>, %arg23: memref<!tpu.dma_semaphore, #tpu.memory_space<semaphore_mem>>, %arg24: memref<!tpu.dma_semaphore, #tpu.memory_space<semaphore_mem>>) attributes {dimension_semantics = [#tpu.dimension_semantics<core_parallel>, #tpu.dimension_semantics<subcore_parallel>], iteration_bounds = array<i64: 2, 16>, scalar_prefetch = 0 : i64, scratch_operands = 17 : i64, tpu.core_type = #tpu.core_type<sc_vector_subcore>, window_params = [{transform_indices = #map}, {transform_indices = #map}, {transform_indices = #map1}, {transform_indices = #map1}, {transform_indices = #map}, {transform_indices = #map}]} {
    %mul3A = arith.constant 80 : i32
    %mul3A_0 = arith.muli %arg1, %mul3A : i32
    %broadcast_in_dim3A = arith.constant 0.000000e+00 : f32
    %broadcast_in_dim3A_1 = vector.broadcast %broadcast_in_dim3A : f32 to vector<16xf32>
    %scan3A = arith.constant 0 : i32
    %scan3A_2 = arith.constant 0 : i32
    %scan3A_3 = arith.constant 128 : i32
    %scan3A_4 = arith.addi %scan3A_2, %scan3A_3 : i32
    %scan3A_5 = arith.constant 1 : i32
    scf.for %scan3A_69 = %scan3A_2 to %scan3A_4 step %scan3A_5  : i32 {
      %swap3A = arith.index_cast %scan3A_69 : i32 to index
      %swap3A_70 = arith.constant 0 : index
      %swap3A_71 = tpu.vector_load %arg16[%swap3A, %swap3A_70] {strides = array<i32>} : memref<128x128xf32, #tpu.memory_space<vmem>>, vector<1x16xf32>,
      %swap3A_72 = vector.shape_cast %swap3A_71 : vector<1x16xf32> to vector<16xf32>
      %swap3A_73 = vector.shape_cast %broadcast_in_dim3A_1 : vector<16xf32> to vector<1x16xf32>
      tpu.vector_store %arg16[%swap3A, %swap3A_70], %swap3A_73 {strides = array<i32>} : memref<128x128xf32, #tpu.memory_space<vmem>>, vector<1x16xf32>,
      %swap3A_74 = arith.index_cast %scan3A_69 : i32 to index
      %swap3A_75 = arith.constant 16 : index
      %swap3A_76 = tpu.vector_load %arg16[%swap3A_74, %swap3A_75] {strides = array<i32>} : memref<128x128xf32, #tpu.memory_space<vmem>>, vector<1x16xf32>,
      %swap3A_77 = vector.shape_cast %swap3A_76 : vector<1x16xf32> to vector<16xf32>
      %swap3A_78 = vector.shape_cast %broadcast_in_dim3A_1 : vector<16xf32> to vector<1x16xf32>
      tpu.vector_store %arg16[%swap3A_74, %swap3A_75], %swap3A_78 {strides = array<i32>} : memref<128x128xf32, #tpu.memory_space<vmem>>, vector<1x16xf32>,
      %swap3A_79 = arith.index_cast %scan3A_69 : i32 to index
      %swap3A_80 = arith.constant 32 : index
      %swap3A_81 = tpu.vector_load %arg16[%swap3A_79, %swap3A_80] {strides = array<i32>} : memref<128x128xf32, #tpu.memory_space<vmem>>, vector<1x16xf32>,
      %swap3A_82 = vector.shape_cast %swap3A_81 : vector<1x16xf32> to vector<16xf32>
      %swap3A_83 = vector.shape_cast %broadcast_in_dim3A_1 : vector<16xf32> to vector<1x16xf32>
      tpu.vector_store %arg16[%swap3A_79, %swap3A_80], %swap3A_83 {strides = array<i32>} : memref<128x128xf32, #tpu.memory_space<vmem>>, vector<1x16xf32>,
      %swap3A_84 = arith.index_cast %scan3A_69 : i32 to index
      %swap3A_85 = arith.constant 48 : index
      %swap3A_86 = tpu.vector_load %arg16[%swap3A_84, %swap3A_85] {strides = array<i32>} : memref<128x128xf32, #tpu.memory_space<vmem>>, vector<1x16xf32>,
      %swap3A_87 = vector.shape_cast %swap3A_86 : vector<1x16xf32> to vector<16xf32>
      %swap3A_88 = vector.shape_cast %broadcast_in_dim3A_1 : vector<16xf32> to vector<1x16xf32>
      tpu.vector_store %arg16[%swap3A_84, %swap3A_85], %swap3A_88 {strides = array<i32>} : memref<128x128xf32, #tpu.memory_space<vmem>>, vector<1x16xf32>,
      %swap3A_89 = arith.index_cast %scan3A_69 : i32 to index
      %swap3A_90 = arith.constant 64 : index
      %swap3A_91 = tpu.vector_load %arg16[%swap3A_89, %swap3A_90] {strides = array<i32>} : memref<128x128xf32, #tpu.memory_space<vmem>>, vector<1x16xf32>,
      %swap3A_92 = vector.shape_cast %swap3A_91 : vector<1x16xf32> to vector<16xf32>
      %swap3A_93 = vector.shape_cast %broadcast_in_dim3A_1 : vector<16xf32> to vector<1x16xf32>
      tpu.vector_store %arg16[%swap3A_89, %swap3A_90], %swap3A_93 {strides = array<i32>} : memref<128x128xf32, #tpu.memory_space<vmem>>, vector<1x16xf32>,
      %swap3A_94 = arith.index_cast %scan3A_69 : i32 to index
      %swap3A_95 = arith.constant 80 : index
      %swap3A_96 = tpu.vector_load %arg16[%swap3A_94, %swap3A_95] {strides = array<i32>} : memref<128x128xf32, #tpu.memory_space<vmem>>, vector<1x16xf32>,
      %swap3A_97 = vector.shape_cast %swap3A_96 : vector<1x16xf32> to vector<16xf32>
      %swap3A_98 = vector.shape_cast %broadcast_in_dim3A_1 : vector<16xf32> to vector<1x16xf32>
      tpu.vector_store %arg16[%swap3A_94, %swap3A_95], %swap3A_98 {strides = array<i32>} : memref<128x128xf32, #tpu.memory_space<vmem>>, vector<1x16xf32>,
      %swap3A_99 = arith.index_cast %scan3A_69 : i32 to index
      %swap3A_100 = arith.constant 96 : index
      %swap3A_101 = tpu.vector_load %arg16[%swap3A_99, %swap3A_100] {strides = array<i32>} : memref<128x128xf32, #tpu.memory_space<vmem>>, vector<1x16xf32>,
      %swap3A_102 = vector.shape_cast %swap3A_101 : vector<1x16xf32> to vector<16xf32>
      %swap3A_103 = vector.shape_cast %broadcast_in_dim3A_1 : vector<16xf32> to vector<1x16xf32>
      tpu.vector_store %arg16[%swap3A_99, %swap3A_100], %swap3A_103 {strides = array<i32>} : memref<128x128xf32, #tpu.memory_space<vmem>>, vector<1x16xf32>,
      %swap3A_104 = arith.index_cast %scan3A_69 : i32 to index
      %swap3A_105 = arith.constant 112 : index
      %swap3A_106 = tpu.vector_load %arg16[%swap3A_104, %swap3A_105] {strides = array<i32>} : memref<128x128xf32, #tpu.memory_space<vmem>>, vector<1x16xf32>,
      %swap3A_107 = vector.shape_cast %swap3A_106 : vector<1x16xf32> to vector<16xf32>
      %swap3A_108 = vector.shape_cast %broadcast_in_dim3A_1 : vector<16xf32> to vector<1x16xf32>
      tpu.vector_store %arg16[%swap3A_104, %swap3A_105], %swap3A_108 {strides = array<i32>} : memref<128x128xf32, #tpu.memory_space<vmem>>, vector<1x16xf32>,
    }
    %scan3A_6 = arith.constant 128 : i32
    %mul3A_7 = arith.constant 624 : i32
    %mul3A_8 = arith.muli %arg1, %mul3A_7 : i32
    %add3A = arith.constant 0 : i32
    %add3A_9 = arith.addi %mul3A_8, %add3A : i32
    "tpu.region"() ({
      %run_scoped3A = tpu.sem_alloc : memref<!tpu.dma_semaphore, #tpu.memory_space<semaphore_mem>>
      %dma_start3A_69 = arith.constant 0 : i32
      %dma_start3A_70 = tpu.memref_slice %arg18[%add3A_9, %dma_start3A_69] : memref<10128x128xf32, #tpu.memory_space<vmem_shared>> -> memref<128x128xf32, #tpu.memory_space<vmem_shared>>
      %dma_start3A_71 = arith.constant 0 : i32
      %dma_start3A_72 = tpu.memref_slice %arg18[%add3A_9, %dma_start3A_71] : memref<10128x128xf32, #tpu.memory_space<vmem_shared>> -> memref<128x128xf32, #tpu.memory_space<vmem_shared>>
      tpu.enqueue_dma source(%arg16 : memref<128x128xf32, #tpu.memory_space<vmem>>) target(%dma_start3A_72 : memref<128x128xf32, #tpu.memory_space<vmem_shared>>) target_semaphore(%run_scoped3A : memref<!tpu.dma_semaphore, #tpu.memory_space<semaphore_mem>>)
      %dma_wait3A_73 = arith.constant 0 : i32
      %dma_wait3A_74 = tpu.memref_slice %arg18[%add3A_9, %dma_wait3A_73] : memref<10128x128xf32, #tpu.memory_space<vmem_shared>> -> memref<128x128xf32, #tpu.memory_space<vmem_shared>>
      %dma_wait3A_75 = arith.constant 0 : i32
      %dma_wait3A_76 = tpu.memref_slice %arg18[%add3A_9, %dma_wait3A_75] : memref<10128x128xf32, #tpu.memory_space<vmem_shared>> -> memref<128x128xf32, #tpu.memory_space<vmem_shared>>
      tpu.wait_dma2 semaphore(%run_scoped3A : memref<!tpu.dma_semaphore, #tpu.memory_space<semaphore_mem>>) src(%arg16 : memref<128x128xf32, #tpu.memory_space<vmem>>) dst(%dma_wait3A_76 : memref<128x128xf32, #tpu.memory_space<vmem_shared>>)
      tpu.yield
    }) : () -> ()
    %add3A_10 = arith.constant 128 : i32
    %add3A_11 = arith.addi %mul3A_8, %add3A_10 : i32
    "tpu.region"() ({
      %run_scoped3A = tpu.sem_alloc : memref<!tpu.dma_semaphore, #tpu.memory_space<semaphore_mem>>
      %dma_start3A_69 = arith.constant 0 : i32
      %dma_start3A_70 = tpu.memref_slice %arg18[%add3A_11, %dma_start3A_69] : memref<10128x128xf32, #tpu.memory_space<vmem_shared>> -> memref<128x128xf32, #tpu.memory_space<vmem_shared>>
      %dma_start3A_71 = arith.constant 0 : i32
      %dma_start3A_72 = tpu.memref_slice %arg18[%add3A_11, %dma_start3A_71] : memref<10128x128xf32, #tpu.memory_space<vmem_shared>> -> memref<128x128xf32, #tpu.memory_space<vmem_shared>>
      tpu.enqueue_dma source(%arg16 : memref<128x128xf32, #tpu.memory_space<vmem>>) target(%dma_start3A_72 : memref<128x128xf32, #tpu.memory_space<vmem_shared>>) target_semaphore(%run_scoped3A : memref<!tpu.dma_semaphore, #tpu.memory_space<semaphore_mem>>)
      %dma_wait3A_73 = arith.constant 0 : i32
      %dma_wait3A_74 = tpu.memref_slice %arg18[%add3A_11, %dma_wait3A_73] : memref<10128x128xf32, #tpu.memory_space<vmem_shared>> -> memref<128x128xf32, #tpu.memory_space<vmem_shared>>
      %dma_wait3A_75 = arith.constant 0 : i32
      %dma_wait3A_76 = tpu.memref_slice %arg18[%add3A_11, %dma_wait3A_75] : memref<10128x128xf32, #tpu.memory_space<vmem_shared>> -> memref<128x128xf32, #tpu.memory_space<vmem_shared>>
      tpu.wait_dma2 semaphore(%run_scoped3A : memref<!tpu.dma_semaphore, #tpu.memory_space<semaphore_mem>>) src(%arg16 : memref<128x128xf32, #tpu.memory_space<vmem>>) dst(%dma_wait3A_76 : memref<128x128xf32, #tpu.memory_space<vmem_shared>>)
      tpu.yield
    }) : () -> ()
    %add3A_12 = arith.constant 256 : i32
    %add3A_13 = arith.addi %mul3A_8, %add3A_12 : i32
    "tpu.region"() ({
      %run_scoped3A = tpu.sem_alloc : memref<!tpu.dma_semaphore, #tpu.memory_space<semaphore_mem>>
      %dma_start3A_69 = arith.constant 0 : i32
      %dma_start3A_70 = tpu.memref_slice %arg18[%add3A_13, %dma_start3A_69] : memref<10128x128xf32, #tpu.memory_space<vmem_shared>> -> memref<128x128xf32, #tpu.memory_space<vmem_shared>>
      %dma_start3A_71 = arith.constant 0 : i32
      %dma_start3A_72 = tpu.memref_slice %arg18[%add3A_13, %dma_start3A_71] : memref<10128x128xf32, #tpu.memory_space<vmem_shared>> -> memref<128x128xf32, #tpu.memory_space<vmem_shared>>
      tpu.enqueue_dma source(%arg16 : memref<128x128xf32, #tpu.memory_space<vmem>>) target(%dma_start3A_72 : memref<128x128xf32, #tpu.memory_space<vmem_shared>>) target_semaphore(%run_scoped3A : memref<!tpu.dma_semaphore, #tpu.memory_space<semaphore_mem>>)
      %dma_wait3A_73 = arith.constant 0 : i32
      %dma_wait3A_74 = tpu.memref_slice %arg18[%add3A_13, %dma_wait3A_73] : memref<10128x128xf32, #tpu.memory_space<vmem_shared>> -> memref<128x128xf32, #tpu.memory_space<vmem_shared>>
      %dma_wait3A_75 = arith.constant 0 : i32
      %dma_wait3A_76 = tpu.memref_slice %arg18[%add3A_13, %dma_wait3A_75] : memref<10128x128xf32, #tpu.memory_space<vmem_shared>> -> memref<128x128xf32, #tpu.memory_space<vmem_shared>>
      tpu.wait_dma2 semaphore(%run_scoped3A : memref<!tpu.dma_semaphore, #tpu.memory_space<semaphore_mem>>) src(%arg16 : memref<128x128xf32, #tpu.memory_space<vmem>>) dst(%dma_wait3A_76 : memref<128x128xf32, #tpu.memory_space<vmem_shared>>)
      tpu.yield
    }) : () -> ()
    %add3A_14 = arith.constant 384 : i32
    %add3A_15 = arith.addi %mul3A_8, %add3A_14 : i32
    "tpu.region"() ({
      %run_scoped3A = tpu.sem_alloc : memref<!tpu.dma_semaphore, #tpu.memory_space<semaphore_mem>>
      %dma_start3A_69 = arith.constant 0 : i32
      %dma_start3A_70 = tpu.memref_slice %arg18[%add3A_15, %dma_start3A_69] : memref<10128x128xf32, #tpu.memory_space<vmem_shared>> -> memref<128x128xf32, #tpu.memory_space<vmem_shared>>
      %dma_start3A_71 = arith.constant 0 : i32
      %dma_start3A_72 = tpu.memref_slice %arg18[%add3A_15, %dma_start3A_71] : memref<10128x128xf32, #tpu.memory_space<vmem_shared>> -> memref<128x128xf32, #tpu.memory_space<vmem_shared>>
      tpu.enqueue_dma source(%arg16 : memref<128x128xf32, #tpu.memory_space<vmem>>) target(%dma_start3A_72 : memref<128x128xf32, #tpu.memory_space<vmem_shared>>) target_semaphore(%run_scoped3A : memref<!tpu.dma_semaphore, #tpu.memory_space<semaphore_mem>>)
      %dma_wait3A_73 = arith.constant 0 : i32
      %dma_wait3A_74 = tpu.memref_slice %arg18[%add3A_15, %dma_wait3A_73] : memref<10128x128xf32, #tpu.memory_space<vmem_shared>> -> memref<128x128xf32, #tpu.memory_space<vmem_shared>>
      %dma_wait3A_75 = arith.constant 0 : i32
      %dma_wait3A_76 = tpu.memref_slice %arg18[%add3A_15, %dma_wait3A_75] : memref<10128x128xf32, #tpu.memory_space<vmem_shared>> -> memref<128x128xf32, #tpu.memory_space<vmem_shared>>
      tpu.wait_dma2 semaphore(%run_scoped3A : memref<!tpu.dma_semaphore, #tpu.memory_space<semaphore_mem>>) src(%arg16 : memref<128x128xf32, #tpu.memory_space<vmem>>) dst(%dma_wait3A_76 : memref<128x128xf32, #tpu.memory_space<vmem_shared>>)
      tpu.yield
    }) : () -> ()
    %add3A_16 = arith.constant 512 : i32
    %add3A_17 = arith.addi %mul3A_8, %add3A_16 : i32
    "tpu.region"() ({
      %run_scoped3A = tpu.sem_alloc : memref<!tpu.dma_semaphore, #tpu.memory_space<semaphore_mem>>
      %dma_start3A_69 = arith.constant 0 : i32
      %dma_start3A_70 = arith.constant 0 : i32
      %dma_start3A_71 = tpu.memref_slice %arg16[%dma_start3A_69, %dma_start3A_70] : memref<128x128xf32, #tpu.memory_space<vmem>> -> memref<112x128xf32, #tpu.memory_space<vmem>>
      %dma_start3A_72 = arith.constant 0 : i32
      %dma_start3A_73 = tpu.memref_slice %arg18[%add3A_17, %dma_start3A_72] : memref<10128x128xf32, #tpu.memory_space<vmem_shared>> -> memref<112x128xf32, #tpu.memory_space<vmem_shared>>
      %dma_start3A_74 = arith.constant 0 : i32
      %dma_start3A_75 = tpu.memref_slice %arg18[%add3A_17, %dma_start3A_74] : memref<10128x128xf32, #tpu.memory_space<vmem_shared>> -> memref<112x128xf32, #tpu.memory_space<vmem_shared>>
      %dma_start3A_76 = arith.constant 0 : i32
      %dma_start3A_77 = arith.constant 0 : i32
      %dma_start3A_78 = tpu.memref_slice %arg16[%dma_start3A_76, %dma_start3A_77] : memref<128x128xf32, #tpu.memory_space<vmem>> -> memref<112x128xf32, #tpu.memory_space<vmem>>
      tpu.enqueue_dma source(%dma_start3A_78 : memref<112x128xf32, #tpu.memory_space<vmem>>) target(%dma_start3A_75 : memref<112x128xf32, #tpu.memory_space<vmem_shared>>) target_semaphore(%run_scoped3A : memref<!tpu.dma_semaphore, #tpu.memory_space<semaphore_mem>>)
      %dma_wait3A_79 = arith.constant 0 : i32
      %dma_wait3A_80 = arith.constant 0 : i32
      %dma_wait3A_81 = tpu.memref_slice %arg16[%dma_wait3A_79, %dma_wait3A_80] : memref<128x128xf32, #tpu.memory_space<vmem>> -> memref<112x128xf32, #tpu.memory_space<vmem>>
      %dma_wait3A_82 = arith.constant 0 : i32
      %dma_wait3A_83 = tpu.memref_slice %arg18[%add3A_17, %dma_wait3A_82] : memref<10128x128xf32, #tpu.memory_space<vmem_shared>> -> memref<112x128xf32, #tpu.memory_space<vmem_shared>>
      %dma_wait3A_84 = arith.constant 0 : i32
      %dma_wait3A_85 = tpu.memref_slice %arg18[%add3A_17, %dma_wait3A_84] : memref<10128x128xf32, #tpu.memory_space<vmem_shared>> -> memref<112x128xf32, #tpu.memory_space<vmem_shared>>
      %dma_wait3A_86 = arith.constant 0 : i32
      %dma_wait3A_87 = arith.constant 0 : i32
      %dma_wait3A_88 = tpu.memref_slice %arg16[%dma_wait3A_86, %dma_wait3A_87] : memref<128x128xf32, #tpu.memory_space<vmem>> -> memref<112x128xf32, #tpu.memory_space<vmem>>
      tpu.wait_dma2 semaphore(%run_scoped3A : memref<!tpu.dma_semaphore, #tpu.memory_space<semaphore_mem>>) src(%dma_wait3A_88 : memref<112x128xf32, #tpu.memory_space<vmem>>) dst(%dma_wait3A_85 : memref<112x128xf32, #tpu.memory_space<vmem_shared>>)
      tpu.yield
    }) : () -> ()
    %eq3A = arith.constant 0 : i32
    %eq3A_18 = arith.cmpi eq, %arg1, %eq3A : i32
    %convert_element_type3A = arith.extui %eq3A_18 : i1 to i32
    %cond3A = arith.constant 0 : i32
    %cond3A_19 = arith.cmpi ne, %convert_element_type3A, %cond3A : i32
    scf.if %cond3A_19 {
      "tpu.region"() ({
        %run_scoped3A = tpu.sem_alloc : memref<!tpu.dma_semaphore, #tpu.memory_space<semaphore_mem>>
        %dma_start3A_69 = arith.constant 0 : i32
        %dma_start3A_70 = arith.constant 0 : i32
        %dma_start3A_71 = tpu.memref_slice %arg16[%dma_start3A_69, %dma_start3A_70] : memref<128x128xf32, #tpu.memory_space<vmem>> -> memref<16x128xf32, #tpu.memory_space<vmem>>
        %dma_start3A_72 = arith.constant 9984 : i32
        %dma_start3A_73 = arith.constant 0 : i32
        %dma_start3A_74 = tpu.memref_slice %arg18[%dma_start3A_72, %dma_start3A_73] : memref<10128x128xf32, #tpu.memory_space<vmem_shared>> -> memref<16x128xf32, #tpu.memory_space<vmem_shared>>
        %dma_start3A_75 = arith.constant 9984 : i32
        %dma_start3A_76 = arith.constant 0 : i32
        %dma_start3A_77 = tpu.memref_slice %arg18[%dma_start3A_75, %dma_start3A_76] : memref<10128x128xf32, #tpu.memory_space<vmem_shared>> -> memref<16x128xf32, #tpu.memory_space<vmem_shared>>
        %dma_start3A_78 = arith.constant 0 : i32
        %dma_start3A_79 = arith.constant 0 : i32
        %dma_start3A_80 = tpu.memref_slice %arg16[%dma_start3A_78, %dma_start3A_79] : memref<128x128xf32, #tpu.memory_space<vmem>> -> memref<16x128xf32, #tpu.memory_space<vmem>>
        tpu.enqueue_dma source(%dma_start3A_80 : memref<16x128xf32, #tpu.memory_space<vmem>>) target(%dma_start3A_77 : memref<16x128xf32, #tpu.memory_space<vmem_shared>>) target_semaphore(%run_scoped3A : memref<!tpu.dma_semaphore, #tpu.memory_space<semaphore_mem>>)
        %dma_wait3A_81 = arith.constant 0 : i32
        %dma_wait3A_82 = arith.constant 0 : i32
        %dma_wait3A_83 = tpu.memref_slice %arg16[%dma_wait3A_81, %dma_wait3A_82] : memref<128x128xf32, #tpu.memory_space<vmem>> -> memref<16x128xf32, #tpu.memory_space<vmem>>
        %dma_wait3A_84 = arith.constant 9984 : i32
        %dma_wait3A_85 = arith.constant 0 : i32
        %dma_wait3A_86 = tpu.memref_slice %arg18[%dma_wait3A_84, %dma_wait3A_85] : memref<10128x128xf32, #tpu.memory_space<vmem_shared>> -> memref<16x128xf32, #tpu.memory_space<vmem_shared>>
        %dma_wait3A_87 = arith.constant 9984 : i32
        %dma_wait3A_88 = arith.constant 0 : i32
        %dma_wait3A_89 = tpu.memref_slice %arg18[%dma_wait3A_87, %dma_wait3A_88] : memref<10128x128xf32, #tpu.memory_space<vmem_shared>> -> memref<16x128xf32, #tpu.memory_space<vmem_shared>>
        %dma_wait3A_90 = arith.constant 0 : i32
        %dma_wait3A_91 = arith.constant 0 : i32
        %dma_wait3A_92 = tpu.memref_slice %arg16[%dma_wait3A_90, %dma_wait3A_91] : memref<128x128xf32, #tpu.memory_space<vmem>> -> memref<16x128xf32, #tpu.memory_space<vmem>>
        tpu.wait_dma2 semaphore(%run_scoped3A : memref<!tpu.dma_semaphore, #tpu.memory_space<semaphore_mem>>) src(%dma_wait3A_92 : memref<16x128xf32, #tpu.memory_space<vmem>>) dst(%dma_wait3A_89 : memref<16x128xf32, #tpu.memory_space<vmem_shared>>)
        tpu.yield
      }) : () -> ()
    } else {
    }
    %barrier3A = arith.constant 0 : index
    tpu.barrier barrier_id(%barrier3A)
    %add3A_20 = arith.constant 0 : i32
    %add3A_21 = arith.addi %mul3A_0, %add3A_20 : i32
    %mul3A_22 = arith.constant 128 : i32
    %mul3A_23 = arith.muli %add3A_21, %mul3A_22 : i32
    %dma_start3A = tpu.memref_slice %arg4[%mul3A_23] : memref<163840xi32, #tpu.memory_space<hbm>> -> memref<128xi32, #tpu.memory_space<hbm>>
    %dma_start3A_24 = tpu.memref_slice %arg4[%mul3A_23] : memref<163840xi32, #tpu.memory_space<hbm>> -> memref<128xi32, #tpu.memory_space<hbm>>
    tpu.enqueue_dma source(%dma_start3A_24 : memref<128xi32, #tpu.memory_space<hbm>>) target(%arg8 : memref<128xi32, #tpu.memory_space<vmem>>) target_semaphore(%arg21 : memref<!tpu.dma_semaphore, #tpu.memory_space<semaphore_mem>>)
    %dma_start3A_25 = tpu.memref_slice %arg5[%mul3A_23] : memref<163840xi32, #tpu.memory_space<hbm>> -> memref<128xi32, #tpu.memory_space<hbm>>
    %dma_start3A_26 = tpu.memref_slice %arg5[%mul3A_23] : memref<163840xi32, #tpu.memory_space<hbm>> -> memref<128xi32, #tpu.memory_space<hbm>>
    tpu.enqueue_dma source(%dma_start3A_26 : memref<128xi32, #tpu.memory_space<hbm>>) target(%arg9 : memref<128xi32, #tpu.memory_space<vmem>>) target_semaphore(%arg21 : memref<!tpu.dma_semaphore, #tpu.memory_space<semaphore_mem>>)
    %add3A_27 = arith.constant 1 : i32
    %add3A_28 = arith.addi %mul3A_0, %add3A_27 : i32
    %mul3A_29 = arith.constant 128 : i32
    %mul3A_30 = arith.muli %add3A_28, %mul3A_29 : i32
    %dma_start3A_31 = tpu.memref_slice %arg4[%mul3A_30] : memref<163840xi32, #tpu.memory_space<hbm>> -> memref<128xi32, #tpu.memory_space<hbm>>
    %dma_start3A_32 = tpu.memref_slice %arg4[%mul3A_30] : memref<163840xi32, #tpu.memory_space<hbm>> -> memref<128xi32, #tpu.memory_space<hbm>>
    tpu.enqueue_dma source(%dma_start3A_32 : memref<128xi32, #tpu.memory_space<hbm>>) target(%arg10 : memref<128xi32, #tpu.memory_space<vmem>>) target_semaphore(%arg22 : memref<!tpu.dma_semaphore, #tpu.memory_space<semaphore_mem>>)
    %dma_start3A_33 = tpu.memref_slice %arg5[%mul3A_30] : memref<163840xi32, #tpu.memory_space<hbm>> -> memref<128xi32, #tpu.memory_space<hbm>>
    %dma_start3A_34 = tpu.memref_slice %arg5[%mul3A_30] : memref<163840xi32, #tpu.memory_space<hbm>> -> memref<128xi32, #tpu.memory_space<hbm>>
    tpu.enqueue_dma source(%dma_start3A_34 : memref<128xi32, #tpu.memory_space<hbm>>) target(%arg11 : memref<128xi32, #tpu.memory_space<vmem>>) target_semaphore(%arg22 : memref<!tpu.dma_semaphore, #tpu.memory_space<semaphore_mem>>)
    %add3A_35 = arith.constant 0 : i32
    %add3A_36 = arith.addi %mul3A_0, %add3A_35 : i32
    %mul3A_37 = arith.constant 128 : i32
    %mul3A_38 = arith.muli %add3A_36, %mul3A_37 : i32
    %dma_wait3A = tpu.memref_slice %arg4[%mul3A_38] : memref<163840xi32, #tpu.memory_space<hbm>> -> memref<128xi32, #tpu.memory_space<hbm>>
    %dma_wait3A_39 = tpu.memref_slice %arg4[%mul3A_38] : memref<163840xi32, #tpu.memory_space<hbm>> -> memref<128xi32, #tpu.memory_space<hbm>>
    tpu.wait_dma2 semaphore(%arg21 : memref<!tpu.dma_semaphore, #tpu.memory_space<semaphore_mem>>) src(%dma_wait3A_39 : memref<128xi32, #tpu.memory_space<hbm>>) dst(%arg8 : memref<128xi32, #tpu.memory_space<vmem>>)
    %dma_wait3A_40 = tpu.memref_slice %arg5[%mul3A_38] : memref<163840xi32, #tpu.memory_space<hbm>> -> memref<128xi32, #tpu.memory_space<hbm>>
    %dma_wait3A_41 = tpu.memref_slice %arg5[%mul3A_38] : memref<163840xi32, #tpu.memory_space<hbm>> -> memref<128xi32, #tpu.memory_space<hbm>>
    tpu.wait_dma2 semaphore(%arg21 : memref<!tpu.dma_semaphore, #tpu.memory_space<semaphore_mem>>) src(%dma_wait3A_41 : memref<128xi32, #tpu.memory_space<hbm>>) dst(%arg9 : memref<128xi32, #tpu.memory_space<vmem>>)
    %eq3A_42 = arith.constant 0 : i32
    %eq3A_43 = arith.cmpi eq, %arg0, %eq3A_42 : i32
    %convert_element_type3A_44 = arith.extui %eq3A_43 : i1 to i32
    %cond3A_45 = arith.constant 0 : i32
    %cond3A_46 = arith.cmpi ne, %convert_element_type3A_44, %cond3A_45 : i32
    scf.if %cond3A_46 {
      %dma_start3A_69 = arith.constant 0 : i32
      %dma_start3A_70 = arith.constant 0 : i32
      %dma_start3A_71 = tpu.memref_slice %arg2[%dma_start3A_69, %dma_start3A_70] : memref<10000x128xf32, #tpu.memory_space<hbm>> -> memref<10000x128xf32, #tpu.memory_space<hbm>>
      tpu.enqueue_indirect_dma source(%dma_start3A_71 : memref<10000x128xf32, #tpu.memory_space<hbm>>) target(%arg16 : memref<128x128xf32, #tpu.memory_space<vmem>>) offsets(%arg8 : memref<128xi32, #tpu.memory_space<vmem>>) semaphore(%arg19 : memref<!tpu.dma_semaphore, #tpu.memory_space<semaphore_mem>>)
    } else {
    }
    %eq3A_47 = arith.constant 1 : i32
    %eq3A_48 = arith.cmpi eq, %arg0, %eq3A_47 : i32
    %convert_element_type3A_49 = arith.extui %eq3A_48 : i1 to i32
    %cond3A_50 = arith.constant 0 : i32
    %cond3A_51 = arith.cmpi ne, %convert_element_type3A_49, %cond3A_50 : i32
    scf.if %cond3A_51 {
      %dma_start3A_69 = arith.constant 0 : i32
      %dma_start3A_70 = arith.constant 0 : i32
      %dma_start3A_71 = tpu.memref_slice %arg3[%dma_start3A_69, %dma_start3A_70] : memref<10000x128xf32, #tpu.memory_space<hbm>> -> memref<10000x128xf32, #tpu.memory_space<hbm>>
      tpu.enqueue_indirect_dma source(%dma_start3A_71 : memref<10000x128xf32, #tpu.memory_space<hbm>>) target(%arg16 : memref<128x128xf32, #tpu.memory_space<vmem>>) offsets(%arg8 : memref<128xi32, #tpu.memory_space<vmem>>) semaphore(%arg19 : memref<!tpu.dma_semaphore, #tpu.memory_space<semaphore_mem>>)
    } else {
    }
    %scan3A_52 = arith.constant 0 : i32
    %scan3A_53 = arith.constant 0 : i32
    %scan3A_54 = arith.constant 20 : i32
    %scan3A_55 = arith.addi %scan3A_53, %scan3A_54 : i32
    %scan3A_56 = arith.constant 1 : i32
    scf.for %scan3A_69 = %scan3A_53 to %scan3A_55 step %scan3A_56  : i32 {
      %mul3A_70 = arith.constant 4 : i32
      %mul3A_71 = arith.muli %mul3A_70, %scan3A_69 : i32
      %add3A_72 = arith.constant 0 : i32
      %add3A_73 = arith.addi %mul3A_71, %add3A_72 : i32
      %add3A_74 = arith.constant 2 : i32
      %add3A_75 = arith.addi %add3A_73, %add3A_74 : i32
      %lt3A = arith.constant 80 : i32
      %lt3A_76 = arith.cmpi slt, %add3A_75, %lt3A : i32
      %convert_element_type3A_77 = arith.extui %lt3A_76 : i1 to i32
      %cond3A_78 = arith.constant 0 : i32
      %cond3A_79 = arith.cmpi ne, %convert_element_type3A_77, %cond3A_78 : i32
      scf.if %cond3A_79 {
        %add3A_181 = arith.constant 2 : i32
        %add3A_182 = arith.addi %add3A_73, %add3A_181 : i32
        %add3A_183 = arith.addi %mul3A_0, %add3A_182 : i32
        %mul3A_184 = arith.constant 128 : i32
        %mul3A_185 = arith.muli %add3A_183, %mul3A_184 : i32
        %dma_start3A_186 = tpu.memref_slice %arg4[%mul3A_185] : memref<163840xi32, #tpu.memory_space<hbm>> -> memref<128xi32, #tpu.memory_space<hbm>>
        %dma_start3A_187 = tpu.memref_slice %arg4[%mul3A_185] : memref<163840xi32, #tpu.memory_space<hbm>> -> memref<128xi32, #tpu.memory_space<hbm>>
        tpu.enqueue_dma source(%dma_start3A_187 : memref<128xi32, #tpu.memory_space<hbm>>) target(%arg12 : memref<128xi32, #tpu.memory_space<vmem>>) target_semaphore(%arg23 : memref<!tpu.dma_semaphore, #tpu.memory_space<semaphore_mem>>)
        %dma_start3A_188 = tpu.memref_slice %arg5[%mul3A_185] : memref<163840xi32, #tpu.memory_space<hbm>> -> memref<128xi32, #tpu.memory_space<hbm>>
        %dma_start3A_189 = tpu.memref_slice %arg5[%mul3A_185] : memref<163840xi32, #tpu.memory_space<hbm>> -> memref<128xi32, #tpu.memory_space<hbm>>
        tpu.enqueue_dma source(%dma_start3A_189 : memref<128xi32, #tpu.memory_space<hbm>>) target(%arg13 : memref<128xi32, #tpu.memory_space<vmem>>) target_semaphore(%arg23 : memref<!tpu.dma_semaphore, #tpu.memory_space<semaphore_mem>>)
      } else {
      }
      %add3A_80 = arith.constant 1 : i32
      %add3A_81 = arith.addi %add3A_73, %add3A_80 : i32
      %lt3A_82 = arith.constant 80 : i32
      %lt3A_83 = arith.cmpi slt, %add3A_81, %lt3A_82 : i32
      %convert_element_type3A_84 = arith.extui %lt3A_83 : i1 to i32
      %cond3A_85 = arith.constant 0 : i32
      %cond3A_86 = arith.cmpi ne, %convert_element_type3A_84, %cond3A_85 : i32
      scf.if %cond3A_86 {
        %add3A_181 = arith.constant 1 : i32
        %add3A_182 = arith.addi %add3A_73, %add3A_181 : i32
        %add3A_183 = arith.addi %mul3A_0, %add3A_182 : i32
        %mul3A_184 = arith.constant 128 : i32
        %mul3A_185 = arith.muli %add3A_183, %mul3A_184 : i32
        %dma_wait3A_186 = tpu.memref_slice %arg4[%mul3A_185] : memref<163840xi32, #tpu.memory_space<hbm>> -> memref<128xi32, #tpu.memory_space<hbm>>
        %dma_wait3A_187 = tpu.memref_slice %arg4[%mul3A_185] : memref<163840xi32, #tpu.memory_space<hbm>> -> memref<128xi32, #tpu.memory_space<hbm>>
        tpu.wait_dma2 semaphore(%arg22 : memref<!tpu.dma_semaphore, #tpu.memory_space<semaphore_mem>>) src(%dma_wait3A_187 : memref<128xi32, #tpu.memory_space<hbm>>) dst(%arg10 : memref<128xi32, #tpu.memory_space<vmem>>)
        %dma_wait3A_188 = tpu.memref_slice %arg5[%mul3A_185] : memref<163840xi32, #tpu.memory_space<hbm>> -> memref<128xi32, #tpu.memory_space<hbm>>
        %dma_wait3A_189 = tpu.memref_slice %arg5[%mul3A_185] : memref<163840xi32, #tpu.memory_space<hbm>> -> memref<128xi32, #tpu.memory_space<hbm>>
        tpu.wait_dma2 semaphore(%arg22 : memref<!tpu.dma_semaphore, #tpu.memory_space<semaphore_mem>>) src(%dma_wait3A_189 : memref<128xi32, #tpu.memory_space<hbm>>) dst(%arg11 : memref<128xi32, #tpu.memory_space<vmem>>)
        %eq3A_190 = arith.constant 0 : i32
        %eq3A_191 = arith.cmpi eq, %arg0, %eq3A_190 : i32
        %convert_element_type3A_192 = arith.extui %eq3A_191 : i1 to i32
        %cond3A_193 = arith.constant 0 : i32
        %cond3A_194 = arith.cmpi ne, %convert_element_type3A_192, %cond3A_193 : i32
        scf.if %cond3A_194 {
          %dma_start3A_200 = arith.constant 0 : i32
          %dma_start3A_201 = arith.constant 0 : i32
          %dma_start3A_202 = tpu.memref_slice %arg2[%dma_start3A_200, %dma_start3A_201] : memref<10000x128xf32, #tpu.memory_space<hbm>> -> memref<10000x128xf32, #tpu.memory_space<hbm>>
          tpu.enqueue_indirect_dma source(%dma_start3A_202 : memref<10000x128xf32, #tpu.memory_space<hbm>>) target(%arg17 : memref<128x128xf32, #tpu.memory_space<vmem>>) offsets(%arg10 : memref<128xi32, #tpu.memory_space<vmem>>) semaphore(%arg20 : memref<!tpu.dma_semaphore, #tpu.memory_space<semaphore_mem>>)
        } else {
        }
        %eq3A_195 = arith.constant 1 : i32
        %eq3A_196 = arith.cmpi eq, %arg0, %eq3A_195 : i32
        %convert_element_type3A_197 = arith.extui %eq3A_196 : i1 to i32
        %cond3A_198 = arith.constant 0 : i32
        %cond3A_199 = arith.cmpi ne, %convert_element_type3A_197, %cond3A_198 : i32
        scf.if %cond3A_199 {
          %dma_start3A_200 = arith.constant 0 : i32
          %dma_start3A_201 = arith.constant 0 : i32
          %dma_start3A_202 = tpu.memref_slice %arg3[%dma_start3A_200, %dma_start3A_201] : memref<10000x128xf32, #tpu.memory_space<hbm>> -> memref<10000x128xf32, #tpu.memory_space<hbm>>
          tpu.enqueue_indirect_dma source(%dma_start3A_202 : memref<10000x128xf32, #tpu.memory_space<hbm>>) target(%arg17 : memref<128x128xf32, #tpu.memory_space<vmem>>) offsets(%arg10 : memref<128xi32, #tpu.memory_space<vmem>>) semaphore(%arg20 : memref<!tpu.dma_semaphore, #tpu.memory_space<semaphore_mem>>)
        } else {
        }
      } else {
      }
      %eq3A_87 = arith.constant 0 : i32
      %eq3A_88 = arith.cmpi eq, %arg0, %eq3A_87 : i32
      %convert_element_type3A_89 = arith.extui %eq3A_88 : i1 to i32
      %cond3A_90 = arith.constant 0 : i32
      %cond3A_91 = arith.cmpi ne, %convert_element_type3A_89, %cond3A_90 : i32
      scf.if %cond3A_91 {
        %dma_wait3A_181 = arith.constant 0 : i32
        %dma_wait3A_182 = arith.constant 0 : i32
        %dma_wait3A_183 = tpu.memref_slice %arg2[%dma_wait3A_181, %dma_wait3A_182] : memref<10000x128xf32, #tpu.memory_space<hbm>> -> memref<10000x128xf32, #tpu.memory_space<hbm>>
        tpu.wait_indirect_dma semaphore(%arg19 : memref<!tpu.dma_semaphore, #tpu.memory_space<semaphore_mem>>) src(%dma_wait3A_183 : memref<10000x128xf32, #tpu.memory_space<hbm>>) dst(%arg16 : memref<128x128xf32, #tpu.memory_space<vmem>>)
      } else {
      }
      %eq3A_92 = arith.constant 1 : i32
      %eq3A_93 = arith.cmpi eq, %arg0, %eq3A_92 : i32
      %convert_element_type3A_94 = arith.extui %eq3A_93 : i1 to i32
      %cond3A_95 = arith.constant 0 : i32
      %cond3A_96 = arith.cmpi ne, %convert_element_type3A_94, %cond3A_95 : i32
      scf.if %cond3A_96 {
        %dma_wait3A_181 = arith.constant 0 : i32
        %dma_wait3A_182 = arith.constant 0 : i32
        %dma_wait3A_183 = tpu.memref_slice %arg3[%dma_wait3A_181, %dma_wait3A_182] : memref<10000x128xf32, #tpu.memory_space<hbm>> -> memref<10000x128xf32, #tpu.memory_space<hbm>>
        tpu.wait_indirect_dma semaphore(%arg19 : memref<!tpu.dma_semaphore, #tpu.memory_space<semaphore_mem>>) src(%dma_wait3A_183 : memref<10000x128xf32, #tpu.memory_space<hbm>>) dst(%arg16 : memref<128x128xf32, #tpu.memory_space<vmem>>)
      } else {
      }
      "tpu.region"() ({
        %run_scoped3A = tpu.sem_alloc : memref<!tpu.dma_semaphore, #tpu.memory_space<semaphore_mem>>
        %dma_start3A_181 = arith.constant 0 : i32
        %dma_start3A_182 = arith.constant 0 : i32
        %dma_start3A_183 = tpu.memref_slice %arg18[%dma_start3A_181, %dma_start3A_182] : memref<10128x128xf32, #tpu.memory_space<vmem_shared>> -> memref<10128x128xf32, #tpu.memory_space<vmem_shared>>
        tpu.enqueue_indirect_dma source(%arg16 : memref<128x128xf32, #tpu.memory_space<vmem>>) target(%dma_start3A_183 : memref<10128x128xf32, #tpu.memory_space<vmem_shared>>) offsets(%arg9 : memref<128xi32, #tpu.memory_space<vmem>>) semaphore(%run_scoped3A : memref<!tpu.dma_semaphore, #tpu.memory_space<semaphore_mem>>) {add = true}
        %dma_wait3A_184 = arith.constant 0 : i32
        %dma_wait3A_185 = arith.constant 0 : i32
        %dma_wait3A_186 = tpu.memref_slice %arg18[%dma_wait3A_184, %dma_wait3A_185] : memref<10128x128xf32, #tpu.memory_space<vmem_shared>> -> memref<10128x128xf32, #tpu.memory_space<vmem_shared>>
        tpu.wait_indirect_dma semaphore(%run_scoped3A : memref<!tpu.dma_semaphore, #tpu.memory_space<semaphore_mem>>) src(%arg16 : memref<128x128xf32, #tpu.memory_space<vmem>>) dst(%dma_wait3A_186 : memref<10128x128xf32, #tpu.memory_space<vmem_shared>>)
        tpu.yield
      }) : () -> ()
      %mul3A_97 = arith.constant 4 : i32
      %mul3A_98 = arith.muli %mul3A_97, %scan3A_69 : i32
      %add3A_99 = arith.constant 1 : i32
      %add3A_100 = arith.addi %mul3A_98, %add3A_99 : i32
      %add3A_101 = arith.constant 2 : i32
      %add3A_102 = arith.addi %add3A_100, %add3A_101 : i32
      %lt3A_103 = arith.constant 80 : i32
      %lt3A_104 = arith.cmpi slt, %add3A_102, %lt3A_103 : i32
      %convert_element_type3A_105 = arith.extui %lt3A_104 : i1 to i32
      %cond3A_106 = arith.constant 0 : i32
      %cond3A_107 = arith.cmpi ne, %convert_element_type3A_105, %cond3A_106 : i32
      scf.if %cond3A_107 {
        %add3A_181 = arith.constant 2 : i32
        %add3A_182 = arith.addi %add3A_100, %add3A_181 : i32
        %add3A_183 = arith.addi %mul3A_0, %add3A_182 : i32
        %mul3A_184 = arith.constant 128 : i32
        %mul3A_185 = arith.muli %add3A_183, %mul3A_184 : i32
        %dma_start3A_186 = tpu.memref_slice %arg4[%mul3A_185] : memref<163840xi32, #tpu.memory_space<hbm>> -> memref<128xi32, #tpu.memory_space<hbm>>
        %dma_start3A_187 = tpu.memref_slice %arg4[%mul3A_185] : memref<163840xi32, #tpu.memory_space<hbm>> -> memref<128xi32, #tpu.memory_space<hbm>>
        tpu.enqueue_dma source(%dma_start3A_187 : memref<128xi32, #tpu.memory_space<hbm>>) target(%arg14 : memref<128xi32, #tpu.memory_space<vmem>>) target_semaphore(%arg24 : memref<!tpu.dma_semaphore, #tpu.memory_space<semaphore_mem>>)
        %dma_start3A_188 = tpu.memref_slice %arg5[%mul3A_185] : memref<163840xi32, #tpu.memory_space<hbm>> -> memref<128xi32, #tpu.memory_space<hbm>>
        %dma_start3A_189 = tpu.memref_slice %arg5[%mul3A_185] : memref<163840xi32, #tpu.memory_space<hbm>> -> memref<128xi32, #tpu.memory_space<hbm>>
        tpu.enqueue_dma source(%dma_start3A_189 : memref<128xi32, #tpu.memory_space<hbm>>) target(%arg15 : memref<128xi32, #tpu.memory_space<vmem>>) target_semaphore(%arg24 : memref<!tpu.dma_semaphore, #tpu.memory_space<semaphore_mem>>)
      } else {
      }
      %add3A_108 = arith.constant 1 : i32
      %add3A_109 = arith.addi %add3A_100, %add3A_108 : i32
      %lt3A_110 = arith.constant 80 : i32
      %lt3A_111 = arith.cmpi slt, %add3A_109, %lt3A_110 : i32
      %convert_element_type3A_112 = arith.extui %lt3A_111 : i1 to i32
      %cond3A_113 = arith.constant 0 : i32
      %cond3A_114 = arith.cmpi ne, %convert_element_type3A_112, %cond3A_113 : i32
      scf.if %cond3A_114 {
        %add3A_181 = arith.constant 1 : i32
        %add3A_182 = arith.addi %add3A_100, %add3A_181 : i32
        %add3A_183 = arith.addi %mul3A_0, %add3A_182 : i32
        %mul3A_184 = arith.constant 128 : i32
        %mul3A_185 = arith.muli %add3A_183, %mul3A_184 : i32
        %dma_wait3A_186 = tpu.memref_slice %arg4[%mul3A_185] : memref<163840xi32, #tpu.memory_space<hbm>> -> memref<128xi32, #tpu.memory_space<hbm>>
        %dma_wait3A_187 = tpu.memref_slice %arg4[%mul3A_185] : memref<163840xi32, #tpu.memory_space<hbm>> -> memref<128xi32, #tpu.memory_space<hbm>>
        tpu.wait_dma2 semaphore(%arg23 : memref<!tpu.dma_semaphore, #tpu.memory_space<semaphore_mem>>) src(%dma_wait3A_187 : memref<128xi32, #tpu.memory_space<hbm>>) dst(%arg12 : memref<128xi32, #tpu.memory_space<vmem>>)
        %dma_wait3A_188 = tpu.memref_slice %arg5[%mul3A_185] : memref<163840xi32, #tpu.memory_space<hbm>> -> memref<128xi32, #tpu.memory_space<hbm>>
        %dma_wait3A_189 = tpu.memref_slice %arg5[%mul3A_185] : memref<163840xi32, #tpu.memory_space<hbm>> -> memref<128xi32, #tpu.memory_space<hbm>>
        tpu.wait_dma2 semaphore(%arg23 : memref<!tpu.dma_semaphore, #tpu.memory_space<semaphore_mem>>) src(%dma_wait3A_189 : memref<128xi32, #tpu.memory_space<hbm>>) dst(%arg13 : memref<128xi32, #tpu.memory_space<vmem>>)
        %eq3A_190 = arith.constant 0 : i32
        %eq3A_191 = arith.cmpi eq, %arg0, %eq3A_190 : i32
        %convert_element_type3A_192 = arith.extui %eq3A_191 : i1 to i32
        %cond3A_193 = arith.constant 0 : i32
        %cond3A_194 = arith.cmpi ne, %convert_element_type3A_192, %cond3A_193 : i32
        scf.if %cond3A_194 {
          %dma_start3A_200 = arith.constant 0 : i32
          %dma_start3A_201 = arith.constant 0 : i32
          %dma_start3A_202 = tpu.memref_slice %arg2[%dma_start3A_200, %dma_start3A_201] : memref<10000x128xf32, #tpu.memory_space<hbm>> -> memref<10000x128xf32, #tpu.memory_space<hbm>>
          tpu.enqueue_indirect_dma source(%dma_start3A_202 : memref<10000x128xf32, #tpu.memory_space<hbm>>) target(%arg16 : memref<128x128xf32, #tpu.memory_space<vmem>>) offsets(%arg12 : memref<128xi32, #tpu.memory_space<vmem>>) semaphore(%arg19 : memref<!tpu.dma_semaphore, #tpu.memory_space<semaphore_mem>>)
        } else {
        }
        %eq3A_195 = arith.constant 1 : i32
        %eq3A_196 = arith.cmpi eq, %arg0, %eq3A_195 : i32
        %convert_element_type3A_197 = arith.extui %eq3A_196 : i1 to i32
        %cond3A_198 = arith.constant 0 : i32
        %cond3A_199 = arith.cmpi ne, %convert_element_type3A_197, %cond3A_198 : i32
        scf.if %cond3A_199 {
          %dma_start3A_200 = arith.constant 0 : i32
          %dma_start3A_201 = arith.constant 0 : i32
          %dma_start3A_202 = tpu.memref_slice %arg3[%dma_start3A_200, %dma_start3A_201] : memref<10000x128xf32, #tpu.memory_space<hbm>> -> memref<10000x128xf32, #tpu.memory_space<hbm>>
          tpu.enqueue_indirect_dma source(%dma_start3A_202 : memref<10000x128xf32, #tpu.memory_space<hbm>>) target(%arg16 : memref<128x128xf32, #tpu.memory_space<vmem>>) offsets(%arg12 : memref<128xi32, #tpu.memory_space<vmem>>) semaphore(%arg19 : memref<!tpu.dma_semaphore, #tpu.memory_space<semaphore_mem>>)
        } else {
        }
      } else {
      }
      %eq3A_115 = arith.constant 0 : i32
      %eq3A_116 = arith.cmpi eq, %arg0, %eq3A_115 : i32
      %convert_element_type3A_117 = arith.extui %eq3A_116 : i1 to i32
      %cond3A_118 = arith.constant 0 : i32
      %cond3A_119 = arith.cmpi ne, %convert_element_type3A_117, %cond3A_118 : i32
      scf.if %cond3A_119 {
        %dma_wait3A_181 = arith.constant 0 : i32
        %dma_wait3A_182 = arith.constant 0 : i32
        %dma_wait3A_183 = tpu.memref_slice %arg2[%dma_wait3A_181, %dma_wait3A_182] : memref<10000x128xf32, #tpu.memory_space<hbm>> -> memref<10000x128xf32, #tpu.memory_space<hbm>>
        tpu.wait_indirect_dma semaphore(%arg20 : memref<!tpu.dma_semaphore, #tpu.memory_space<semaphore_mem>>) src(%dma_wait3A_183 : memref<10000x128xf32, #tpu.memory_space<hbm>>) dst(%arg17 : memref<128x128xf32, #tpu.memory_space<vmem>>)
      } else {
      }
      %eq3A_120 = arith.constant 1 : i32
      %eq3A_121 = arith.cmpi eq, %arg0, %eq3A_120 : i32
      %convert_element_type3A_122 = arith.extui %eq3A_121 : i1 to i32
      %cond3A_123 = arith.constant 0 : i32
      %cond3A_124 = arith.cmpi ne, %convert_element_type3A_122, %cond3A_123 : i32
      scf.if %cond3A_124 {
        %dma_wait3A_181 = arith.constant 0 : i32
        %dma_wait3A_182 = arith.constant 0 : i32
        %dma_wait3A_183 = tpu.memref_slice %arg3[%dma_wait3A_181, %dma_wait3A_182] : memref<10000x128xf32, #tpu.memory_space<hbm>> -> memref<10000x128xf32, #tpu.memory_space<hbm>>
        tpu.wait_indirect_dma semaphore(%arg20 : memref<!tpu.dma_semaphore, #tpu.memory_space<semaphore_mem>>) src(%dma_wait3A_183 : memref<10000x128xf32, #tpu.memory_space<hbm>>) dst(%arg17 : memref<128x128xf32, #tpu.memory_space<vmem>>)
      } else {
      }
      "tpu.region"() ({
        %run_scoped3A = tpu.sem_alloc : memref<!tpu.dma_semaphore, #tpu.memory_space<semaphore_mem>>
        %dma_start3A_181 = arith.constant 0 : i32
        %dma_start3A_182 = arith.constant 0 : i32
        %dma_start3A_183 = tpu.memref_slice %arg18[%dma_start3A_181, %dma_start3A_182] : memref<10128x128xf32, #tpu.memory_space<vmem_shared>> -> memref<10128x128xf32, #tpu.memory_space<vmem_shared>>
        tpu.enqueue_indirect_dma source(%arg17 : memref<128x128xf32, #tpu.memory_space<vmem>>) target(%dma_start3A_183 : memref<10128x128xf32, #tpu.memory_space<vmem_shared>>) offsets(%arg11 : memref<128xi32, #tpu.memory_space<vmem>>) semaphore(%run_scoped3A : memref<!tpu.dma_semaphore, #tpu.memory_space<semaphore_mem>>) {add = true}
        %dma_wait3A_184 = arith.constant 0 : i32
        %dma_wait3A_185 = arith.constant 0 : i32
        %dma_wait3A_186 = tpu.memref_slice %arg18[%dma_wait3A_184, %dma_wait3A_185] : memref<10128x128xf32, #tpu.memory_space<vmem_shared>> -> memref<10128x128xf32, #tpu.memory_space<vmem_shared>>
        tpu.wait_indirect_dma semaphore(%run_scoped3A : memref<!tpu.dma_semaphore, #tpu.memory_space<semaphore_mem>>) src(%arg17 : memref<128x128xf32, #tpu.memory_space<vmem>>) dst(%dma_wait3A_186 : memref<10128x128xf32, #tpu.memory_space<vmem_shared>>)
        tpu.yield
      }) : () -> ()
      %mul3A_125 = arith.constant 4 : i32
      %mul3A_126 = arith.muli %mul3A_125, %scan3A_69 : i32
      %add3A_127 = arith.constant 2 : i32
      %add3A_128 = arith.addi %mul3A_126, %add3A_127 : i32
      %add3A_129 = arith.constant 2 : i32
      %add3A_130 = arith.addi %add3A_128, %add3A_129 : i32
      %lt3A_131 = arith.constant 80 : i32
      %lt3A_132 = arith.cmpi slt, %add3A_130, %lt3A_131 : i32
      %convert_element_type3A_133 = arith.extui %lt3A_132 : i1 to i32
      %cond3A_134 = arith.constant 0 : i32
      %cond3A_135 = arith.cmpi ne, %convert_element_type3A_133, %cond3A_134 : i32
      scf.if %cond3A_135 {
        %add3A_181 = arith.constant 2 : i32
        %add3A_182 = arith.addi %add3A_128, %add3A_181 : i32
        %add3A_183 = arith.addi %mul3A_0, %add3A_182 : i32
        %mul3A_184 = arith.constant 128 : i32
        %mul3A_185 = arith.muli %add3A_183, %mul3A_184 : i32
        %dma_start3A_186 = tpu.memref_slice %arg4[%mul3A_185] : memref<163840xi32, #tpu.memory_space<hbm>> -> memref<128xi32, #tpu.memory_space<hbm>>
        %dma_start3A_187 = tpu.memref_slice %arg4[%mul3A_185] : memref<163840xi32, #tpu.memory_space<hbm>> -> memref<128xi32, #tpu.memory_space<hbm>>
        tpu.enqueue_dma source(%dma_start3A_187 : memref<128xi32, #tpu.memory_space<hbm>>) target(%arg8 : memref<128xi32, #tpu.memory_space<vmem>>) target_semaphore(%arg21 : memref<!tpu.dma_semaphore, #tpu.memory_space<semaphore_mem>>)
        %dma_start3A_188 = tpu.memref_slice %arg5[%mul3A_185] : memref<163840xi32, #tpu.memory_space<hbm>> -> memref<128xi32, #tpu.memory_space<hbm>>
        %dma_start3A_189 = tpu.memref_slice %arg5[%mul3A_185] : memref<163840xi32, #tpu.memory_space<hbm>> -> memref<128xi32, #tpu.memory_space<hbm>>
        tpu.enqueue_dma source(%dma_start3A_189 : memref<128xi32, #tpu.memory_space<hbm>>) target(%arg9 : memref<128xi32, #tpu.memory_space<vmem>>) target_semaphore(%arg21 : memref<!tpu.dma_semaphore, #tpu.memory_space<semaphore_mem>>)
      } else {
      }
      %add3A_136 = arith.constant 1 : i32
      %add3A_137 = arith.addi %add3A_128, %add3A_136 : i32
      %lt3A_138 = arith.constant 80 : i32
      %lt3A_139 = arith.cmpi slt, %add3A_137, %lt3A_138 : i32
      %convert_element_type3A_140 = arith.extui %lt3A_139 : i1 to i32
      %cond3A_141 = arith.constant 0 : i32
      %cond3A_142 = arith.cmpi ne, %convert_element_type3A_140, %cond3A_141 : i32
      scf.if %cond3A_142 {
        %add3A_181 = arith.constant 1 : i32
        %add3A_182 = arith.addi %add3A_128, %add3A_181 : i32
        %add3A_183 = arith.addi %mul3A_0, %add3A_182 : i32
        %mul3A_184 = arith.constant 128 : i32
        %mul3A_185 = arith.muli %add3A_183, %mul3A_184 : i32
        %dma_wait3A_186 = tpu.memref_slice %arg4[%mul3A_185] : memref<163840xi32, #tpu.memory_space<hbm>> -> memref<128xi32, #tpu.memory_space<hbm>>
        %dma_wait3A_187 = tpu.memref_slice %arg4[%mul3A_185] : memref<163840xi32, #tpu.memory_space<hbm>> -> memref<128xi32, #tpu.memory_space<hbm>>
        tpu.wait_dma2 semaphore(%arg24 : memref<!tpu.dma_semaphore, #tpu.memory_space<semaphore_mem>>) src(%dma_wait3A_187 : memref<128xi32, #tpu.memory_space<hbm>>) dst(%arg14 : memref<128xi32, #tpu.memory_space<vmem>>)
        %dma_wait3A_188 = tpu.memref_slice %arg5[%mul3A_185] : memref<163840xi32, #tpu.memory_space<hbm>> -> memref<128xi32, #tpu.memory_space<hbm>>
        %dma_wait3A_189 = tpu.memref_slice %arg5[%mul3A_185] : memref<163840xi32, #tpu.memory_space<hbm>> -> memref<128xi32, #tpu.memory_space<hbm>>
        tpu.wait_dma2 semaphore(%arg24 : memref<!tpu.dma_semaphore, #tpu.memory_space<semaphore_mem>>) src(%dma_wait3A_189 : memref<128xi32, #tpu.memory_space<hbm>>) dst(%arg15 : memref<128xi32, #tpu.memory_space<vmem>>)
        %eq3A_190 = arith.constant 0 : i32
        %eq3A_191 = arith.cmpi eq, %arg0, %eq3A_190 : i32
        %convert_element_type3A_192 = arith.extui %eq3A_191 : i1 to i32
        %cond3A_193 = arith.constant 0 : i32
        %cond3A_194 = arith.cmpi ne, %convert_element_type3A_192, %cond3A_193 : i32
        scf.if %cond3A_194 {
          %dma_start3A_200 = arith.constant 0 : i32
          %dma_start3A_201 = arith.constant 0 : i32
          %dma_start3A_202 = tpu.memref_slice %arg2[%dma_start3A_200, %dma_start3A_201] : memref<10000x128xf32, #tpu.memory_space<hbm>> -> memref<10000x128xf32, #tpu.memory_space<hbm>>
          tpu.enqueue_indirect_dma source(%dma_start3A_202 : memref<10000x128xf32, #tpu.memory_space<hbm>>) target(%arg17 : memref<128x128xf32, #tpu.memory_space<vmem>>) offsets(%arg14 : memref<128xi32, #tpu.memory_space<vmem>>) semaphore(%arg20 : memref<!tpu.dma_semaphore, #tpu.memory_space<semaphore_mem>>)
        } else {
        }
        %eq3A_195 = arith.constant 1 : i32
        %eq3A_196 = arith.cmpi eq, %arg0, %eq3A_195 : i32
        %convert_element_type3A_197 = arith.extui %eq3A_196 : i1 to i32
        %cond3A_198 = arith.constant 0 : i32
        %cond3A_199 = arith.cmpi ne, %convert_element_type3A_197, %cond3A_198 : i32
        scf.if %cond3A_199 {
          %dma_start3A_200 = arith.constant 0 : i32
          %dma_start3A_201 = arith.constant 0 : i32
          %dma_start3A_202 = tpu.memref_slice %arg3[%dma_start3A_200, %dma_start3A_201] : memref<10000x128xf32, #tpu.memory_space<hbm>> -> memref<10000x128xf32, #tpu.memory_space<hbm>>
          tpu.enqueue_indirect_dma source(%dma_start3A_202 : memref<10000x128xf32, #tpu.memory_space<hbm>>) target(%arg17 : memref<128x128xf32, #tpu.memory_space<vmem>>) offsets(%arg14 : memref<128xi32, #tpu.memory_space<vmem>>) semaphore(%arg20 : memref<!tpu.dma_semaphore, #tpu.memory_space<semaphore_mem>>)
        } else {
        }
      } else {
      }
      %eq3A_143 = arith.constant 0 : i32
      %eq3A_144 = arith.cmpi eq, %arg0, %eq3A_143 : i32
      %convert_element_type3A_145 = arith.extui %eq3A_144 : i1 to i32
      %cond3A_146 = arith.constant 0 : i32
      %cond3A_147 = arith.cmpi ne, %convert_element_type3A_145, %cond3A_146 : i32
      scf.if %cond3A_147 {
        %dma_wait3A_181 = arith.constant 0 : i32
        %dma_wait3A_182 = arith.constant 0 : i32
        %dma_wait3A_183 = tpu.memref_slice %arg2[%dma_wait3A_181, %dma_wait3A_182] : memref<10000x128xf32, #tpu.memory_space<hbm>> -> memref<10000x128xf32, #tpu.memory_space<hbm>>
        tpu.wait_indirect_dma semaphore(%arg19 : memref<!tpu.dma_semaphore, #tpu.memory_space<semaphore_mem>>) src(%dma_wait3A_183 : memref<10000x128xf32, #tpu.memory_space<hbm>>) dst(%arg16 : memref<128x128xf32, #tpu.memory_space<vmem>>)
      } else {
      }
      %eq3A_148 = arith.constant 1 : i32
      %eq3A_149 = arith.cmpi eq, %arg0, %eq3A_148 : i32
      %convert_element_type3A_150 = arith.extui %eq3A_149 : i1 to i32
      %cond3A_151 = arith.constant 0 : i32
      %cond3A_152 = arith.cmpi ne, %convert_element_type3A_150, %cond3A_151 : i32
      scf.if %cond3A_152 {
        %dma_wait3A_181 = arith.constant 0 : i32
        %dma_wait3A_182 = arith.constant 0 : i32
        %dma_wait3A_183 = tpu.memref_slice %arg3[%dma_wait3A_181, %dma_wait3A_182] : memref<10000x128xf32, #tpu.memory_space<hbm>> -> memref<10000x128xf32, #tpu.memory_space<hbm>>
        tpu.wait_indirect_dma semaphore(%arg19 : memref<!tpu.dma_semaphore, #tpu.memory_space<semaphore_mem>>) src(%dma_wait3A_183 : memref<10000x128xf32, #tpu.memory_space<hbm>>) dst(%arg16 : memref<128x128xf32, #tpu.memory_space<vmem>>)
      } else {
      }
      "tpu.region"() ({
        %run_scoped3A = tpu.sem_alloc : memref<!tpu.dma_semaphore, #tpu.memory_space<semaphore_mem>>
        %dma_start3A_181 = arith.constant 0 : i32
        %dma_start3A_182 = arith.constant 0 : i32
        %dma_start3A_183 = tpu.memref_slice %arg18[%dma_start3A_181, %dma_start3A_182] : memref<10128x128xf32, #tpu.memory_space<vmem_shared>> -> memref<10128x128xf32, #tpu.memory_space<vmem_shared>>
        tpu.enqueue_indirect_dma source(%arg16 : memref<128x128xf32, #tpu.memory_space<vmem>>) target(%dma_start3A_183 : memref<10128x128xf32, #tpu.memory_space<vmem_shared>>) offsets(%arg13 : memref<128xi32, #tpu.memory_space<vmem>>) semaphore(%run_scoped3A : memref<!tpu.dma_semaphore, #tpu.memory_space<semaphore_mem>>) {add = true}
        %dma_wait3A_184 = arith.constant 0 : i32
        %dma_wait3A_185 = arith.constant 0 : i32
        %dma_wait3A_186 = tpu.memref_slice %arg18[%dma_wait3A_184, %dma_wait3A_185] : memref<10128x128xf32, #tpu.memory_space<vmem_shared>> -> memref<10128x128xf32, #tpu.memory_space<vmem_shared>>
        tpu.wait_indirect_dma semaphore(%run_scoped3A : memref<!tpu.dma_semaphore, #tpu.memory_space<semaphore_mem>>) src(%arg16 : memref<128x128xf32, #tpu.memory_space<vmem>>) dst(%dma_wait3A_186 : memref<10128x128xf32, #tpu.memory_space<vmem_shared>>)
        tpu.yield
      }) : () -> ()
      %mul3A_153 = arith.constant 4 : i32
      %mul3A_154 = arith.muli %mul3A_153, %scan3A_69 : i32
      %add3A_155 = arith.constant 3 : i32
      %add3A_156 = arith.addi %mul3A_154, %add3A_155 : i32
      %add3A_157 = arith.constant 2 : i32
      %add3A_158 = arith.addi %add3A_156, %add3A_157 : i32
      %lt3A_159 = arith.constant 80 : i32
      %lt3A_160 = arith.cmpi slt, %add3A_158, %lt3A_159 : i32
      %convert_element_type3A_161 = arith.extui %lt3A_160 : i1 to i32
      %cond3A_162 = arith.constant 0 : i32
      %cond3A_163 = arith.cmpi ne, %convert_element_type3A_161, %cond3A_162 : i32
      scf.if %cond3A_163 {
        %add3A_181 = arith.constant 2 : i32
        %add3A_182 = arith.addi %add3A_156, %add3A_181 : i32
        %add3A_183 = arith.addi %mul3A_0, %add3A_182 : i32
        %mul3A_184 = arith.constant 128 : i32
        %mul3A_185 = arith.muli %add3A_183, %mul3A_184 : i32
        %dma_start3A_186 = tpu.memref_slice %arg4[%mul3A_185] : memref<163840xi32, #tpu.memory_space<hbm>> -> memref<128xi32, #tpu.memory_space<hbm>>
        %dma_start3A_187 = tpu.memref_slice %arg4[%mul3A_185] : memref<163840xi32, #tpu.memory_space<hbm>> -> memref<128xi32, #tpu.memory_space<hbm>>
        tpu.enqueue_dma source(%dma_start3A_187 : memref<128xi32, #tpu.memory_space<hbm>>) target(%arg10 : memref<128xi32, #tpu.memory_space<vmem>>) target_semaphore(%arg22 : memref<!tpu.dma_semaphore, #tpu.memory_space<semaphore_mem>>)
        %dma_start3A_188 = tpu.memref_slice %arg5[%mul3A_185] : memref<163840xi32, #tpu.memory_space<hbm>> -> memref<128xi32, #tpu.memory_space<hbm>>
        %dma_start3A_189 = tpu.memref_slice %arg5[%mul3A_185] : memref<163840xi32, #tpu.memory_space<hbm>> -> memref<128xi32, #tpu.memory_space<hbm>>
        tpu.enqueue_dma source(%dma_start3A_189 : memref<128xi32, #tpu.memory_space<hbm>>) target(%arg11 : memref<128xi32, #tpu.memory_space<vmem>>) target_semaphore(%arg22 : memref<!tpu.dma_semaphore, #tpu.memory_space<semaphore_mem>>)
      } else {
      }
      %add3A_164 = arith.constant 1 : i32
      %add3A_165 = arith.addi %add3A_156, %add3A_164 : i32
      %lt3A_166 = arith.constant 80 : i32
      %lt3A_167 = arith.cmpi slt, %add3A_165, %lt3A_166 : i32
      %convert_element_type3A_168 = arith.extui %lt3A_167 : i1 to i32
      %cond3A_169 = arith.constant 0 : i32
      %cond3A_170 = arith.cmpi ne, %convert_element_type3A_168, %cond3A_169 : i32
      scf.if %cond3A_170 {
        %add3A_181 = arith.constant 1 : i32
        %add3A_182 = arith.addi %add3A_156, %add3A_181 : i32
        %add3A_183 = arith.addi %mul3A_0, %add3A_182 : i32
        %mul3A_184 = arith.constant 128 : i32
        %mul3A_185 = arith.muli %add3A_183, %mul3A_184 : i32
        %dma_wait3A_186 = tpu.memref_slice %arg4[%mul3A_185] : memref<163840xi32, #tpu.memory_space<hbm>> -> memref<128xi32, #tpu.memory_space<hbm>>
        %dma_wait3A_187 = tpu.memref_slice %arg4[%mul3A_185] : memref<163840xi32, #tpu.memory_space<hbm>> -> memref<128xi32, #tpu.memory_space<hbm>>
        tpu.wait_dma2 semaphore(%arg21 : memref<!tpu.dma_semaphore, #tpu.memory_space<semaphore_mem>>) src(%dma_wait3A_187 : memref<128xi32, #tpu.memory_space<hbm>>) dst(%arg8 : memref<128xi32, #tpu.memory_space<vmem>>)
        %dma_wait3A_188 = tpu.memref_slice %arg5[%mul3A_185] : memref<163840xi32, #tpu.memory_space<hbm>> -> memref<128xi32, #tpu.memory_space<hbm>>
        %dma_wait3A_189 = tpu.memref_slice %arg5[%mul3A_185] : memref<163840xi32, #tpu.memory_space<hbm>> -> memref<128xi32, #tpu.memory_space<hbm>>
        tpu.wait_dma2 semaphore(%arg21 : memref<!tpu.dma_semaphore, #tpu.memory_space<semaphore_mem>>) src(%dma_wait3A_189 : memref<128xi32, #tpu.memory_space<hbm>>) dst(%arg9 : memref<128xi32, #tpu.memory_space<vmem>>)
        %eq3A_190 = arith.constant 0 : i32
        %eq3A_191 = arith.cmpi eq, %arg0, %eq3A_190 : i32
        %convert_element_type3A_192 = arith.extui %eq3A_191 : i1 to i32
        %cond3A_193 = arith.constant 0 : i32
        %cond3A_194 = arith.cmpi ne, %convert_element_type3A_192, %cond3A_193 : i32
        scf.if %cond3A_194 {
          %dma_start3A_200 = arith.constant 0 : i32
          %dma_start3A_201 = arith.constant 0 : i32
          %dma_start3A_202 = tpu.memref_slice %arg2[%dma_start3A_200, %dma_start3A_201] : memref<10000x128xf32, #tpu.memory_space<hbm>> -> memref<10000x128xf32, #tpu.memory_space<hbm>>
          tpu.enqueue_indirect_dma source(%dma_start3A_202 : memref<10000x128xf32, #tpu.memory_space<hbm>>) target(%arg16 : memref<128x128xf32, #tpu.memory_space<vmem>>) offsets(%arg8 : memref<128xi32, #tpu.memory_space<vmem>>) semaphore(%arg19 : memref<!tpu.dma_semaphore, #tpu.memory_space<semaphore_mem>>)
        } else {
        }
        %eq3A_195 = arith.constant 1 : i32
        %eq3A_196 = arith.cmpi eq, %arg0, %eq3A_195 : i32
        %convert_element_type3A_197 = arith.extui %eq3A_196 : i1 to i32
        %cond3A_198 = arith.constant 0 : i32
        %cond3A_199 = arith.cmpi ne, %convert_element_type3A_197, %cond3A_198 : i32
        scf.if %cond3A_199 {
          %dma_start3A_200 = arith.constant 0 : i32
          %dma_start3A_201 = arith.constant 0 : i32
          %dma_start3A_202 = tpu.memref_slice %arg3[%dma_start3A_200, %dma_start3A_201] : memref<10000x128xf32, #tpu.memory_space<hbm>> -> memref<10000x128xf32, #tpu.memory_space<hbm>>
          tpu.enqueue_indirect_dma source(%dma_start3A_202 : memref<10000x128xf32, #tpu.memory_space<hbm>>) target(%arg16 : memref<128x128xf32, #tpu.memory_space<vmem>>) offsets(%arg8 : memref<128xi32, #tpu.memory_space<vmem>>) semaphore(%arg19 : memref<!tpu.dma_semaphore, #tpu.memory_space<semaphore_mem>>)
        } else {
        }
      } else {
      }
      %eq3A_171 = arith.constant 0 : i32
      %eq3A_172 = arith.cmpi eq, %arg0, %eq3A_171 : i32
      %convert_element_type3A_173 = arith.extui %eq3A_172 : i1 to i32
      %cond3A_174 = arith.constant 0 : i32
      %cond3A_175 = arith.cmpi ne, %convert_element_type3A_173, %cond3A_174 : i32
      scf.if %cond3A_175 {
        %dma_wait3A_181 = arith.constant 0 : i32
        %dma_wait3A_182 = arith.constant 0 : i32
        %dma_wait3A_183 = tpu.memref_slice %arg2[%dma_wait3A_181, %dma_wait3A_182] : memref<10000x128xf32, #tpu.memory_space<hbm>> -> memref<10000x128xf32, #tpu.memory_space<hbm>>
        tpu.wait_indirect_dma semaphore(%arg20 : memref<!tpu.dma_semaphore, #tpu.memory_space<semaphore_mem>>) src(%dma_wait3A_183 : memref<10000x128xf32, #tpu.memory_space<hbm>>) dst(%arg17 : memref<128x128xf32, #tpu.memory_space<vmem>>)
      } else {
      }
      %eq3A_176 = arith.constant 1 : i32
      %eq3A_177 = arith.cmpi eq, %arg0, %eq3A_176 : i32
      %convert_element_type3A_178 = arith.extui %eq3A_177 : i1 to i32
      %cond3A_179 = arith.constant 0 : i32
      %cond3A_180 = arith.cmpi ne, %convert_element_type3A_178, %cond3A_179 : i32
      scf.if %cond3A_180 {
        %dma_wait3A_181 = arith.constant 0 : i32
        %dma_wait3A_182 = arith.constant 0 : i32
        %dma_wait3A_183 = tpu.memref_slice %arg3[%dma_wait3A_181, %dma_wait3A_182] : memref<10000x128xf32, #tpu.memory_space<hbm>> -> memref<10000x128xf32, #tpu.memory_space<hbm>>
        tpu.wait_indirect_dma semaphore(%arg20 : memref<!tpu.dma_semaphore, #tpu.memory_space<semaphore_mem>>) src(%dma_wait3A_183 : memref<10000x128xf32, #tpu.memory_space<hbm>>) dst(%arg17 : memref<128x128xf32, #tpu.memory_space<vmem>>)
      } else {
      }
      "tpu.region"() ({
        %run_scoped3A = tpu.sem_alloc : memref<!tpu.dma_semaphore, #tpu.memory_space<semaphore_mem>>
        %dma_start3A_181 = arith.constant 0 : i32
        %dma_start3A_182 = arith.constant 0 : i32
        %dma_start3A_183 = tpu.memref_slice %arg18[%dma_start3A_181, %dma_start3A_182] : memref<10128x128xf32, #tpu.memory_space<vmem_shared>> -> memref<10128x128xf32, #tpu.memory_space<vmem_shared>>
        tpu.enqueue_indirect_dma source(%arg17 : memref<128x128xf32, #tpu.memory_space<vmem>>) target(%dma_start3A_183 : memref<10128x128xf32, #tpu.memory_space<vmem_shared>>) offsets(%arg15 : memref<128xi32, #tpu.memory_space<vmem>>) semaphore(%run_scoped3A : memref<!tpu.dma_semaphore, #tpu.memory_space<semaphore_mem>>) {add = true}
        %dma_wait3A_184 = arith.constant 0 : i32
        %dma_wait3A_185 = arith.constant 0 : i32
        %dma_wait3A_186 = tpu.memref_slice %arg18[%dma_wait3A_184, %dma_wait3A_185] : memref<10128x128xf32, #tpu.memory_space<vmem_shared>> -> memref<10128x128xf32, #tpu.memory_space<vmem_shared>>
        tpu.wait_indirect_dma semaphore(%run_scoped3A : memref<!tpu.dma_semaphore, #tpu.memory_space<semaphore_mem>>) src(%arg17 : memref<128x128xf32, #tpu.memory_space<vmem>>) dst(%dma_wait3A_186 : memref<10128x128xf32, #tpu.memory_space<vmem_shared>>)
        tpu.yield
      }) : () -> ()
    }
    %scan3A_57 = arith.constant 20 : i32
    %barrier3A_58 = arith.constant 0 : index
    tpu.barrier barrier_id(%barrier3A_58)
    %eq3A_59 = arith.constant 0 : i32
    %eq3A_60 = arith.cmpi eq, %arg0, %eq3A_59 : i32
    %convert_element_type3A_61 = arith.extui %eq3A_60 : i1 to i32
    %cond3A_62 = arith.constant 0 : i32
    %cond3A_63 = arith.cmpi ne, %convert_element_type3A_61, %cond3A_62 : i32
    scf.if %cond3A_63 {
      "tpu.region"() ({
        %run_scoped3A = tpu.sem_alloc : memref<!tpu.dma_semaphore, #tpu.memory_space<semaphore_mem>>
        %dma_start3A_74 = arith.constant 0 : i32
        %dma_start3A_75 = tpu.memref_slice %arg6[%mul3A_8, %dma_start3A_74] : memref<10000x128xf32, #tpu.memory_space<hbm>> -> memref<624x128xf32, #tpu.memory_space<hbm>>
        %dma_start3A_76 = arith.constant 0 : i32
        %dma_start3A_77 = tpu.memref_slice %arg18[%mul3A_8, %dma_start3A_76] : memref<10128x128xf32, #tpu.memory_space<vmem_shared>> -> memref<624x128xf32, #tpu.memory_space<vmem_shared>>
        tpu.enqueue_dma source(%dma_start3A_77 : memref<624x128xf32, #tpu.memory_space<vmem_shared>>) target(%dma_start3A_75 : memref<624x128xf32, #tpu.memory_space<hbm>>) target_semaphore(%run_scoped3A : memref<!tpu.dma_semaphore, #tpu.memory_space<semaphore_mem>>)
        %dma_wait3A_78 = arith.constant 0 : i32
        %dma_wait3A_79 = tpu.memref_slice %arg6[%mul3A_8, %dma_wait3A_78] : memref<10000x128xf32, #tpu.memory_space<hbm>> -> memref<624x128xf32, #tpu.memory_space<hbm>>
        %dma_wait3A_80 = arith.constant 0 : i32
        %dma_wait3A_81 = tpu.memref_slice %arg18[%mul3A_8, %dma_wait3A_80] : memref<10128x128xf32, #tpu.memory_space<vmem_shared>> -> memref<624x128xf32, #tpu.memory_space<vmem_shared>>
        tpu.wait_dma2 semaphore(%run_scoped3A : memref<!tpu.dma_semaphore, #tpu.memory_space<semaphore_mem>>) src(%dma_wait3A_81 : memref<624x128xf32, #tpu.memory_space<vmem_shared>>) dst(%dma_wait3A_79 : memref<624x128xf32, #tpu.memory_space<hbm>>)
        tpu.yield
      }) : () -> ()
      %eq3A_69 = arith.constant 0 : i32
      %eq3A_70 = arith.cmpi eq, %arg1, %eq3A_69 : i32
      %convert_element_type3A_71 = arith.extui %eq3A_70 : i1 to i32
      %cond3A_72 = arith.constant 0 : i32
      %cond3A_73 = arith.cmpi ne, %convert_element_type3A_71, %cond3A_72 : i32
      scf.if %cond3A_73 {
        "tpu.region"() ({
          %run_scoped3A = tpu.sem_alloc : memref<!tpu.dma_semaphore, #tpu.memory_space<semaphore_mem>>
          %dma_start3A_74 = arith.constant 9984 : i32
          %dma_start3A_75 = arith.constant 0 : i32
          %dma_start3A_76 = tpu.memref_slice %arg6[%dma_start3A_74, %dma_start3A_75] : memref<10000x128xf32, #tpu.memory_space<hbm>> -> memref<16x128xf32, #tpu.memory_space<hbm>>
          %dma_start3A_77 = arith.constant 9984 : i32
          %dma_start3A_78 = arith.constant 0 : i32
          %dma_start3A_79 = tpu.memref_slice %arg18[%dma_start3A_77, %dma_start3A_78] : memref<10128x128xf32, #tpu.memory_space<vmem_shared>> -> memref<16x128xf32, #tpu.memory_space<vmem_shared>>
          tpu.enqueue_dma source(%dma_start3A_79 : memref<16x128xf32, #tpu.memory_space<vmem_shared>>) target(%dma_start3A_76 : memref<16x128xf32, #tpu.memory_space<hbm>>) target_semaphore(%run_scoped3A : memref<!tpu.dma_semaphore, #tpu.memory_space<semaphore_mem>>)
          %dma_wait3A_80 = arith.constant 9984 : i32
          %dma_wait3A_81 = arith.constant 0 : i32
          %dma_wait3A_82 = tpu.memref_slice %arg6[%dma_wait3A_80, %dma_wait3A_81] : memref<10000x128xf32, #tpu.memory_space<hbm>> -> memref<16x128xf32, #tpu.memory_space<hbm>>
          %dma_wait3A_83 = arith.constant 9984 : i32
          %dma_wait3A_84 = arith.constant 0 : i32
          %dma_wait3A_85 = tpu.memref_slice %arg18[%dma_wait3A_83, %dma_wait3A_84] : memref<10128x128xf32, #tpu.memory_space<vmem_shared>> -> memref<16x128xf32, #tpu.memory_space<vmem_shared>>
          tpu.wait_dma2 semaphore(%run_scoped3A : memref<!tpu.dma_semaphore, #tpu.memory_space<semaphore_mem>>) src(%dma_wait3A_85 : memref<16x128xf32, #tpu.memory_space<vmem_shared>>) dst(%dma_wait3A_82 : memref<16x128xf32, #tpu.memory_space<hbm>>)
          tpu.yield
        }) : () -> ()
      } else {
      }
    } else {
    }
    %eq3A_64 = arith.constant 1 : i32
    %eq3A_65 = arith.cmpi eq, %arg0, %eq3A_64 : i32
    %convert_element_type3A_66 = arith.extui %eq3A_65 : i1 to i32
    %cond3A_67 = arith.constant 0 : i32
    %cond3A_68 = arith.cmpi ne, %convert_element_type3A_66, %cond3A_67 : i32
    scf.if %cond3A_68 {
      "tpu.region"() ({
        %run_scoped3A = tpu.sem_alloc : memref<!tpu.dma_semaphore, #tpu.memory_space<semaphore_mem>>
        %dma_start3A_74 = arith.constant 0 : i32
        %dma_start3A_75 = tpu.memref_slice %arg7[%mul3A_8, %dma_start3A_74] : memref<10000x128xf32, #tpu.memory_space<hbm>> -> memref<624x128xf32, #tpu.memory_space<hbm>>
        %dma_start3A_76 = arith.constant 0 : i32
        %dma_start3A_77 = tpu.memref_slice %arg18[%mul3A_8, %dma_start3A_76] : memref<10128x128xf32, #tpu.memory_space<vmem_shared>> -> memref<624x128xf32, #tpu.memory_space<vmem_shared>>
        tpu.enqueue_dma source(%dma_start3A_77 : memref<624x128xf32, #tpu.memory_space<vmem_shared>>) target(%dma_start3A_75 : memref<624x128xf32, #tpu.memory_space<hbm>>) target_semaphore(%run_scoped3A : memref<!tpu.dma_semaphore, #tpu.memory_space<semaphore_mem>>)
        %dma_wait3A_78 = arith.constant 0 : i32
        %dma_wait3A_79 = tpu.memref_slice %arg7[%mul3A_8, %dma_wait3A_78] : memref<10000x128xf32, #tpu.memory_space<hbm>> -> memref<624x128xf32, #tpu.memory_space<hbm>>
        %dma_wait3A_80 = arith.constant 0 : i32
        %dma_wait3A_81 = tpu.memref_slice %arg18[%mul3A_8, %dma_wait3A_80] : memref<10128x128xf32, #tpu.memory_space<vmem_shared>> -> memref<624x128xf32, #tpu.memory_space<vmem_shared>>
        tpu.wait_dma2 semaphore(%run_scoped3A : memref<!tpu.dma_semaphore, #tpu.memory_space<semaphore_mem>>) src(%dma_wait3A_81 : memref<624x128xf32, #tpu.memory_space<vmem_shared>>) dst(%dma_wait3A_79 : memref<624x128xf32, #tpu.memory_space<hbm>>)
        tpu.yield
      }) : () -> ()
      %eq3A_69 = arith.constant 0 : i32
      %eq3A_70 = arith.cmpi eq, %arg1, %eq3A_69 : i32
      %convert_element_type3A_71 = arith.extui %eq3A_70 : i1 to i32
      %cond3A_72 = arith.constant 0 : i32
      %cond3A_73 = arith.cmpi ne, %convert_element_type3A_71, %cond3A_72 : i32
      scf.if %cond3A_73 {
        "tpu.region"() ({
          %run_scoped3A = tpu.sem_alloc : memref<!tpu.dma_semaphore, #tpu.memory_space<semaphore_mem>>
          %dma_start3A_74 = arith.constant 9984 : i32
          %dma_start3A_75 = arith.constant 0 : i32
          %dma_start3A_76 = tpu.memref_slice %arg7[%dma_start3A_74, %dma_start3A_75] : memref<10000x128xf32, #tpu.memory_space<hbm>> -> memref<16x128xf32, #tpu.memory_space<hbm>>
          %dma_start3A_77 = arith.constant 9984 : i32
          %dma_start3A_78 = arith.constant 0 : i32
          %dma_start3A_79 = tpu.memref_slice %arg18[%dma_start3A_77, %dma_start3A_78] : memref<10128x128xf32, #tpu.memory_space<vmem_shared>> -> memref<16x128xf32, #tpu.memory_space<vmem_shared>>
          tpu.enqueue_dma source(%dma_start3A_79 : memref<16x128xf32, #tpu.memory_space<vmem_shared>>) target(%dma_start3A_76 : memref<16x128xf32, #tpu.memory_space<hbm>>) target_semaphore(%run_scoped3A : memref<!tpu.dma_semaphore, #tpu.memory_space<semaphore_mem>>)
          %dma_wait3A_80 = arith.constant 9984 : i32
          %dma_wait3A_81 = arith.constant 0 : i32
          %dma_wait3A_82 = tpu.memref_slice %arg7[%dma_wait3A_80, %dma_wait3A_81] : memref<10000x128xf32, #tpu.memory_space<hbm>> -> memref<16x128xf32, #tpu.memory_space<hbm>>
          %dma_wait3A_83 = arith.constant 9984 : i32
          %dma_wait3A_84 = arith.constant 0 : i32
          %dma_wait3A_85 = tpu.memref_slice %arg18[%dma_wait3A_83, %dma_wait3A_84] : memref<10128x128xf32, #tpu.memory_space<vmem_shared>> -> memref<16x128xf32, #tpu.memory_space<vmem_shared>>
          tpu.wait_dma2 semaphore(%run_scoped3A : memref<!tpu.dma_semaphore, #tpu.memory_space<semaphore_mem>>) src(%dma_wait3A_85 : memref<16x128xf32, #tpu.memory_space<vmem_shared>>) dst(%dma_wait3A_82 : memref<16x128xf32, #tpu.memory_space<hbm>>)
          tpu.yield
        }) : () -> ()
      } else {
      }
    } else {
    }
    return
  }
}

#map = affine_map<(d0, d1) -> (0, 0)>
#map1 = affine_map<(d0, d1) -> (0)>
module attributes {stable_mosaic.version = 14 : i64} {
  func.func @_scatter_kernel(%arg0: i32, %arg1: i32, %arg2: memref<10000x128xf32, #tpu.memory_space<hbm>>, %arg3: memref<10000x128xf32, #tpu.memory_space<hbm>>, %arg4: memref<163840xi32, #tpu.memory_space<hbm>>, %arg5: memref<163840xi32, #tpu.memory_space<hbm>>, %arg6: memref<10000x128xf32, #tpu.memory_space<hbm>>, %arg7: memref<10000x128xf32, #tpu.memory_space<hbm>>, %arg8: memref<128xi32, #tpu.memory_space<vmem>>, %arg9: memref<128xi32, #tpu.memory_space<vmem>>, %arg10: memref<128xi32, #tpu.memory_space<vmem>>, %arg11: memref<128xi32, #tpu.memory_space<vmem>>, %arg12: memref<128xi32, #tpu.memory_space<vmem>>, %arg13: memref<128xi32, #tpu.memory_space<vmem>>, %arg14: memref<128xi32, #tpu.memory_space<vmem>>, %arg15: memref<128xi32, #tpu.memory_space<vmem>>, %arg16: memref<128x128xf32, #tpu.memory_space<vmem>>, %arg17: memref<128x128xf32, #tpu.memory_space<vmem>>, %arg18: memref<10128x128xf32, #tpu.memory_space<vmem_shared>>, %arg19: memref<!tpu.dma_semaphore, #tpu.memory_space<semaphore_mem>>, %arg20: memref<!tpu.dma_semaphore, #tpu.memory_space<semaphore_mem>>, %arg21: memref<!tpu.dma_semaphore, #tpu.memory_space<semaphore_mem>>, %arg22: memref<!tpu.dma_semaphore, #tpu.memory_space<semaphore_mem>>, %arg23: memref<!tpu.dma_semaphore, #tpu.memory_space<semaphore_mem>>, %arg24: memref<!tpu.dma_semaphore, #tpu.memory_space<semaphore_mem>>) attributes {dimension_semantics = [#tpu.dimension_semantics<core_parallel>, #tpu.dimension_semantics<subcore_parallel>], iteration_bounds = array<i64: 2, 16>, scalar_prefetch = 0 : i64, scratch_operands = 17 : i64, tpu.core_type = #tpu.core_type<sc_vector_subcore>, window_params = [{transform_indices = #map}, {transform_indices = #map}, {transform_indices = #map1}, {transform_indices = #map1}, {transform_indices = #map}, {transform_indices = #map}]} {
    %mul3A = arith.constant 80 : i32
    %mul3A_0 = arith.muli %arg1, %mul3A : i32
    %broadcast_in_dim3A = arith.constant 0.000000e+00 : f32
    %broadcast_in_dim3A_1 = vector.broadcast %broadcast_in_dim3A : f32 to vector<16xf32>
    %scan3A = arith.constant 0 : i32
    %scan3A_2 = arith.constant 0 : i32
    %scan3A_3 = arith.constant 128 : i32
    %scan3A_4 = arith.addi %scan3A_2, %scan3A_3 : i32
    %scan3A_5 = arith.constant 1 : i32
    scf.for %scan3A_69 = %scan3A_2 to %scan3A_4 step %scan3A_5  : i32 {
      %swap3A = arith.index_cast %scan3A_69 : i32 to index
      %swap3A_70 = arith.constant 0 : index
      %swap3A_71 = tpu.vector_load %arg16[%swap3A, %swap3A_70] {strides = array<i32>} : memref<128x128xf32, #tpu.memory_space<vmem>>, vector<1x16xf32>,
      %swap3A_72 = vector.shape_cast %swap3A_71 : vector<1x16xf32> to vector<16xf32>
      %swap3A_73 = vector.shape_cast %broadcast_in_dim3A_1 : vector<16xf32> to vector<1x16xf32>
      tpu.vector_store %arg16[%swap3A, %swap3A_70], %swap3A_73 {strides = array<i32>} : memref<128x128xf32, #tpu.memory_space<vmem>>, vector<1x16xf32>,
      %swap3A_74 = arith.index_cast %scan3A_69 : i32 to index
      %swap3A_75 = arith.constant 16 : index
      %swap3A_76 = tpu.vector_load %arg16[%swap3A_74, %swap3A_75] {strides = array<i32>} : memref<128x128xf32, #tpu.memory_space<vmem>>, vector<1x16xf32>,
      %swap3A_77 = vector.shape_cast %swap3A_76 : vector<1x16xf32> to vector<16xf32>
      %swap3A_78 = vector.shape_cast %broadcast_in_dim3A_1 : vector<16xf32> to vector<1x16xf32>
      tpu.vector_store %arg16[%swap3A_74, %swap3A_75], %swap3A_78 {strides = array<i32>} : memref<128x128xf32, #tpu.memory_space<vmem>>, vector<1x16xf32>,
      %swap3A_79 = arith.index_cast %scan3A_69 : i32 to index
      %swap3A_80 = arith.constant 32 : index
      %swap3A_81 = tpu.vector_load %arg16[%swap3A_79, %swap3A_80] {strides = array<i32>} : memref<128x128xf32, #tpu.memory_space<vmem>>, vector<1x16xf32>,
      %swap3A_82 = vector.shape_cast %swap3A_81 : vector<1x16xf32> to vector<16xf32>
      %swap3A_83 = vector.shape_cast %broadcast_in_dim3A_1 : vector<16xf32> to vector<1x16xf32>
      tpu.vector_store %arg16[%swap3A_79, %swap3A_80], %swap3A_83 {strides = array<i32>} : memref<128x128xf32, #tpu.memory_space<vmem>>, vector<1x16xf32>,
      %swap3A_84 = arith.index_cast %scan3A_69 : i32 to index
      %swap3A_85 = arith.constant 48 : index
      %swap3A_86 = tpu.vector_load %arg16[%swap3A_84, %swap3A_85] {strides = array<i32>} : memref<128x128xf32, #tpu.memory_space<vmem>>, vector<1x16xf32>,
      %swap3A_87 = vector.shape_cast %swap3A_86 : vector<1x16xf32> to vector<16xf32>
      %swap3A_88 = vector.shape_cast %broadcast_in_dim3A_1 : vector<16xf32> to vector<1x16xf32>
      tpu.vector_store %arg16[%swap3A_84, %swap3A_85], %swap3A_88 {strides = array<i32>} : memref<128x128xf32, #tpu.memory_space<vmem>>, vector<1x16xf32>,
      %swap3A_89 = arith.index_cast %scan3A_69 : i32 to index
      %swap3A_90 = arith.constant 64 : index
      %swap3A_91 = tpu.vector_load %arg16[%swap3A_89, %swap3A_90] {strides = array<i32>} : memref<128x128xf32, #tpu.memory_space<vmem>>, vector<1x16xf32>,
      %swap3A_92 = vector.shape_cast %swap3A_91 : vector<1x16xf32> to vector<16xf32>
      %swap3A_93 = vector.shape_cast %broadcast_in_dim3A_1 : vector<16xf32> to vector<1x16xf32>
      tpu.vector_store %arg16[%swap3A_89, %swap3A_90], %swap3A_93 {strides = array<i32>} : memref<128x128xf32, #tpu.memory_space<vmem>>, vector<1x16xf32>,
      %swap3A_94 = arith.index_cast %scan3A_69 : i32 to index
      %swap3A_95 = arith.constant 80 : index
      %swap3A_96 = tpu.vector_load %arg16[%swap3A_94, %swap3A_95] {strides = array<i32>} : memref<128x128xf32, #tpu.memory_space<vmem>>, vector<1x16xf32>,
      %swap3A_97 = vector.shape_cast %swap3A_96 : vector<1x16xf32> to vector<16xf32>
      %swap3A_98 = vector.shape_cast %broadcast_in_dim3A_1 : vector<16xf32> to vector<1x16xf32>
      tpu.vector_store %arg16[%swap3A_94, %swap3A_95], %swap3A_98 {strides = array<i32>} : memref<128x128xf32, #tpu.memory_space<vmem>>, vector<1x16xf32>,
      %swap3A_99 = arith.index_cast %scan3A_69 : i32 to index
      %swap3A_100 = arith.constant 96 : index
      %swap3A_101 = tpu.vector_load %arg16[%swap3A_99, %swap3A_100] {strides = array<i32>} : memref<128x128xf32, #tpu.memory_space<vmem>>, vector<1x16xf32>,
      %swap3A_102 = vector.shape_cast %swap3A_101 : vector<1x16xf32> to vector<16xf32>
      %swap3A_103 = vector.shape_cast %broadcast_in_dim3A_1 : vector<16xf32> to vector<1x16xf32>
      tpu.vector_store %arg16[%swap3A_99, %swap3A_100], %swap3A_103 {strides = array<i32>} : memref<128x128xf32, #tpu.memory_space<vmem>>, vector<1x16xf32>,
      %swap3A_104 = arith.index_cast %scan3A_69 : i32 to index
      %swap3A_105 = arith.constant 112 : index
      %swap3A_106 = tpu.vector_load %arg16[%swap3A_104, %swap3A_105] {strides = array<i32>} : memref<128x128xf32, #tpu.memory_space<vmem>>, vector<1x16xf32>,
      %swap3A_107 = vector.shape_cast %swap3A_106 : vector<1x16xf32> to vector<16xf32>
      %swap3A_108 = vector.shape_cast %broadcast_in_dim3A_1 : vector<16xf32> to vector<1x16xf32>
      tpu.vector_store %arg16[%swap3A_104, %swap3A_105], %swap3A_108 {strides = array<i32>} : memref<128x128xf32, #tpu.memory_space<vmem>>, vector<1x16xf32>,
    }
    %scan3A_6 = arith.constant 128 : i32
    %mul3A_7 = arith.constant 624 : i32
    %mul3A_8 = arith.muli %arg1, %mul3A_7 : i32
    %add3A = arith.constant 0 : i32
    %add3A_9 = arith.addi %mul3A_8, %add3A : i32
    "tpu.region"() ({
      %run_scoped3A = tpu.sem_alloc : memref<!tpu.dma_semaphore, #tpu.memory_space<semaphore_mem>>
      %dma_start3A_69 = arith.constant 0 : i32
      %dma_start3A_70 = tpu.memref_slice %arg18[%add3A_9, %dma_start3A_69] : memref<10128x128xf32, #tpu.memory_space<vmem_shared>> -> memref<128x128xf32, #tpu.memory_space<vmem_shared>>
      %dma_start3A_71 = arith.constant 0 : i32
      %dma_start3A_72 = tpu.memref_slice %arg18[%add3A_9, %dma_start3A_71] : memref<10128x128xf32, #tpu.memory_space<vmem_shared>> -> memref<128x128xf32, #tpu.memory_space<vmem_shared>>
      tpu.enqueue_dma source(%arg16 : memref<128x128xf32, #tpu.memory_space<vmem>>) target(%dma_start3A_72 : memref<128x128xf32, #tpu.memory_space<vmem_shared>>) target_semaphore(%run_scoped3A : memref<!tpu.dma_semaphore, #tpu.memory_space<semaphore_mem>>)
      %dma_wait3A_73 = arith.constant 0 : i32
      %dma_wait3A_74 = tpu.memref_slice %arg18[%add3A_9, %dma_wait3A_73] : memref<10128x128xf32, #tpu.memory_space<vmem_shared>> -> memref<128x128xf32, #tpu.memory_space<vmem_shared>>
      %dma_wait3A_75 = arith.constant 0 : i32
      %dma_wait3A_76 = tpu.memref_slice %arg18[%add3A_9, %dma_wait3A_75] : memref<10128x128xf32, #tpu.memory_space<vmem_shared>> -> memref<128x128xf32, #tpu.memory_space<vmem_shared>>
      tpu.wait_dma2 semaphore(%run_scoped3A : memref<!tpu.dma_semaphore, #tpu.memory_space<semaphore_mem>>) src(%arg16 : memref<128x128xf32, #tpu.memory_space<vmem>>) dst(%dma_wait3A_76 : memref<128x128xf32, #tpu.memory_space<vmem_shared>>)
      tpu.yield
    }) : () -> ()
    %add3A_10 = arith.constant 128 : i32
    %add3A_11 = arith.addi %mul3A_8, %add3A_10 : i32
    "tpu.region"() ({
      %run_scoped3A = tpu.sem_alloc : memref<!tpu.dma_semaphore, #tpu.memory_space<semaphore_mem>>
      %dma_start3A_69 = arith.constant 0 : i32
      %dma_start3A_70 = tpu.memref_slice %arg18[%add3A_11, %dma_start3A_69] : memref<10128x128xf32, #tpu.memory_space<vmem_shared>> -> memref<128x128xf32, #tpu.memory_space<vmem_shared>>
      %dma_start3A_71 = arith.constant 0 : i32
      %dma_start3A_72 = tpu.memref_slice %arg18[%add3A_11, %dma_start3A_71] : memref<10128x128xf32, #tpu.memory_space<vmem_shared>> -> memref<128x128xf32, #tpu.memory_space<vmem_shared>>
      tpu.enqueue_dma source(%arg16 : memref<128x128xf32, #tpu.memory_space<vmem>>) target(%dma_start3A_72 : memref<128x128xf32, #tpu.memory_space<vmem_shared>>) target_semaphore(%run_scoped3A : memref<!tpu.dma_semaphore, #tpu.memory_space<semaphore_mem>>)
      %dma_wait3A_73 = arith.constant 0 : i32
      %dma_wait3A_74 = tpu.memref_slice %arg18[%add3A_11, %dma_wait3A_73] : memref<10128x128xf32, #tpu.memory_space<vmem_shared>> -> memref<128x128xf32, #tpu.memory_space<vmem_shared>>
      %dma_wait3A_75 = arith.constant 0 : i32
      %dma_wait3A_76 = tpu.memref_slice %arg18[%add3A_11, %dma_wait3A_75] : memref<10128x128xf32, #tpu.memory_space<vmem_shared>> -> memref<128x128xf32, #tpu.memory_space<vmem_shared>>
      tpu.wait_dma2 semaphore(%run_scoped3A : memref<!tpu.dma_semaphore, #tpu.memory_space<semaphore_mem>>) src(%arg16 : memref<128x128xf32, #tpu.memory_space<vmem>>) dst(%dma_wait3A_76 : memref<128x128xf32, #tpu.memory_space<vmem_shared>>)
      tpu.yield
    }) : () -> ()
    %add3A_12 = arith.constant 256 : i32
    %add3A_13 = arith.addi %mul3A_8, %add3A_12 : i32
    "tpu.region"() ({
      %run_scoped3A = tpu.sem_alloc : memref<!tpu.dma_semaphore, #tpu.memory_space<semaphore_mem>>
      %dma_start3A_69 = arith.constant 0 : i32
      %dma_start3A_70 = tpu.memref_slice %arg18[%add3A_13, %dma_start3A_69] : memref<10128x128xf32, #tpu.memory_space<vmem_shared>> -> memref<128x128xf32, #tpu.memory_space<vmem_shared>>
      %dma_start3A_71 = arith.constant 0 : i32
      %dma_start3A_72 = tpu.memref_slice %arg18[%add3A_13, %dma_start3A_71] : memref<10128x128xf32, #tpu.memory_space<vmem_shared>> -> memref<128x128xf32, #tpu.memory_space<vmem_shared>>
      tpu.enqueue_dma source(%arg16 : memref<128x128xf32, #tpu.memory_space<vmem>>) target(%dma_start3A_72 : memref<128x128xf32, #tpu.memory_space<vmem_shared>>) target_semaphore(%run_scoped3A : memref<!tpu.dma_semaphore, #tpu.memory_space<semaphore_mem>>)
      %dma_wait3A_73 = arith.constant 0 : i32
      %dma_wait3A_74 = tpu.memref_slice %arg18[%add3A_13, %dma_wait3A_73] : memref<10128x128xf32, #tpu.memory_space<vmem_shared>> -> memref<128x128xf32, #tpu.memory_space<vmem_shared>>
      %dma_wait3A_75 = arith.constant 0 : i32
      %dma_wait3A_76 = tpu.memref_slice %arg18[%add3A_13, %dma_wait3A_75] : memref<10128x128xf32, #tpu.memory_space<vmem_shared>> -> memref<128x128xf32, #tpu.memory_space<vmem_shared>>
      tpu.wait_dma2 semaphore(%run_scoped3A : memref<!tpu.dma_semaphore, #tpu.memory_space<semaphore_mem>>) src(%arg16 : memref<128x128xf32, #tpu.memory_space<vmem>>) dst(%dma_wait3A_76 : memref<128x128xf32, #tpu.memory_space<vmem_shared>>)
      tpu.yield
    }) : () -> ()
    %add3A_14 = arith.constant 384 : i32
    %add3A_15 = arith.addi %mul3A_8, %add3A_14 : i32
    "tpu.region"() ({
      %run_scoped3A = tpu.sem_alloc : memref<!tpu.dma_semaphore, #tpu.memory_space<semaphore_mem>>
      %dma_start3A_69 = arith.constant 0 : i32
      %dma_start3A_70 = tpu.memref_slice %arg18[%add3A_15, %dma_start3A_69] : memref<10128x128xf32, #tpu.memory_space<vmem_shared>> -> memref<128x128xf32, #tpu.memory_space<vmem_shared>>
      %dma_start3A_71 = arith.constant 0 : i32
      %dma_start3A_72 = tpu.memref_slice %arg18[%add3A_15, %dma_start3A_71] : memref<10128x128xf32, #tpu.memory_space<vmem_shared>> -> memref<128x128xf32, #tpu.memory_space<vmem_shared>>
      tpu.enqueue_dma source(%arg16 : memref<128x128xf32, #tpu.memory_space<vmem>>) target(%dma_start3A_72 : memref<128x128xf32, #tpu.memory_space<vmem_shared>>) target_semaphore(%run_scoped3A : memref<!tpu.dma_semaphore, #tpu.memory_space<semaphore_mem>>)
      %dma_wait3A_73 = arith.constant 0 : i32
      %dma_wait3A_74 = tpu.memref_slice %arg18[%add3A_15, %dma_wait3A_73] : memref<10128x128xf32, #tpu.memory_space<vmem_shared>> -> memref<128x128xf32, #tpu.memory_space<vmem_shared>>
      %dma_wait3A_75 = arith.constant 0 : i32
      %dma_wait3A_76 = tpu.memref_slice %arg18[%add3A_15, %dma_wait3A_75] : memref<10128x128xf32, #tpu.memory_space<vmem_shared>> -> memref<128x128xf32, #tpu.memory_space<vmem_shared>>
      tpu.wait_dma2 semaphore(%run_scoped3A : memref<!tpu.dma_semaphore, #tpu.memory_space<semaphore_mem>>) src(%arg16 : memref<128x128xf32, #tpu.memory_space<vmem>>) dst(%dma_wait3A_76 : memref<128x128xf32, #tpu.memory_space<vmem_shared>>)
      tpu.yield
    }) : () -> ()
    %add3A_16 = arith.constant 512 : i32
    %add3A_17 = arith.addi %mul3A_8, %add3A_16 : i32
    "tpu.region"() ({
      %run_scoped3A = tpu.sem_alloc : memref<!tpu.dma_semaphore, #tpu.memory_space<semaphore_mem>>
      %dma_start3A_69 = arith.constant 0 : i32
      %dma_start3A_70 = arith.constant 0 : i32
      %dma_start3A_71 = tpu.memref_slice %arg16[%dma_start3A_69, %dma_start3A_70] : memref<128x128xf32, #tpu.memory_space<vmem>> -> memref<112x128xf32, #tpu.memory_space<vmem>>
      %dma_start3A_72 = arith.constant 0 : i32
      %dma_start3A_73 = tpu.memref_slice %arg18[%add3A_17, %dma_start3A_72] : memref<10128x128xf32, #tpu.memory_space<vmem_shared>> -> memref<112x128xf32, #tpu.memory_space<vmem_shared>>
      %dma_start3A_74 = arith.constant 0 : i32
      %dma_start3A_75 = tpu.memref_slice %arg18[%add3A_17, %dma_start3A_74] : memref<10128x128xf32, #tpu.memory_space<vmem_shared>> -> memref<112x128xf32, #tpu.memory_space<vmem_shared>>
      %dma_start3A_76 = arith.constant 0 : i32
      %dma_start3A_77 = arith.constant 0 : i32
      %dma_start3A_78 = tpu.memref_slice %arg16[%dma_start3A_76, %dma_start3A_77] : memref<128x128xf32, #tpu.memory_space<vmem>> -> memref<112x128xf32, #tpu.memory_space<vmem>>
      tpu.enqueue_dma source(%dma_start3A_78 : memref<112x128xf32, #tpu.memory_space<vmem>>) target(%dma_start3A_75 : memref<112x128xf32, #tpu.memory_space<vmem_shared>>) target_semaphore(%run_scoped3A : memref<!tpu.dma_semaphore, #tpu.memory_space<semaphore_mem>>)
      %dma_wait3A_79 = arith.constant 0 : i32
      %dma_wait3A_80 = arith.constant 0 : i32
      %dma_wait3A_81 = tpu.memref_slice %arg16[%dma_wait3A_79, %dma_wait3A_80] : memref<128x128xf32, #tpu.memory_space<vmem>> -> memref<112x128xf32, #tpu.memory_space<vmem>>
      %dma_wait3A_82 = arith.constant 0 : i32
      %dma_wait3A_83 = tpu.memref_slice %arg18[%add3A_17, %dma_wait3A_82] : memref<10128x128xf32, #tpu.memory_space<vmem_shared>> -> memref<112x128xf32, #tpu.memory_space<vmem_shared>>
      %dma_wait3A_84 = arith.constant 0 : i32
      %dma_wait3A_85 = tpu.memref_slice %arg18[%add3A_17, %dma_wait3A_84] : memref<10128x128xf32, #tpu.memory_space<vmem_shared>> -> memref<112x128xf32, #tpu.memory_space<vmem_shared>>
      %dma_wait3A_86 = arith.constant 0 : i32
      %dma_wait3A_87 = arith.constant 0 : i32
      %dma_wait3A_88 = tpu.memref_slice %arg16[%dma_wait3A_86, %dma_wait3A_87] : memref<128x128xf32, #tpu.memory_space<vmem>> -> memref<112x128xf32, #tpu.memory_space<vmem>>
      tpu.wait_dma2 semaphore(%run_scoped3A : memref<!tpu.dma_semaphore, #tpu.memory_space<semaphore_mem>>) src(%dma_wait3A_88 : memref<112x128xf32, #tpu.memory_space<vmem>>) dst(%dma_wait3A_85 : memref<112x128xf32, #tpu.memory_space<vmem_shared>>)
      tpu.yield
    }) : () -> ()
    %eq3A = arith.constant 0 : i32
    %eq3A_18 = arith.cmpi eq, %arg1, %eq3A : i32
    %convert_element_type3A = arith.extui %eq3A_18 : i1 to i32
    %cond3A = arith.constant 0 : i32
    %cond3A_19 = arith.cmpi ne, %convert_element_type3A, %cond3A : i32
    scf.if %cond3A_19 {
      "tpu.region"() ({
        %run_scoped3A = tpu.sem_alloc : memref<!tpu.dma_semaphore, #tpu.memory_space<semaphore_mem>>
        %dma_start3A_69 = arith.constant 0 : i32
        %dma_start3A_70 = arith.constant 0 : i32
        %dma_start3A_71 = tpu.memref_slice %arg16[%dma_start3A_69, %dma_start3A_70] : memref<128x128xf32, #tpu.memory_space<vmem>> -> memref<16x128xf32, #tpu.memory_space<vmem>>
        %dma_start3A_72 = arith.constant 9984 : i32
        %dma_start3A_73 = arith.constant 0 : i32
        %dma_start3A_74 = tpu.memref_slice %arg18[%dma_start3A_72, %dma_start3A_73] : memref<10128x128xf32, #tpu.memory_space<vmem_shared>> -> memref<16x128xf32, #tpu.memory_space<vmem_shared>>
        %dma_start3A_75 = arith.constant 9984 : i32
        %dma_start3A_76 = arith.constant 0 : i32
        %dma_start3A_77 = tpu.memref_slice %arg18[%dma_start3A_75, %dma_start3A_76] : memref<10128x128xf32, #tpu.memory_space<vmem_shared>> -> memref<16x128xf32, #tpu.memory_space<vmem_shared>>
        %dma_start3A_78 = arith.constant 0 : i32
        %dma_start3A_79 = arith.constant 0 : i32
        %dma_start3A_80 = tpu.memref_slice %arg16[%dma_start3A_78, %dma_start3A_79] : memref<128x128xf32, #tpu.memory_space<vmem>> -> memref<16x128xf32, #tpu.memory_space<vmem>>
        tpu.enqueue_dma source(%dma_start3A_80 : memref<16x128xf32, #tpu.memory_space<vmem>>) target(%dma_start3A_77 : memref<16x128xf32, #tpu.memory_space<vmem_shared>>) target_semaphore(%run_scoped3A : memref<!tpu.dma_semaphore, #tpu.memory_space<semaphore_mem>>)
        %dma_wait3A_81 = arith.constant 0 : i32
        %dma_wait3A_82 = arith.constant 0 : i32
        %dma_wait3A_83 = tpu.memref_slice %arg16[%dma_wait3A_81, %dma_wait3A_82] : memref<128x128xf32, #tpu.memory_space<vmem>> -> memref<16x128xf32, #tpu.memory_space<vmem>>
        %dma_wait3A_84 = arith.constant 9984 : i32
        %dma_wait3A_85 = arith.constant 0 : i32
        %dma_wait3A_86 = tpu.memref_slice %arg18[%dma_wait3A_84, %dma_wait3A_85] : memref<10128x128xf32, #tpu.memory_space<vmem_shared>> -> memref<16x128xf32, #tpu.memory_space<vmem_shared>>
        %dma_wait3A_87 = arith.constant 9984 : i32
        %dma_wait3A_88 = arith.constant 0 : i32
        %dma_wait3A_89 = tpu.memref_slice %arg18[%dma_wait3A_87, %dma_wait3A_88] : memref<10128x128xf32, #tpu.memory_space<vmem_shared>> -> memref<16x128xf32, #tpu.memory_space<vmem_shared>>
        %dma_wait3A_90 = arith.constant 0 : i32
        %dma_wait3A_91 = arith.constant 0 : i32
        %dma_wait3A_92 = tpu.memref_slice %arg16[%dma_wait3A_90, %dma_wait3A_91] : memref<128x128xf32, #tpu.memory_space<vmem>> -> memref<16x128xf32, #tpu.memory_space<vmem>>
        tpu.wait_dma2 semaphore(%run_scoped3A : memref<!tpu.dma_semaphore, #tpu.memory_space<semaphore_mem>>) src(%dma_wait3A_92 : memref<16x128xf32, #tpu.memory_space<vmem>>) dst(%dma_wait3A_89 : memref<16x128xf32, #tpu.memory_space<vmem_shared>>)
        tpu.yield
      }) : () -> ()
    } else {
    }
    %barrier3A = arith.constant 0 : index
    tpu.barrier barrier_id(%barrier3A)
    %add3A_20 = arith.constant 0 : i32
    %add3A_21 = arith.addi %mul3A_0, %add3A_20 : i32
    %mul3A_22 = arith.constant 128 : i32
    %mul3A_23 = arith.muli %add3A_21, %mul3A_22 : i32
    %dma_start3A = tpu.memref_slice %arg4[%mul3A_23] : memref<163840xi32, #tpu.memory_space<hbm>> -> memref<128xi32, #tpu.memory_space<hbm>>
    %dma_start3A_24 = tpu.memref_slice %arg4[%mul3A_23] : memref<163840xi32, #tpu.memory_space<hbm>> -> memref<128xi32, #tpu.memory_space<hbm>>
    tpu.enqueue_dma source(%dma_start3A_24 : memref<128xi32, #tpu.memory_space<hbm>>) target(%arg8 : memref<128xi32, #tpu.memory_space<vmem>>) target_semaphore(%arg21 : memref<!tpu.dma_semaphore, #tpu.memory_space<semaphore_mem>>)
    %dma_start3A_25 = tpu.memref_slice %arg5[%mul3A_23] : memref<163840xi32, #tpu.memory_space<hbm>> -> memref<128xi32, #tpu.memory_space<hbm>>
    %dma_start3A_26 = tpu.memref_slice %arg5[%mul3A_23] : memref<163840xi32, #tpu.memory_space<hbm>> -> memref<128xi32, #tpu.memory_space<hbm>>
    tpu.enqueue_dma source(%dma_start3A_26 : memref<128xi32, #tpu.memory_space<hbm>>) target(%arg9 : memref<128xi32, #tpu.memory_space<vmem>>) target_semaphore(%arg21 : memref<!tpu.dma_semaphore, #tpu.memory_space<semaphore_mem>>)
    %add3A_27 = arith.constant 1 : i32
    %add3A_28 = arith.addi %mul3A_0, %add3A_27 : i32
    %mul3A_29 = arith.constant 128 : i32
    %mul3A_30 = arith.muli %add3A_28, %mul3A_29 : i32
    %dma_start3A_31 = tpu.memref_slice %arg4[%mul3A_30] : memref<163840xi32, #tpu.memory_space<hbm>> -> memref<128xi32, #tpu.memory_space<hbm>>
    %dma_start3A_32 = tpu.memref_slice %arg4[%mul3A_30] : memref<163840xi32, #tpu.memory_space<hbm>> -> memref<128xi32, #tpu.memory_space<hbm>>
    tpu.enqueue_dma source(%dma_start3A_32 : memref<128xi32, #tpu.memory_space<hbm>>) target(%arg10 : memref<128xi32, #tpu.memory_space<vmem>>) target_semaphore(%arg22 : memref<!tpu.dma_semaphore, #tpu.memory_space<semaphore_mem>>)
    %dma_start3A_33 = tpu.memref_slice %arg5[%mul3A_30] : memref<163840xi32, #tpu.memory_space<hbm>> -> memref<128xi32, #tpu.memory_space<hbm>>
    %dma_start3A_34 = tpu.memref_slice %arg5[%mul3A_30] : memref<163840xi32, #tpu.memory_space<hbm>> -> memref<128xi32, #tpu.memory_space<hbm>>
    tpu.enqueue_dma source(%dma_start3A_34 : memref<128xi32, #tpu.memory_space<hbm>>) target(%arg11 : memref<128xi32, #tpu.memory_space<vmem>>) target_semaphore(%arg22 : memref<!tpu.dma_semaphore, #tpu.memory_space<semaphore_mem>>)
    %add3A_35 = arith.constant 0 : i32
    %add3A_36 = arith.addi %mul3A_0, %add3A_35 : i32
    %mul3A_37 = arith.constant 128 : i32
    %mul3A_38 = arith.muli %add3A_36, %mul3A_37 : i32
    %dma_wait3A = tpu.memref_slice %arg4[%mul3A_38] : memref<163840xi32, #tpu.memory_space<hbm>> -> memref<128xi32, #tpu.memory_space<hbm>>
    %dma_wait3A_39 = tpu.memref_slice %arg4[%mul3A_38] : memref<163840xi32, #tpu.memory_space<hbm>> -> memref<128xi32, #tpu.memory_space<hbm>>
    tpu.wait_dma2 semaphore(%arg21 : memref<!tpu.dma_semaphore, #tpu.memory_space<semaphore_mem>>) src(%dma_wait3A_39 : memref<128xi32, #tpu.memory_space<hbm>>) dst(%arg8 : memref<128xi32, #tpu.memory_space<vmem>>)
    %dma_wait3A_40 = tpu.memref_slice %arg5[%mul3A_38] : memref<163840xi32, #tpu.memory_space<hbm>> -> memref<128xi32, #tpu.memory_space<hbm>>
    %dma_wait3A_41 = tpu.memref_slice %arg5[%mul3A_38] : memref<163840xi32, #tpu.memory_space<hbm>> -> memref<128xi32, #tpu.memory_space<hbm>>
    tpu.wait_dma2 semaphore(%arg21 : memref<!tpu.dma_semaphore, #tpu.memory_space<semaphore_mem>>) src(%dma_wait3A_41 : memref<128xi32, #tpu.memory_space<hbm>>) dst(%arg9 : memref<128xi32, #tpu.memory_space<vmem>>)
    %eq3A_42 = arith.constant 0 : i32
    %eq3A_43 = arith.cmpi eq, %arg0, %eq3A_42 : i32
    %convert_element_type3A_44 = arith.extui %eq3A_43 : i1 to i32
    %cond3A_45 = arith.constant 0 : i32
    %cond3A_46 = arith.cmpi ne, %convert_element_type3A_44, %cond3A_45 : i32
    scf.if %cond3A_46 {
      %dma_start3A_69 = arith.constant 0 : i32
      %dma_start3A_70 = arith.constant 0 : i32
      %dma_start3A_71 = tpu.memref_slice %arg2[%dma_start3A_69, %dma_start3A_70] : memref<10000x128xf32, #tpu.memory_space<hbm>> -> memref<10000x128xf32, #tpu.memory_space<hbm>>
      tpu.enqueue_indirect_dma source(%dma_start3A_71 : memref<10000x128xf32, #tpu.memory_space<hbm>>) target(%arg16 : memref<128x128xf32, #tpu.memory_space<vmem>>) offsets(%arg8 : memref<128xi32, #tpu.memory_space<vmem>>) semaphore(%arg19 : memref<!tpu.dma_semaphore, #tpu.memory_space<semaphore_mem>>)
    } else {
    }
    %eq3A_47 = arith.constant 1 : i32
    %eq3A_48 = arith.cmpi eq, %arg0, %eq3A_47 : i32
    %convert_element_type3A_49 = arith.extui %eq3A_48 : i1 to i32
    %cond3A_50 = arith.constant 0 : i32
    %cond3A_51 = arith.cmpi ne, %convert_element_type3A_49, %cond3A_50 : i32
    scf.if %cond3A_51 {
      %dma_start3A_69 = arith.constant 0 : i32
      %dma_start3A_70 = arith.constant 0 : i32
      %dma_start3A_71 = tpu.memref_slice %arg3[%dma_start3A_69, %dma_start3A_70] : memref<10000x128xf32, #tpu.memory_space<hbm>> -> memref<10000x128xf32, #tpu.memory_space<hbm>>
      tpu.enqueue_indirect_dma source(%dma_start3A_71 : memref<10000x128xf32, #tpu.memory_space<hbm>>) target(%arg16 : memref<128x128xf32, #tpu.memory_space<vmem>>) offsets(%arg8 : memref<128xi32, #tpu.memory_space<vmem>>) semaphore(%arg19 : memref<!tpu.dma_semaphore, #tpu.memory_space<semaphore_mem>>)
    } else {
    }
    %scan3A_52 = arith.constant 0 : i32
    %scan3A_53 = arith.constant 0 : i32
    %scan3A_54 = arith.constant 20 : i32
    %scan3A_55 = arith.addi %scan3A_53, %scan3A_54 : i32
    %scan3A_56 = arith.constant 1 : i32
    scf.for %scan3A_69 = %scan3A_53 to %scan3A_55 step %scan3A_56  : i32 {
      %mul3A_70 = arith.constant 4 : i32
      %mul3A_71 = arith.muli %mul3A_70, %scan3A_69 : i32
      %add3A_72 = arith.constant 0 : i32
      %add3A_73 = arith.addi %mul3A_71, %add3A_72 : i32
      %add3A_74 = arith.constant 2 : i32
      %add3A_75 = arith.addi %add3A_73, %add3A_74 : i32
      %lt3A = arith.constant 80 : i32
      %lt3A_76 = arith.cmpi slt, %add3A_75, %lt3A : i32
      %convert_element_type3A_77 = arith.extui %lt3A_76 : i1 to i32
      %cond3A_78 = arith.constant 0 : i32
      %cond3A_79 = arith.cmpi ne, %convert_element_type3A_77, %cond3A_78 : i32
      scf.if %cond3A_79 {
        %add3A_181 = arith.constant 2 : i32
        %add3A_182 = arith.addi %add3A_73, %add3A_181 : i32
        %add3A_183 = arith.addi %mul3A_0, %add3A_182 : i32
        %mul3A_184 = arith.constant 128 : i32
        %mul3A_185 = arith.muli %add3A_183, %mul3A_184 : i32
        %dma_start3A_186 = tpu.memref_slice %arg4[%mul3A_185] : memref<163840xi32, #tpu.memory_space<hbm>> -> memref<128xi32, #tpu.memory_space<hbm>>
        %dma_start3A_187 = tpu.memref_slice %arg4[%mul3A_185] : memref<163840xi32, #tpu.memory_space<hbm>> -> memref<128xi32, #tpu.memory_space<hbm>>
        tpu.enqueue_dma source(%dma_start3A_187 : memref<128xi32, #tpu.memory_space<hbm>>) target(%arg12 : memref<128xi32, #tpu.memory_space<vmem>>) target_semaphore(%arg23 : memref<!tpu.dma_semaphore, #tpu.memory_space<semaphore_mem>>)
        %dma_start3A_188 = tpu.memref_slice %arg5[%mul3A_185] : memref<163840xi32, #tpu.memory_space<hbm>> -> memref<128xi32, #tpu.memory_space<hbm>>
        %dma_start3A_189 = tpu.memref_slice %arg5[%mul3A_185] : memref<163840xi32, #tpu.memory_space<hbm>> -> memref<128xi32, #tpu.memory_space<hbm>>
        tpu.enqueue_dma source(%dma_start3A_189 : memref<128xi32, #tpu.memory_space<hbm>>) target(%arg13 : memref<128xi32, #tpu.memory_space<vmem>>) target_semaphore(%arg23 : memref<!tpu.dma_semaphore, #tpu.memory_space<semaphore_mem>>)
      } else {
      }
      %add3A_80 = arith.constant 1 : i32
      %add3A_81 = arith.addi %add3A_73, %add3A_80 : i32
      %lt3A_82 = arith.constant 80 : i32
      %lt3A_83 = arith.cmpi slt, %add3A_81, %lt3A_82 : i32
      %convert_element_type3A_84 = arith.extui %lt3A_83 : i1 to i32
      %cond3A_85 = arith.constant 0 : i32
      %cond3A_86 = arith.cmpi ne, %convert_element_type3A_84, %cond3A_85 : i32
      scf.if %cond3A_86 {
        %add3A_181 = arith.constant 1 : i32
        %add3A_182 = arith.addi %add3A_73, %add3A_181 : i32
        %add3A_183 = arith.addi %mul3A_0, %add3A_182 : i32
        %mul3A_184 = arith.constant 128 : i32
        %mul3A_185 = arith.muli %add3A_183, %mul3A_184 : i32
        %dma_wait3A_186 = tpu.memref_slice %arg4[%mul3A_185] : memref<163840xi32, #tpu.memory_space<hbm>> -> memref<128xi32, #tpu.memory_space<hbm>>
        %dma_wait3A_187 = tpu.memref_slice %arg4[%mul3A_185] : memref<163840xi32, #tpu.memory_space<hbm>> -> memref<128xi32, #tpu.memory_space<hbm>>
        tpu.wait_dma2 semaphore(%arg22 : memref<!tpu.dma_semaphore, #tpu.memory_space<semaphore_mem>>) src(%dma_wait3A_187 : memref<128xi32, #tpu.memory_space<hbm>>) dst(%arg10 : memref<128xi32, #tpu.memory_space<vmem>>)
        %dma_wait3A_188 = tpu.memref_slice %arg5[%mul3A_185] : memref<163840xi32, #tpu.memory_space<hbm>> -> memref<128xi32, #tpu.memory_space<hbm>>
        %dma_wait3A_189 = tpu.memref_slice %arg5[%mul3A_185] : memref<163840xi32, #tpu.memory_space<hbm>> -> memref<128xi32, #tpu.memory_space<hbm>>
        tpu.wait_dma2 semaphore(%arg22 : memref<!tpu.dma_semaphore, #tpu.memory_space<semaphore_mem>>) src(%dma_wait3A_189 : memref<128xi32, #tpu.memory_space<hbm>>) dst(%arg11 : memref<128xi32, #tpu.memory_space<vmem>>)
        %eq3A_190 = arith.constant 0 : i32
        %eq3A_191 = arith.cmpi eq, %arg0, %eq3A_190 : i32
        %convert_element_type3A_192 = arith.extui %eq3A_191 : i1 to i32
        %cond3A_193 = arith.constant 0 : i32
        %cond3A_194 = arith.cmpi ne, %convert_element_type3A_192, %cond3A_193 : i32
        scf.if %cond3A_194 {
          %dma_start3A_200 = arith.constant 0 : i32
          %dma_start3A_201 = arith.constant 0 : i32
          %dma_start3A_202 = tpu.memref_slice %arg2[%dma_start3A_200, %dma_start3A_201] : memref<10000x128xf32, #tpu.memory_space<hbm>> -> memref<10000x128xf32, #tpu.memory_space<hbm>>
          tpu.enqueue_indirect_dma source(%dma_start3A_202 : memref<10000x128xf32, #tpu.memory_space<hbm>>) target(%arg17 : memref<128x128xf32, #tpu.memory_space<vmem>>) offsets(%arg10 : memref<128xi32, #tpu.memory_space<vmem>>) semaphore(%arg20 : memref<!tpu.dma_semaphore, #tpu.memory_space<semaphore_mem>>)
        } else {
        }
        %eq3A_195 = arith.constant 1 : i32
        %eq3A_196 = arith.cmpi eq, %arg0, %eq3A_195 : i32
        %convert_element_type3A_197 = arith.extui %eq3A_196 : i1 to i32
        %cond3A_198 = arith.constant 0 : i32
        %cond3A_199 = arith.cmpi ne, %convert_element_type3A_197, %cond3A_198 : i32
        scf.if %cond3A_199 {
          %dma_start3A_200 = arith.constant 0 : i32
          %dma_start3A_201 = arith.constant 0 : i32
          %dma_start3A_202 = tpu.memref_slice %arg3[%dma_start3A_200, %dma_start3A_201] : memref<10000x128xf32, #tpu.memory_space<hbm>> -> memref<10000x128xf32, #tpu.memory_space<hbm>>
          tpu.enqueue_indirect_dma source(%dma_start3A_202 : memref<10000x128xf32, #tpu.memory_space<hbm>>) target(%arg17 : memref<128x128xf32, #tpu.memory_space<vmem>>) offsets(%arg10 : memref<128xi32, #tpu.memory_space<vmem>>) semaphore(%arg20 : memref<!tpu.dma_semaphore, #tpu.memory_space<semaphore_mem>>)
        } else {
        }
      } else {
      }
      %eq3A_87 = arith.constant 0 : i32
      %eq3A_88 = arith.cmpi eq, %arg0, %eq3A_87 : i32
      %convert_element_type3A_89 = arith.extui %eq3A_88 : i1 to i32
      %cond3A_90 = arith.constant 0 : i32
      %cond3A_91 = arith.cmpi ne, %convert_element_type3A_89, %cond3A_90 : i32
      scf.if %cond3A_91 {
        %dma_wait3A_181 = arith.constant 0 : i32
        %dma_wait3A_182 = arith.constant 0 : i32
        %dma_wait3A_183 = tpu.memref_slice %arg2[%dma_wait3A_181, %dma_wait3A_182] : memref<10000x128xf32, #tpu.memory_space<hbm>> -> memref<10000x128xf32, #tpu.memory_space<hbm>>
        tpu.wait_indirect_dma semaphore(%arg19 : memref<!tpu.dma_semaphore, #tpu.memory_space<semaphore_mem>>) src(%dma_wait3A_183 : memref<10000x128xf32, #tpu.memory_space<hbm>>) dst(%arg16 : memref<128x128xf32, #tpu.memory_space<vmem>>)
      } else {
      }
      %eq3A_92 = arith.constant 1 : i32
      %eq3A_93 = arith.cmpi eq, %arg0, %eq3A_92 : i32
      %convert_element_type3A_94 = arith.extui %eq3A_93 : i1 to i32
      %cond3A_95 = arith.constant 0 : i32
      %cond3A_96 = arith.cmpi ne, %convert_element_type3A_94, %cond3A_95 : i32
      scf.if %cond3A_96 {
        %dma_wait3A_181 = arith.constant 0 : i32
        %dma_wait3A_182 = arith.constant 0 : i32
        %dma_wait3A_183 = tpu.memref_slice %arg3[%dma_wait3A_181, %dma_wait3A_182] : memref<10000x128xf32, #tpu.memory_space<hbm>> -> memref<10000x128xf32, #tpu.memory_space<hbm>>
        tpu.wait_indirect_dma semaphore(%arg19 : memref<!tpu.dma_semaphore, #tpu.memory_space<semaphore_mem>>) src(%dma_wait3A_183 : memref<10000x128xf32, #tpu.memory_space<hbm>>) dst(%arg16 : memref<128x128xf32, #tpu.memory_space<vmem>>)
      } else {
      }
      "tpu.region"() ({
        %run_scoped3A = tpu.sem_alloc : memref<!tpu.dma_semaphore, #tpu.memory_space<semaphore_mem>>
        %dma_start3A_181 = arith.constant 0 : i32
        %dma_start3A_182 = arith.constant 0 : i32
        %dma_start3A_183 = tpu.memref_slice %arg18[%dma_start3A_181, %dma_start3A_182] : memref<10128x128xf32, #tpu.memory_space<vmem_shared>> -> memref<10128x128xf32, #tpu.memory_space<vmem_shared>>
        tpu.enqueue_indirect_dma source(%arg16 : memref<128x128xf32, #tpu.memory_space<vmem>>) target(%dma_start3A_183 : memref<10128x128xf32, #tpu.memory_space<vmem_shared>>) offsets(%arg9 : memref<128xi32, #tpu.memory_space<vmem>>) semaphore(%run_scoped3A : memref<!tpu.dma_semaphore, #tpu.memory_space<semaphore_mem>>) {add = true}
        %dma_wait3A_184 = arith.constant 0 : i32
        %dma_wait3A_185 = arith.constant 0 : i32
        %dma_wait3A_186 = tpu.memref_slice %arg18[%dma_wait3A_184, %dma_wait3A_185] : memref<10128x128xf32, #tpu.memory_space<vmem_shared>> -> memref<10128x128xf32, #tpu.memory_space<vmem_shared>>
        tpu.wait_indirect_dma semaphore(%run_scoped3A : memref<!tpu.dma_semaphore, #tpu.memory_space<semaphore_mem>>) src(%arg16 : memref<128x128xf32, #tpu.memory_space<vmem>>) dst(%dma_wait3A_186 : memref<10128x128xf32, #tpu.memory_space<vmem_shared>>)
        tpu.yield
      }) : () -> ()
      %mul3A_97 = arith.constant 4 : i32
      %mul3A_98 = arith.muli %mul3A_97, %scan3A_69 : i32
      %add3A_99 = arith.constant 1 : i32
      %add3A_100 = arith.addi %mul3A_98, %add3A_99 : i32
      %add3A_101 = arith.constant 2 : i32
      %add3A_102 = arith.addi %add3A_100, %add3A_101 : i32
      %lt3A_103 = arith.constant 80 : i32
      %lt3A_104 = arith.cmpi slt, %add3A_102, %lt3A_103 : i32
      %convert_element_type3A_105 = arith.extui %lt3A_104 : i1 to i32
      %cond3A_106 = arith.constant 0 : i32
      %cond3A_107 = arith.cmpi ne, %convert_element_type3A_105, %cond3A_106 : i32
      scf.if %cond3A_107 {
        %add3A_181 = arith.constant 2 : i32
        %add3A_182 = arith.addi %add3A_100, %add3A_181 : i32
        %add3A_183 = arith.addi %mul3A_0, %add3A_182 : i32
        %mul3A_184 = arith.constant 128 : i32
        %mul3A_185 = arith.muli %add3A_183, %mul3A_184 : i32
        %dma_start3A_186 = tpu.memref_slice %arg4[%mul3A_185] : memref<163840xi32, #tpu.memory_space<hbm>> -> memref<128xi32, #tpu.memory_space<hbm>>
        %dma_start3A_187 = tpu.memref_slice %arg4[%mul3A_185] : memref<163840xi32, #tpu.memory_space<hbm>> -> memref<128xi32, #tpu.memory_space<hbm>>
        tpu.enqueue_dma source(%dma_start3A_187 : memref<128xi32, #tpu.memory_space<hbm>>) target(%arg14 : memref<128xi32, #tpu.memory_space<vmem>>) target_semaphore(%arg24 : memref<!tpu.dma_semaphore, #tpu.memory_space<semaphore_mem>>)
        %dma_start3A_188 = tpu.memref_slice %arg5[%mul3A_185] : memref<163840xi32, #tpu.memory_space<hbm>> -> memref<128xi32, #tpu.memory_space<hbm>>
        %dma_start3A_189 = tpu.memref_slice %arg5[%mul3A_185] : memref<163840xi32, #tpu.memory_space<hbm>> -> memref<128xi32, #tpu.memory_space<hbm>>
        tpu.enqueue_dma source(%dma_start3A_189 : memref<128xi32, #tpu.memory_space<hbm>>) target(%arg15 : memref<128xi32, #tpu.memory_space<vmem>>) target_semaphore(%arg24 : memref<!tpu.dma_semaphore, #tpu.memory_space<semaphore_mem>>)
      } else {
      }
      %add3A_108 = arith.constant 1 : i32
      %add3A_109 = arith.addi %add3A_100, %add3A_108 : i32
      %lt3A_110 = arith.constant 80 : i32
      %lt3A_111 = arith.cmpi slt, %add3A_109, %lt3A_110 : i32
      %convert_element_type3A_112 = arith.extui %lt3A_111 : i1 to i32
      %cond3A_113 = arith.constant 0 : i32
      %cond3A_114 = arith.cmpi ne, %convert_element_type3A_112, %cond3A_113 : i32
      scf.if %cond3A_114 {
        %add3A_181 = arith.constant 1 : i32
        %add3A_182 = arith.addi %add3A_100, %add3A_181 : i32
        %add3A_183 = arith.addi %mul3A_0, %add3A_182 : i32
        %mul3A_184 = arith.constant 128 : i32
        %mul3A_185 = arith.muli %add3A_183, %mul3A_184 : i32
        %dma_wait3A_186 = tpu.memref_slice %arg4[%mul3A_185] : memref<163840xi32, #tpu.memory_space<hbm>> -> memref<128xi32, #tpu.memory_space<hbm>>
        %dma_wait3A_187 = tpu.memref_slice %arg4[%mul3A_185] : memref<163840xi32, #tpu.memory_space<hbm>> -> memref<128xi32, #tpu.memory_space<hbm>>
        tpu.wait_dma2 semaphore(%arg23 : memref<!tpu.dma_semaphore, #tpu.memory_space<semaphore_mem>>) src(%dma_wait3A_187 : memref<128xi32, #tpu.memory_space<hbm>>) dst(%arg12 : memref<128xi32, #tpu.memory_space<vmem>>)
        %dma_wait3A_188 = tpu.memref_slice %arg5[%mul3A_185] : memref<163840xi32, #tpu.memory_space<hbm>> -> memref<128xi32, #tpu.memory_space<hbm>>
        %dma_wait3A_189 = tpu.memref_slice %arg5[%mul3A_185] : memref<163840xi32, #tpu.memory_space<hbm>> -> memref<128xi32, #tpu.memory_space<hbm>>
        tpu.wait_dma2 semaphore(%arg23 : memref<!tpu.dma_semaphore, #tpu.memory_space<semaphore_mem>>) src(%dma_wait3A_189 : memref<128xi32, #tpu.memory_space<hbm>>) dst(%arg13 : memref<128xi32, #tpu.memory_space<vmem>>)
        %eq3A_190 = arith.constant 0 : i32
        %eq3A_191 = arith.cmpi eq, %arg0, %eq3A_190 : i32
        %convert_element_type3A_192 = arith.extui %eq3A_191 : i1 to i32
        %cond3A_193 = arith.constant 0 : i32
        %cond3A_194 = arith.cmpi ne, %convert_element_type3A_192, %cond3A_193 : i32
        scf.if %cond3A_194 {
          %dma_start3A_200 = arith.constant 0 : i32
          %dma_start3A_201 = arith.constant 0 : i32
          %dma_start3A_202 = tpu.memref_slice %arg2[%dma_start3A_200, %dma_start3A_201] : memref<10000x128xf32, #tpu.memory_space<hbm>> -> memref<10000x128xf32, #tpu.memory_space<hbm>>
          tpu.enqueue_indirect_dma source(%dma_start3A_202 : memref<10000x128xf32, #tpu.memory_space<hbm>>) target(%arg16 : memref<128x128xf32, #tpu.memory_space<vmem>>) offsets(%arg12 : memref<128xi32, #tpu.memory_space<vmem>>) semaphore(%arg19 : memref<!tpu.dma_semaphore, #tpu.memory_space<semaphore_mem>>)
        } else {
        }
        %eq3A_195 = arith.constant 1 : i32
        %eq3A_196 = arith.cmpi eq, %arg0, %eq3A_195 : i32
        %convert_element_type3A_197 = arith.extui %eq3A_196 : i1 to i32
        %cond3A_198 = arith.constant 0 : i32
        %cond3A_199 = arith.cmpi ne, %convert_element_type3A_197, %cond3A_198 : i32
        scf.if %cond3A_199 {
          %dma_start3A_200 = arith.constant 0 : i32
          %dma_start3A_201 = arith.constant 0 : i32
          %dma_start3A_202 = tpu.memref_slice %arg3[%dma_start3A_200, %dma_start3A_201] : memref<10000x128xf32, #tpu.memory_space<hbm>> -> memref<10000x128xf32, #tpu.memory_space<hbm>>
          tpu.enqueue_indirect_dma source(%dma_start3A_202 : memref<10000x128xf32, #tpu.memory_space<hbm>>) target(%arg16 : memref<128x128xf32, #tpu.memory_space<vmem>>) offsets(%arg12 : memref<128xi32, #tpu.memory_space<vmem>>) semaphore(%arg19 : memref<!tpu.dma_semaphore, #tpu.memory_space<semaphore_mem>>)
        } else {
        }
      } else {
      }
      %eq3A_115 = arith.constant 0 : i32
      %eq3A_116 = arith.cmpi eq, %arg0, %eq3A_115 : i32
      %convert_element_type3A_117 = arith.extui %eq3A_116 : i1 to i32
      %cond3A_118 = arith.constant 0 : i32
      %cond3A_119 = arith.cmpi ne, %convert_element_type3A_117, %cond3A_118 : i32
      scf.if %cond3A_119 {
        %dma_wait3A_181 = arith.constant 0 : i32
        %dma_wait3A_182 = arith.constant 0 : i32
        %dma_wait3A_183 = tpu.memref_slice %arg2[%dma_wait3A_181, %dma_wait3A_182] : memref<10000x128xf32, #tpu.memory_space<hbm>> -> memref<10000x128xf32, #tpu.memory_space<hbm>>
        tpu.wait_indirect_dma semaphore(%arg20 : memref<!tpu.dma_semaphore, #tpu.memory_space<semaphore_mem>>) src(%dma_wait3A_183 : memref<10000x128xf32, #tpu.memory_space<hbm>>) dst(%arg17 : memref<128x128xf32, #tpu.memory_space<vmem>>)
      } else {
      }
      %eq3A_120 = arith.constant 1 : i32
      %eq3A_121 = arith.cmpi eq, %arg0, %eq3A_120 : i32
      %convert_element_type3A_122 = arith.extui %eq3A_121 : i1 to i32
      %cond3A_123 = arith.constant 0 : i32
      %cond3A_124 = arith.cmpi ne, %convert_element_type3A_122, %cond3A_123 : i32
      scf.if %cond3A_124 {
        %dma_wait3A_181 = arith.constant 0 : i32
        %dma_wait3A_182 = arith.constant 0 : i32
        %dma_wait3A_183 = tpu.memref_slice %arg3[%dma_wait3A_181, %dma_wait3A_182] : memref<10000x128xf32, #tpu.memory_space<hbm>> -> memref<10000x128xf32, #tpu.memory_space<hbm>>
        tpu.wait_indirect_dma semaphore(%arg20 : memref<!tpu.dma_semaphore, #tpu.memory_space<semaphore_mem>>) src(%dma_wait3A_183 : memref<10000x128xf32, #tpu.memory_space<hbm>>) dst(%arg17 : memref<128x128xf32, #tpu.memory_space<vmem>>)
      } else {
      }
      "tpu.region"() ({
        %run_scoped3A = tpu.sem_alloc : memref<!tpu.dma_semaphore, #tpu.memory_space<semaphore_mem>>
        %dma_start3A_181 = arith.constant 0 : i32
        %dma_start3A_182 = arith.constant 0 : i32
        %dma_start3A_183 = tpu.memref_slice %arg18[%dma_start3A_181, %dma_start3A_182] : memref<10128x128xf32, #tpu.memory_space<vmem_shared>> -> memref<10128x128xf32, #tpu.memory_space<vmem_shared>>
        tpu.enqueue_indirect_dma source(%arg17 : memref<128x128xf32, #tpu.memory_space<vmem>>) target(%dma_start3A_183 : memref<10128x128xf32, #tpu.memory_space<vmem_shared>>) offsets(%arg11 : memref<128xi32, #tpu.memory_space<vmem>>) semaphore(%run_scoped3A : memref<!tpu.dma_semaphore, #tpu.memory_space<semaphore_mem>>) {add = true}
        %dma_wait3A_184 = arith.constant 0 : i32
        %dma_wait3A_185 = arith.constant 0 : i32
        %dma_wait3A_186 = tpu.memref_slice %arg18[%dma_wait3A_184, %dma_wait3A_185] : memref<10128x128xf32, #tpu.memory_space<vmem_shared>> -> memref<10128x128xf32, #tpu.memory_space<vmem_shared>>
        tpu.wait_indirect_dma semaphore(%run_scoped3A : memref<!tpu.dma_semaphore, #tpu.memory_space<semaphore_mem>>) src(%arg17 : memref<128x128xf32, #tpu.memory_space<vmem>>) dst(%dma_wait3A_186 : memref<10128x128xf32, #tpu.memory_space<vmem_shared>>)
        tpu.yield
      }) : () -> ()
      %mul3A_125 = arith.constant 4 : i32
      %mul3A_126 = arith.muli %mul3A_125, %scan3A_69 : i32
      %add3A_127 = arith.constant 2 : i32
      %add3A_128 = arith.addi %mul3A_126, %add3A_127 : i32
      %add3A_129 = arith.constant 2 : i32
      %add3A_130 = arith.addi %add3A_128, %add3A_129 : i32
      %lt3A_131 = arith.constant 80 : i32
      %lt3A_132 = arith.cmpi slt, %add3A_130, %lt3A_131 : i32
      %convert_element_type3A_133 = arith.extui %lt3A_132 : i1 to i32
      %cond3A_134 = arith.constant 0 : i32
      %cond3A_135 = arith.cmpi ne, %convert_element_type3A_133, %cond3A_134 : i32
      scf.if %cond3A_135 {
        %add3A_181 = arith.constant 2 : i32
        %add3A_182 = arith.addi %add3A_128, %add3A_181 : i32
        %add3A_183 = arith.addi %mul3A_0, %add3A_182 : i32
        %mul3A_184 = arith.constant 128 : i32
        %mul3A_185 = arith.muli %add3A_183, %mul3A_184 : i32
        %dma_start3A_186 = tpu.memref_slice %arg4[%mul3A_185] : memref<163840xi32, #tpu.memory_space<hbm>> -> memref<128xi32, #tpu.memory_space<hbm>>
        %dma_start3A_187 = tpu.memref_slice %arg4[%mul3A_185] : memref<163840xi32, #tpu.memory_space<hbm>> -> memref<128xi32, #tpu.memory_space<hbm>>
        tpu.enqueue_dma source(%dma_start3A_187 : memref<128xi32, #tpu.memory_space<hbm>>) target(%arg8 : memref<128xi32, #tpu.memory_space<vmem>>) target_semaphore(%arg21 : memref<!tpu.dma_semaphore, #tpu.memory_space<semaphore_mem>>)
        %dma_start3A_188 = tpu.memref_slice %arg5[%mul3A_185] : memref<163840xi32, #tpu.memory_space<hbm>> -> memref<128xi32, #tpu.memory_space<hbm>>
        %dma_start3A_189 = tpu.memref_slice %arg5[%mul3A_185] : memref<163840xi32, #tpu.memory_space<hbm>> -> memref<128xi32, #tpu.memory_space<hbm>>
        tpu.enqueue_dma source(%dma_start3A_189 : memref<128xi32, #tpu.memory_space<hbm>>) target(%arg9 : memref<128xi32, #tpu.memory_space<vmem>>) target_semaphore(%arg21 : memref<!tpu.dma_semaphore, #tpu.memory_space<semaphore_mem>>)
      } else {
      }
      %add3A_136 = arith.constant 1 : i32
      %add3A_137 = arith.addi %add3A_128, %add3A_136 : i32
      %lt3A_138 = arith.constant 80 : i32
      %lt3A_139 = arith.cmpi slt, %add3A_137, %lt3A_138 : i32
      %convert_element_type3A_140 = arith.extui %lt3A_139 : i1 to i32
      %cond3A_141 = arith.constant 0 : i32
      %cond3A_142 = arith.cmpi ne, %convert_element_type3A_140, %cond3A_141 : i32
      scf.if %cond3A_142 {
        %add3A_181 = arith.constant 1 : i32
        %add3A_182 = arith.addi %add3A_128, %add3A_181 : i32
        %add3A_183 = arith.addi %mul3A_0, %add3A_182 : i32
        %mul3A_184 = arith.constant 128 : i32
        %mul3A_185 = arith.muli %add3A_183, %mul3A_184 : i32
        %dma_wait3A_186 = tpu.memref_slice %arg4[%mul3A_185] : memref<163840xi32, #tpu.memory_space<hbm>> -> memref<128xi32, #tpu.memory_space<hbm>>
        %dma_wait3A_187 = tpu.memref_slice %arg4[%mul3A_185] : memref<163840xi32, #tpu.memory_space<hbm>> -> memref<128xi32, #tpu.memory_space<hbm>>
        tpu.wait_dma2 semaphore(%arg24 : memref<!tpu.dma_semaphore, #tpu.memory_space<semaphore_mem>>) src(%dma_wait3A_187 : memref<128xi32, #tpu.memory_space<hbm>>) dst(%arg14 : memref<128xi32, #tpu.memory_space<vmem>>)
        %dma_wait3A_188 = tpu.memref_slice %arg5[%mul3A_185] : memref<163840xi32, #tpu.memory_space<hbm>> -> memref<128xi32, #tpu.memory_space<hbm>>
        %dma_wait3A_189 = tpu.memref_slice %arg5[%mul3A_185] : memref<163840xi32, #tpu.memory_space<hbm>> -> memref<128xi32, #tpu.memory_space<hbm>>
        tpu.wait_dma2 semaphore(%arg24 : memref<!tpu.dma_semaphore, #tpu.memory_space<semaphore_mem>>) src(%dma_wait3A_189 : memref<128xi32, #tpu.memory_space<hbm>>) dst(%arg15 : memref<128xi32, #tpu.memory_space<vmem>>)
        %eq3A_190 = arith.constant 0 : i32
        %eq3A_191 = arith.cmpi eq, %arg0, %eq3A_190 : i32
        %convert_element_type3A_192 = arith.extui %eq3A_191 : i1 to i32
        %cond3A_193 = arith.constant 0 : i32
        %cond3A_194 = arith.cmpi ne, %convert_element_type3A_192, %cond3A_193 : i32
        scf.if %cond3A_194 {
          %dma_start3A_200 = arith.constant 0 : i32
          %dma_start3A_201 = arith.constant 0 : i32
          %dma_start3A_202 = tpu.memref_slice %arg2[%dma_start3A_200, %dma_start3A_201] : memref<10000x128xf32, #tpu.memory_space<hbm>> -> memref<10000x128xf32, #tpu.memory_space<hbm>>
          tpu.enqueue_indirect_dma source(%dma_start3A_202 : memref<10000x128xf32, #tpu.memory_space<hbm>>) target(%arg17 : memref<128x128xf32, #tpu.memory_space<vmem>>) offsets(%arg14 : memref<128xi32, #tpu.memory_space<vmem>>) semaphore(%arg20 : memref<!tpu.dma_semaphore, #tpu.memory_space<semaphore_mem>>)
        } else {
        }
        %eq3A_195 = arith.constant 1 : i32
        %eq3A_196 = arith.cmpi eq, %arg0, %eq3A_195 : i32
        %convert_element_type3A_197 = arith.extui %eq3A_196 : i1 to i32
        %cond3A_198 = arith.constant 0 : i32
        %cond3A_199 = arith.cmpi ne, %convert_element_type3A_197, %cond3A_198 : i32
        scf.if %cond3A_199 {
          %dma_start3A_200 = arith.constant 0 : i32
          %dma_start3A_201 = arith.constant 0 : i32
          %dma_start3A_202 = tpu.memref_slice %arg3[%dma_start3A_200, %dma_start3A_201] : memref<10000x128xf32, #tpu.memory_space<hbm>> -> memref<10000x128xf32, #tpu.memory_space<hbm>>
          tpu.enqueue_indirect_dma source(%dma_start3A_202 : memref<10000x128xf32, #tpu.memory_space<hbm>>) target(%arg17 : memref<128x128xf32, #tpu.memory_space<vmem>>) offsets(%arg14 : memref<128xi32, #tpu.memory_space<vmem>>) semaphore(%arg20 : memref<!tpu.dma_semaphore, #tpu.memory_space<semaphore_mem>>)
        } else {
        }
      } else {
      }
      %eq3A_143 = arith.constant 0 : i32
      %eq3A_144 = arith.cmpi eq, %arg0, %eq3A_143 : i32
      %convert_element_type3A_145 = arith.extui %eq3A_144 : i1 to i32
      %cond3A_146 = arith.constant 0 : i32
      %cond3A_147 = arith.cmpi ne, %convert_element_type3A_145, %cond3A_146 : i32
      scf.if %cond3A_147 {
        %dma_wait3A_181 = arith.constant 0 : i32
        %dma_wait3A_182 = arith.constant 0 : i32
        %dma_wait3A_183 = tpu.memref_slice %arg2[%dma_wait3A_181, %dma_wait3A_182] : memref<10000x128xf32, #tpu.memory_space<hbm>> -> memref<10000x128xf32, #tpu.memory_space<hbm>>
        tpu.wait_indirect_dma semaphore(%arg19 : memref<!tpu.dma_semaphore, #tpu.memory_space<semaphore_mem>>) src(%dma_wait3A_183 : memref<10000x128xf32, #tpu.memory_space<hbm>>) dst(%arg16 : memref<128x128xf32, #tpu.memory_space<vmem>>)
      } else {
      }
      %eq3A_148 = arith.constant 1 : i32
      %eq3A_149 = arith.cmpi eq, %arg0, %eq3A_148 : i32
      %convert_element_type3A_150 = arith.extui %eq3A_149 : i1 to i32
      %cond3A_151 = arith.constant 0 : i32
      %cond3A_152 = arith.cmpi ne, %convert_element_type3A_150, %cond3A_151 : i32
      scf.if %cond3A_152 {
        %dma_wait3A_181 = arith.constant 0 : i32
        %dma_wait3A_182 = arith.constant 0 : i32
        %dma_wait3A_183 = tpu.memref_slice %arg3[%dma_wait3A_181, %dma_wait3A_182] : memref<10000x128xf32, #tpu.memory_space<hbm>> -> memref<10000x128xf32, #tpu.memory_space<hbm>>
        tpu.wait_indirect_dma semaphore(%arg19 : memref<!tpu.dma_semaphore, #tpu.memory_space<semaphore_mem>>) src(%dma_wait3A_183 : memref<10000x128xf32, #tpu.memory_space<hbm>>) dst(%arg16 : memref<128x128xf32, #tpu.memory_space<vmem>>)
      } else {
      }
      "tpu.region"() ({
        %run_scoped3A = tpu.sem_alloc : memref<!tpu.dma_semaphore, #tpu.memory_space<semaphore_mem>>
        %dma_start3A_181 = arith.constant 0 : i32
        %dma_start3A_182 = arith.constant 0 : i32
        %dma_start3A_183 = tpu.memref_slice %arg18[%dma_start3A_181, %dma_start3A_182] : memref<10128x128xf32, #tpu.memory_space<vmem_shared>> -> memref<10128x128xf32, #tpu.memory_space<vmem_shared>>
        tpu.enqueue_indirect_dma source(%arg16 : memref<128x128xf32, #tpu.memory_space<vmem>>) target(%dma_start3A_183 : memref<10128x128xf32, #tpu.memory_space<vmem_shared>>) offsets(%arg13 : memref<128xi32, #tpu.memory_space<vmem>>) semaphore(%run_scoped3A : memref<!tpu.dma_semaphore, #tpu.memory_space<semaphore_mem>>) {add = true}
        %dma_wait3A_184 = arith.constant 0 : i32
        %dma_wait3A_185 = arith.constant 0 : i32
        %dma_wait3A_186 = tpu.memref_slice %arg18[%dma_wait3A_184, %dma_wait3A_185] : memref<10128x128xf32, #tpu.memory_space<vmem_shared>> -> memref<10128x128xf32, #tpu.memory_space<vmem_shared>>
        tpu.wait_indirect_dma semaphore(%run_scoped3A : memref<!tpu.dma_semaphore, #tpu.memory_space<semaphore_mem>>) src(%arg16 : memref<128x128xf32, #tpu.memory_space<vmem>>) dst(%dma_wait3A_186 : memref<10128x128xf32, #tpu.memory_space<vmem_shared>>)
        tpu.yield
      }) : () -> ()
      %mul3A_153 = arith.constant 4 : i32
      %mul3A_154 = arith.muli %mul3A_153, %scan3A_69 : i32
      %add3A_155 = arith.constant 3 : i32
      %add3A_156 = arith.addi %mul3A_154, %add3A_155 : i32
      %add3A_157 = arith.constant 2 : i32
      %add3A_158 = arith.addi %add3A_156, %add3A_157 : i32
      %lt3A_159 = arith.constant 80 : i32
      %lt3A_160 = arith.cmpi slt, %add3A_158, %lt3A_159 : i32
      %convert_element_type3A_161 = arith.extui %lt3A_160 : i1 to i32
      %cond3A_162 = arith.constant 0 : i32
      %cond3A_163 = arith.cmpi ne, %convert_element_type3A_161, %cond3A_162 : i32
      scf.if %cond3A_163 {
        %add3A_181 = arith.constant 2 : i32
        %add3A_182 = arith.addi %add3A_156, %add3A_181 : i32
        %add3A_183 = arith.addi %mul3A_0, %add3A_182 : i32
        %mul3A_184 = arith.constant 128 : i32
        %mul3A_185 = arith.muli %add3A_183, %mul3A_184 : i32
        %dma_start3A_186 = tpu.memref_slice %arg4[%mul3A_185] : memref<163840xi32, #tpu.memory_space<hbm>> -> memref<128xi32, #tpu.memory_space<hbm>>
        %dma_start3A_187 = tpu.memref_slice %arg4[%mul3A_185] : memref<163840xi32, #tpu.memory_space<hbm>> -> memref<128xi32, #tpu.memory_space<hbm>>
        tpu.enqueue_dma source(%dma_start3A_187 : memref<128xi32, #tpu.memory_space<hbm>>) target(%arg10 : memref<128xi32, #tpu.memory_space<vmem>>) target_semaphore(%arg22 : memref<!tpu.dma_semaphore, #tpu.memory_space<semaphore_mem>>)
        %dma_start3A_188 = tpu.memref_slice %arg5[%mul3A_185] : memref<163840xi32, #tpu.memory_space<hbm>> -> memref<128xi32, #tpu.memory_space<hbm>>
        %dma_start3A_189 = tpu.memref_slice %arg5[%mul3A_185] : memref<163840xi32, #tpu.memory_space<hbm>> -> memref<128xi32, #tpu.memory_space<hbm>>
        tpu.enqueue_dma source(%dma_start3A_189 : memref<128xi32, #tpu.memory_space<hbm>>) target(%arg11 : memref<128xi32, #tpu.memory_space<vmem>>) target_semaphore(%arg22 : memref<!tpu.dma_semaphore, #tpu.memory_space<semaphore_mem>>)
      } else {
      }
      %add3A_164 = arith.constant 1 : i32
      %add3A_165 = arith.addi %add3A_156, %add3A_164 : i32
      %lt3A_166 = arith.constant 80 : i32
      %lt3A_167 = arith.cmpi slt, %add3A_165, %lt3A_166 : i32
      %convert_element_type3A_168 = arith.extui %lt3A_167 : i1 to i32
      %cond3A_169 = arith.constant 0 : i32
      %cond3A_170 = arith.cmpi ne, %convert_element_type3A_168, %cond3A_169 : i32
      scf.if %cond3A_170 {
        %add3A_181 = arith.constant 1 : i32
        %add3A_182 = arith.addi %add3A_156, %add3A_181 : i32
        %add3A_183 = arith.addi %mul3A_0, %add3A_182 : i32
        %mul3A_184 = arith.constant 128 : i32
        %mul3A_185 = arith.muli %add3A_183, %mul3A_184 : i32
        %dma_wait3A_186 = tpu.memref_slice %arg4[%mul3A_185] : memref<163840xi32, #tpu.memory_space<hbm>> -> memref<128xi32, #tpu.memory_space<hbm>>
        %dma_wait3A_187 = tpu.memref_slice %arg4[%mul3A_185] : memref<163840xi32, #tpu.memory_space<hbm>> -> memref<128xi32, #tpu.memory_space<hbm>>
        tpu.wait_dma2 semaphore(%arg21 : memref<!tpu.dma_semaphore, #tpu.memory_space<semaphore_mem>>) src(%dma_wait3A_187 : memref<128xi32, #tpu.memory_space<hbm>>) dst(%arg8 : memref<128xi32, #tpu.memory_space<vmem>>)
        %dma_wait3A_188 = tpu.memref_slice %arg5[%mul3A_185] : memref<163840xi32, #tpu.memory_space<hbm>> -> memref<128xi32, #tpu.memory_space<hbm>>
        %dma_wait3A_189 = tpu.memref_slice %arg5[%mul3A_185] : memref<163840xi32, #tpu.memory_space<hbm>> -> memref<128xi32, #tpu.memory_space<hbm>>
        tpu.wait_dma2 semaphore(%arg21 : memref<!tpu.dma_semaphore, #tpu.memory_space<semaphore_mem>>) src(%dma_wait3A_189 : memref<128xi32, #tpu.memory_space<hbm>>) dst(%arg9 : memref<128xi32, #tpu.memory_space<vmem>>)
        %eq3A_190 = arith.constant 0 : i32
        %eq3A_191 = arith.cmpi eq, %arg0, %eq3A_190 : i32
        %convert_element_type3A_192 = arith.extui %eq3A_191 : i1 to i32
        %cond3A_193 = arith.constant 0 : i32
        %cond3A_194 = arith.cmpi ne, %convert_element_type3A_192, %cond3A_193 : i32
        scf.if %cond3A_194 {
          %dma_start3A_200 = arith.constant 0 : i32
          %dma_start3A_201 = arith.constant 0 : i32
          %dma_start3A_202 = tpu.memref_slice %arg2[%dma_start3A_200, %dma_start3A_201] : memref<10000x128xf32, #tpu.memory_space<hbm>> -> memref<10000x128xf32, #tpu.memory_space<hbm>>
          tpu.enqueue_indirect_dma source(%dma_start3A_202 : memref<10000x128xf32, #tpu.memory_space<hbm>>) target(%arg16 : memref<128x128xf32, #tpu.memory_space<vmem>>) offsets(%arg8 : memref<128xi32, #tpu.memory_space<vmem>>) semaphore(%arg19 : memref<!tpu.dma_semaphore, #tpu.memory_space<semaphore_mem>>)
        } else {
        }
        %eq3A_195 = arith.constant 1 : i32
        %eq3A_196 = arith.cmpi eq, %arg0, %eq3A_195 : i32
        %convert_element_type3A_197 = arith.extui %eq3A_196 : i1 to i32
        %cond3A_198 = arith.constant 0 : i32
        %cond3A_199 = arith.cmpi ne, %convert_element_type3A_197, %cond3A_198 : i32
        scf.if %cond3A_199 {
          %dma_start3A_200 = arith.constant 0 : i32
          %dma_start3A_201 = arith.constant 0 : i32
          %dma_start3A_202 = tpu.memref_slice %arg3[%dma_start3A_200, %dma_start3A_201] : memref<10000x128xf32, #tpu.memory_space<hbm>> -> memref<10000x128xf32, #tpu.memory_space<hbm>>
          tpu.enqueue_indirect_dma source(%dma_start3A_202 : memref<10000x128xf32, #tpu.memory_space<hbm>>) target(%arg16 : memref<128x128xf32, #tpu.memory_space<vmem>>) offsets(%arg8 : memref<128xi32, #tpu.memory_space<vmem>>) semaphore(%arg19 : memref<!tpu.dma_semaphore, #tpu.memory_space<semaphore_mem>>)
        } else {
        }
      } else {
      }
      %eq3A_171 = arith.constant 0 : i32
      %eq3A_172 = arith.cmpi eq, %arg0, %eq3A_171 : i32
      %convert_element_type3A_173 = arith.extui %eq3A_172 : i1 to i32
      %cond3A_174 = arith.constant 0 : i32
      %cond3A_175 = arith.cmpi ne, %convert_element_type3A_173, %cond3A_174 : i32
      scf.if %cond3A_175 {
        %dma_wait3A_181 = arith.constant 0 : i32
        %dma_wait3A_182 = arith.constant 0 : i32
        %dma_wait3A_183 = tpu.memref_slice %arg2[%dma_wait3A_181, %dma_wait3A_182] : memref<10000x128xf32, #tpu.memory_space<hbm>> -> memref<10000x128xf32, #tpu.memory_space<hbm>>
        tpu.wait_indirect_dma semaphore(%arg20 : memref<!tpu.dma_semaphore, #tpu.memory_space<semaphore_mem>>) src(%dma_wait3A_183 : memref<10000x128xf32, #tpu.memory_space<hbm>>) dst(%arg17 : memref<128x128xf32, #tpu.memory_space<vmem>>)
      } else {
      }
      %eq3A_176 = arith.constant 1 : i32
      %eq3A_177 = arith.cmpi eq, %arg0, %eq3A_176 : i32
      %convert_element_type3A_178 = arith.extui %eq3A_177 : i1 to i32
      %cond3A_179 = arith.constant 0 : i32
      %cond3A_180 = arith.cmpi ne, %convert_element_type3A_178, %cond3A_179 : i32
      scf.if %cond3A_180 {
        %dma_wait3A_181 = arith.constant 0 : i32
        %dma_wait3A_182 = arith.constant 0 : i32
        %dma_wait3A_183 = tpu.memref_slice %arg3[%dma_wait3A_181, %dma_wait3A_182] : memref<10000x128xf32, #tpu.memory_space<hbm>> -> memref<10000x128xf32, #tpu.memory_space<hbm>>
        tpu.wait_indirect_dma semaphore(%arg20 : memref<!tpu.dma_semaphore, #tpu.memory_space<semaphore_mem>>) src(%dma_wait3A_183 : memref<10000x128xf32, #tpu.memory_space<hbm>>) dst(%arg17 : memref<128x128xf32, #tpu.memory_space<vmem>>)
      } else {
      }
      "tpu.region"() ({
        %run_scoped3A = tpu.sem_alloc : memref<!tpu.dma_semaphore, #tpu.memory_space<semaphore_mem>>
        %dma_start3A_181 = arith.constant 0 : i32
        %dma_start3A_182 = arith.constant 0 : i32
        %dma_start3A_183 = tpu.memref_slice %arg18[%dma_start3A_181, %dma_start3A_182] : memref<10128x128xf32, #tpu.memory_space<vmem_shared>> -> memref<10128x128xf32, #tpu.memory_space<vmem_shared>>
        tpu.enqueue_indirect_dma source(%arg17 : memref<128x128xf32, #tpu.memory_space<vmem>>) target(%dma_start3A_183 : memref<10128x128xf32, #tpu.memory_space<vmem_shared>>) offsets(%arg15 : memref<128xi32, #tpu.memory_space<vmem>>) semaphore(%run_scoped3A : memref<!tpu.dma_semaphore, #tpu.memory_space<semaphore_mem>>) {add = true}
        %dma_wait3A_184 = arith.constant 0 : i32
        %dma_wait3A_185 = arith.constant 0 : i32
        %dma_wait3A_186 = tpu.memref_slice %arg18[%dma_wait3A_184, %dma_wait3A_185] : memref<10128x128xf32, #tpu.memory_space<vmem_shared>> -> memref<10128x128xf32, #tpu.memory_space<vmem_shared>>
        tpu.wait_indirect_dma semaphore(%run_scoped3A : memref<!tpu.dma_semaphore, #tpu.memory_space<semaphore_mem>>) src(%arg17 : memref<128x128xf32, #tpu.memory_space<vmem>>) dst(%dma_wait3A_186 : memref<10128x128xf32, #tpu.memory_space<vmem_shared>>)
        tpu.yield
      }) : () -> ()
    }
    %scan3A_57 = arith.constant 20 : i32
    %barrier3A_58 = arith.constant 0 : index
    tpu.barrier barrier_id(%barrier3A_58)
    %eq3A_59 = arith.constant 0 : i32
    %eq3A_60 = arith.cmpi eq, %arg0, %eq3A_59 : i32
    %convert_element_type3A_61 = arith.extui %eq3A_60 : i1 to i32
    %cond3A_62 = arith.constant 0 : i32
    %cond3A_63 = arith.cmpi ne, %convert_element_type3A_61, %cond3A_62 : i32
    scf.if %cond3A_63 {
      "tpu.region"() ({
        %run_scoped3A = tpu.sem_alloc : memref<!tpu.dma_semaphore, #tpu.memory_space<semaphore_mem>>
        %dma_start3A_74 = arith.constant 0 : i32
        %dma_start3A_75 = tpu.memref_slice %arg6[%mul3A_8, %dma_start3A_74] : memref<10000x128xf32, #tpu.memory_space<hbm>> -> memref<624x128xf32, #tpu.memory_space<hbm>>
        %dma_start3A_76 = arith.constant 0 : i32
        %dma_start3A_77 = tpu.memref_slice %arg18[%mul3A_8, %dma_start3A_76] : memref<10128x128xf32, #tpu.memory_space<vmem_shared>> -> memref<624x128xf32, #tpu.memory_space<vmem_shared>>
        tpu.enqueue_dma source(%dma_start3A_77 : memref<624x128xf32, #tpu.memory_space<vmem_shared>>) target(%dma_start3A_75 : memref<624x128xf32, #tpu.memory_space<hbm>>) target_semaphore(%run_scoped3A : memref<!tpu.dma_semaphore, #tpu.memory_space<semaphore_mem>>)
        %dma_wait3A_78 = arith.constant 0 : i32
        %dma_wait3A_79 = tpu.memref_slice %arg6[%mul3A_8, %dma_wait3A_78] : memref<10000x128xf32, #tpu.memory_space<hbm>> -> memref<624x128xf32, #tpu.memory_space<hbm>>
        %dma_wait3A_80 = arith.constant 0 : i32
        %dma_wait3A_81 = tpu.memref_slice %arg18[%mul3A_8, %dma_wait3A_80] : memref<10128x128xf32, #tpu.memory_space<vmem_shared>> -> memref<624x128xf32, #tpu.memory_space<vmem_shared>>
        tpu.wait_dma2 semaphore(%run_scoped3A : memref<!tpu.dma_semaphore, #tpu.memory_space<semaphore_mem>>) src(%dma_wait3A_81 : memref<624x128xf32, #tpu.memory_space<vmem_shared>>) dst(%dma_wait3A_79 : memref<624x128xf32, #tpu.memory_space<hbm>>)
        tpu.yield
      }) : () -> ()
      %eq3A_69 = arith.constant 0 : i32
      %eq3A_70 = arith.cmpi eq, %arg1, %eq3A_69 : i32
      %convert_element_type3A_71 = arith.extui %eq3A_70 : i1 to i32
      %cond3A_72 = arith.constant 0 : i32
      %cond3A_73 = arith.cmpi ne, %convert_element_type3A_71, %cond3A_72 : i32
      scf.if %cond3A_73 {
        "tpu.region"() ({
          %run_scoped3A = tpu.sem_alloc : memref<!tpu.dma_semaphore, #tpu.memory_space<semaphore_mem>>
          %dma_start3A_74 = arith.constant 9984 : i32
          %dma_start3A_75 = arith.constant 0 : i32
          %dma_start3A_76 = tpu.memref_slice %arg6[%dma_start3A_74, %dma_start3A_75] : memref<10000x128xf32, #tpu.memory_space<hbm>> -> memref<16x128xf32, #tpu.memory_space<hbm>>
          %dma_start3A_77 = arith.constant 9984 : i32
          %dma_start3A_78 = arith.constant 0 : i32
          %dma_start3A_79 = tpu.memref_slice %arg18[%dma_start3A_77, %dma_start3A_78] : memref<10128x128xf32, #tpu.memory_space<vmem_shared>> -> memref<16x128xf32, #tpu.memory_space<vmem_shared>>
          tpu.enqueue_dma source(%dma_start3A_79 : memref<16x128xf32, #tpu.memory_space<vmem_shared>>) target(%dma_start3A_76 : memref<16x128xf32, #tpu.memory_space<hbm>>) target_semaphore(%run_scoped3A : memref<!tpu.dma_semaphore, #tpu.memory_space<semaphore_mem>>)
          %dma_wait3A_80 = arith.constant 9984 : i32
          %dma_wait3A_81 = arith.constant 0 : i32
          %dma_wait3A_82 = tpu.memref_slice %arg6[%dma_wait3A_80, %dma_wait3A_81] : memref<10000x128xf32, #tpu.memory_space<hbm>> -> memref<16x128xf32, #tpu.memory_space<hbm>>
          %dma_wait3A_83 = arith.constant 9984 : i32
          %dma_wait3A_84 = arith.constant 0 : i32
          %dma_wait3A_85 = tpu.memref_slice %arg18[%dma_wait3A_83, %dma_wait3A_84] : memref<10128x128xf32, #tpu.memory_space<vmem_shared>> -> memref<16x128xf32, #tpu.memory_space<vmem_shared>>
          tpu.wait_dma2 semaphore(%run_scoped3A : memref<!tpu.dma_semaphore, #tpu.memory_space<semaphore_mem>>) src(%dma_wait3A_85 : memref<16x128xf32, #tpu.memory_space<vmem_shared>>) dst(%dma_wait3A_82 : memref<16x128xf32, #tpu.memory_space<hbm>>)
          tpu.yield
        }) : () -> ()
      } else {
      }
    } else {
    }
    %eq3A_64 = arith.constant 1 : i32
    %eq3A_65 = arith.cmpi eq, %arg0, %eq3A_64 : i32
    %convert_element_type3A_66 = arith.extui %eq3A_65 : i1 to i32
    %cond3A_67 = arith.constant 0 : i32
    %cond3A_68 = arith.cmpi ne, %convert_element_type3A_66, %cond3A_67 : i32
    scf.if %cond3A_68 {
      "tpu.region"() ({
        %run_scoped3A = tpu.sem_alloc : memref<!tpu.dma_semaphore, #tpu.memory_space<semaphore_mem>>
        %dma_start3A_74 = arith.constant 0 : i32
        %dma_start3A_75 = tpu.memref_slice %arg7[%mul3A_8, %dma_start3A_74] : memref<10000x128xf32, #tpu.memory_space<hbm>> -> memref<624x128xf32, #tpu.memory_space<hbm>>
        %dma_start3A_76 = arith.constant 0 : i32
        %dma_start3A_77 = tpu.memref_slice %arg18[%mul3A_8, %dma_start3A_76] : memref<10128x128xf32, #tpu.memory_space<vmem_shared>> -> memref<624x128xf32, #tpu.memory_space<vmem_shared>>
        tpu.enqueue_dma source(%dma_start3A_77 : memref<624x128xf32, #tpu.memory_space<vmem_shared>>) target(%dma_start3A_75 : memref<624x128xf32, #tpu.memory_space<hbm>>) target_semaphore(%run_scoped3A : memref<!tpu.dma_semaphore, #tpu.memory_space<semaphore_mem>>)
        %dma_wait3A_78 = arith.constant 0 : i32
        %dma_wait3A_79 = tpu.memref_slice %arg7[%mul3A_8, %dma_wait3A_78] : memref<10000x128xf32, #tpu.memory_space<hbm>> -> memref<624x128xf32, #tpu.memory_space<hbm>>
        %dma_wait3A_80 = arith.constant 0 : i32
        %dma_wait3A_81 = tpu.memref_slice %arg18[%mul3A_8, %dma_wait3A_80] : memref<10128x128xf32, #tpu.memory_space<vmem_shared>> -> memref<624x128xf32, #tpu.memory_space<vmem_shared>>
        tpu.wait_dma2 semaphore(%run_scoped3A : memref<!tpu.dma_semaphore, #tpu.memory_space<semaphore_mem>>) src(%dma_wait3A_81 : memref<624x128xf32, #tpu.memory_space<vmem_shared>>) dst(%dma_wait3A_79 : memref<624x128xf32, #tpu.memory_space<hbm>>)
        tpu.yield
      }) : () -> ()
      %eq3A_69 = arith.constant 0 : i32
      %eq3A_70 = arith.cmpi eq, %arg1, %eq3A_69 : i32
      %convert_element_type3A_71 = arith.extui %eq3A_70 : i1 to i32
      %cond3A_72 = arith.constant 0 : i32
      %cond3A_73 = arith.cmpi ne, %convert_element_type3A_71, %cond3A_72 : i32
      scf.if %cond3A_73 {
        "tpu.region"() ({
          %run_scoped3A = tpu.sem_alloc : memref<!tpu.dma_semaphore, #tpu.memory_space<semaphore_mem>>
          %dma_start3A_74 = arith.constant 9984 : i32
          %dma_start3A_75 = arith.constant 0 : i32
          %dma_start3A_76 = tpu.memref_slice %arg7[%dma_start3A_74, %dma_start3A_75] : memref<10000x128xf32, #tpu.memory_space<hbm>> -> memref<16x128xf32, #tpu.memory_space<hbm>>
          %dma_start3A_77 = arith.constant 9984 : i32
          %dma_start3A_78 = arith.constant 0 : i32
          %dma_start3A_79 = tpu.memref_slice %arg18[%dma_start3A_77, %dma_start3A_78] : memref<10128x128xf32, #tpu.memory_space<vmem_shared>> -> memref<16x128xf32, #tpu.memory_space<vmem_shared>>
          tpu.enqueue_dma source(%dma_start3A_79 : memref<16x128xf32, #tpu.memory_space<vmem_shared>>) target(%dma_start3A_76 : memref<16x128xf32, #tpu.memory_space<hbm>>) target_semaphore(%run_scoped3A : memref<!tpu.dma_semaphore, #tpu.memory_space<semaphore_mem>>)
          %dma_wait3A_80 = arith.constant 9984 : i32
          %dma_wait3A_81 = arith.constant 0 : i32
          %dma_wait3A_82 = tpu.memref_slice %arg7[%dma_wait3A_80, %dma_wait3A_81] : memref<10000x128xf32, #tpu.memory_space<hbm>> -> memref<16x128xf32, #tpu.memory_space<hbm>>
          %dma_wait3A_83 = arith.constant 9984 : i32
          %dma_wait3A_84 = arith.constant 0 : i32
          %dma_wait3A_85 = tpu.memref_slice %arg18[%dma_wait3A_83, %dma_wait3A_84] : memref<10128x128xf32, #tpu.memory_space<vmem_shared>> -> memref<16x128xf32, #tpu.memory_space<vmem_shared>>
          tpu.wait_dma2 semaphore(%run_scoped3A : memref<!tpu.dma_semaphore, #tpu.memory_space<semaphore_mem>>) src(%dma_wait3A_85 : memref<16x128xf32, #tpu.memory_space<vmem_shared>>) dst(%dma_wait3A_82 : memref<16x128xf32, #tpu.memory_space<hbm>>)
          tpu.yield
        }) : () -> ()
      } else {
      }
    } else {
    }
    return
  }
}

module attributes {stable_mosaic.version = 14 : i64} {
  func.func @_prep_body(%arg0: i32, %arg1: memref<512x16xf32, #tpu.memory_space<vmem>>, %arg2: memref<512x16xf32, #tpu.memory_space<vmem>>, %arg3: memref<512x256xf32, #tpu.memory_space<vmem>>, %arg4: memref<512x128xf32, #tpu.memory_space<vmem>>, %arg5: memref<512x128xf32, #tpu.memory_space<vmem>>, %arg6: memref<512x1xf32, #tpu.memory_space<vmem>>) attributes {dimension_semantics = [#tpu.dimension_semantics<arbitrary>], iteration_bounds = array<i64: 20>, scalar_prefetch = 0 : i64, scratch_operands = 0 : i64, tpu.core_type = #tpu.core_type<tc>, window_params = [{transform_indices = @transform_0, window_bounds = array<i64: 512, 16>}, {transform_indices = @transform_1, window_bounds = array<i64: 512, 16>}, {transform_indices = @transform_2, window_bounds = array<i64: 512, 256>}, {transform_indices = @transform_3, window_bounds = array<i64: 512, 128>}, {transform_indices = @transform_4, window_bounds = array<i64: 512, 128>}, {transform_indices = @transform_5, window_bounds = array<i64: 512, 1>}]} {
    %get3A = arith.constant 0 : index
    %get3A_0 = arith.constant 0 : index
    %get3A_1 = vector.load %arg1[%get3A, %get3A_0] : memref<512x16xf32, #tpu.memory_space<vmem>>, vector<512x1xf32>
    %get3A_2 = arith.constant 0 : index
    %get3A_3 = arith.constant 0 : index
    %get3A_4 = vector.load %arg2[%get3A_2, %get3A_3] : memref<512x16xf32, #tpu.memory_space<vmem>>, vector<512x1xf32>
    %add3A = arith.addf %get3A_1, %get3A_4 : vector<512x1xf32>
    %add3A_5 = arith.constant 1.000000e+00 : f32
    %add3A_6 = vector.broadcast %add3A_5 : f32 to vector<512x1xf32>
    %add3A_7 = arith.addf %add3A, %add3A_6 : vector<512x1xf32>
    %rsqrt3A = math.rsqrt %add3A_7 : vector<512x1xf32>
    %swap3A = arith.constant 0 : index
    %swap3A_8 = arith.constant 0 : index
    %swap3A_9 = vector.load %arg6[%swap3A, %swap3A_8] : memref<512x1xf32, #tpu.memory_space<vmem>>, vector<512x1xf32>
    tpu.vector_store %arg6[%swap3A, %swap3A_8], %rsqrt3A {strides = array<i32>} : memref<512x1xf32, #tpu.memory_space<vmem>>, vector<512x1xf32>,
    %get3A_10 = arith.constant 0 : index
    %get3A_11 = arith.constant 0 : index
    %get3A_12 = vector.load %arg3[%get3A_10, %get3A_11] : memref<512x256xf32, #tpu.memory_space<vmem>>, vector<512x128xf32>
    %mul3A = vector.broadcast %rsqrt3A : vector<512x1xf32> to vector<512x128xf32>
    %mul3A_13 = arith.mulf %get3A_12, %mul3A : vector<512x128xf32>
    %swap3A_14 = arith.constant 0 : index
    %swap3A_15 = arith.constant 0 : index
    %swap3A_16 = vector.load %arg4[%swap3A_14, %swap3A_15] : memref<512x128xf32, #tpu.memory_space<vmem>>, vector<512x128xf32>
    tpu.vector_store %arg4[%swap3A_14, %swap3A_15], %mul3A_13 {strides = array<i32>} : memref<512x128xf32, #tpu.memory_space<vmem>>, vector<512x128xf32>,
    %get3A_17 = arith.constant 0 : index
    %get3A_18 = arith.constant 128 : index
    %get3A_19 = vector.load %arg3[%get3A_17, %get3A_18] : memref<512x256xf32, #tpu.memory_space<vmem>>, vector<512x128xf32>
    %mul3A_20 = vector.broadcast %rsqrt3A : vector<512x1xf32> to vector<512x128xf32>
    %mul3A_21 = arith.mulf %get3A_19, %mul3A_20 : vector<512x128xf32>
    %swap3A_22 = arith.constant 0 : index
    %swap3A_23 = arith.constant 0 : index
    %swap3A_24 = vector.load %arg5[%swap3A_22, %swap3A_23] : memref<512x128xf32, #tpu.memory_space<vmem>>, vector<512x128xf32>
    tpu.vector_store %arg5[%swap3A_22, %swap3A_23], %mul3A_21 {strides = array<i32>} : memref<512x128xf32, #tpu.memory_space<vmem>>, vector<512x128xf32>,
    return
  }
  func.func @transform_0(%arg0: i32) -> (i32, i32) {
    %c0_i32 = arith.constant 0 : i32
    %c0_i32_0 = arith.constant 0 : i32
    return %arg0, %c0_i32 : i32, i32
  }
  func.func @transform_1(%arg0: i32) -> (i32, i32) {
    %c0_i32 = arith.constant 0 : i32
    %c0_i32_0 = arith.constant 0 : i32
    return %arg0, %c0_i32 : i32, i32
  }
  func.func @transform_2(%arg0: i32) -> (i32, i32) {
    %c0_i32 = arith.constant 0 : i32
    %c0_i32_0 = arith.constant 0 : i32
    return %arg0, %c0_i32 : i32, i32
  }
  func.func @transform_3(%arg0: i32) -> (i32, i32) {
    %c0_i32 = arith.constant 0 : i32
    %c0_i32_0 = arith.constant 0 : i32
    return %arg0, %c0_i32 : i32, i32
  }
  func.func @transform_4(%arg0: i32) -> (i32, i32) {
    %c0_i32 = arith.constant 0 : i32
    %c0_i32_0 = arith.constant 0 : i32
    return %arg0, %c0_i32 : i32, i32
  }
  func.func @transform_5(%arg0: i32) -> (i32, i32) {
    %c0_i32 = arith.constant 0 : i32
    %c0_i32_0 = arith.constant 0 : i32
    return %arg0, %c0_i32 : i32, i32
  }
}

module attributes {stable_mosaic.version = 14 : i64} {
  func.func @_mid_body(%arg0: i32, %arg1: memref<512x128xf32, #tpu.memory_space<vmem>>, %arg2: memref<512x128xf32, #tpu.memory_space<vmem>>, %arg3: memref<512x128xf32, #tpu.memory_space<vmem>>, %arg4: memref<512x128xf32, #tpu.memory_space<vmem>>, %arg5: memref<512x1xf32, #tpu.memory_space<vmem>>, %arg6: memref<256x512xf32, #tpu.memory_space<vmem>>, %arg7: memref<1x512xf32, #tpu.memory_space<vmem>>, %arg8: memref<512x256xf32, #tpu.memory_space<vmem>>, %arg9: memref<512x128xf32, #tpu.memory_space<vmem>>, %arg10: memref<512x128xf32, #tpu.memory_space<vmem>>) attributes {dimension_semantics = [#tpu.dimension_semantics<arbitrary>], iteration_bounds = array<i64: 20>, scalar_prefetch = 0 : i64, scratch_operands = 0 : i64, tpu.core_type = #tpu.core_type<tc>, window_params = [{transform_indices = @transform_0, window_bounds = array<i64: 512, 128>}, {transform_indices = @transform_1, window_bounds = array<i64: 512, 128>}, {transform_indices = @transform_2, window_bounds = array<i64: 512, 128>}, {transform_indices = @transform_3, window_bounds = array<i64: 512, 128>}, {transform_indices = @transform_4, window_bounds = array<i64: 512, 1>}, {pipeline_mode = #tpu.pipeline_mode<synchronous>, transform_indices = @transform_5, window_bounds = array<i64: 256, 512>}, {pipeline_mode = #tpu.pipeline_mode<synchronous>, transform_indices = @transform_6, window_bounds = array<i64: 1, 512>}, {pipeline_mode = #tpu.pipeline_mode<synchronous>, transform_indices = @transform_7, window_bounds = array<i64: 512, 256>}, {transform_indices = @transform_8, window_bounds = array<i64: 512, 128>}, {transform_indices = @transform_9, window_bounds = array<i64: 512, 128>}]} {
    %get3A = arith.constant 0 : index
    %get3A_0 = arith.constant 0 : index
    %get3A_1 = vector.load %arg5[%get3A, %get3A_0] : memref<512x1xf32, #tpu.memory_space<vmem>>, vector<512x1xf32>
    %get3A_2 = arith.constant 0 : index
    %get3A_3 = arith.constant 0 : index
    %get3A_4 = vector.load %arg1[%get3A_2, %get3A_3] : memref<512x128xf32, #tpu.memory_space<vmem>>, vector<512x128xf32>
    %get3A_5 = arith.constant 0 : index
    %get3A_6 = arith.constant 0 : index
    %get3A_7 = vector.load %arg3[%get3A_5, %get3A_6] : memref<512x128xf32, #tpu.memory_space<vmem>>, vector<512x128xf32>
    %add3A = arith.addf %get3A_4, %get3A_7 : vector<512x128xf32>
    %mul3A = vector.broadcast %get3A_1 : vector<512x1xf32> to vector<512x128xf32>
    %mul3A_8 = arith.mulf %add3A, %mul3A : vector<512x128xf32>
    %get3A_9 = arith.constant 0 : index
    %get3A_10 = arith.constant 0 : index
    %get3A_11 = vector.load %arg2[%get3A_9, %get3A_10] : memref<512x128xf32, #tpu.memory_space<vmem>>, vector<512x128xf32>
    %get3A_12 = arith.constant 0 : index
    %get3A_13 = arith.constant 0 : index
    %get3A_14 = vector.load %arg4[%get3A_12, %get3A_13] : memref<512x128xf32, #tpu.memory_space<vmem>>, vector<512x128xf32>
    %add3A_15 = arith.addf %get3A_11, %get3A_14 : vector<512x128xf32>
    %mul3A_16 = vector.broadcast %get3A_1 : vector<512x1xf32> to vector<512x128xf32>
    %mul3A_17 = arith.mulf %add3A_15, %mul3A_16 : vector<512x128xf32>
    %get3A_18 = arith.constant 0 : index
    %get3A_19 = arith.constant 0 : index
    %get3A_20 = vector.load %arg6[%get3A_18, %get3A_19] : memref<256x512xf32, #tpu.memory_space<vmem>>, vector<128x512xf32>
    %dot_general3A = arith.constant dense<0.000000e+00> : vector<512x512xf32>
    %dot_general3A_21 = tpu.matmul %mul3A_8, %get3A_20, %dot_general3A {dimension_numbers = #tpu.dot_dimension_numbers<[1], [0], [0], [1], [0, 0, 1, 1], [], []>, transpose_lhs_hint = false} : vector<512x128xf32>, vector<128x512xf32>, vector<512x512xf32> -> vector<512x512xf32>
    %get3A_22 = arith.constant 128 : index
    %get3A_23 = arith.constant 0 : index
    %get3A_24 = vector.load %arg6[%get3A_22, %get3A_23] : memref<256x512xf32, #tpu.memory_space<vmem>>, vector<128x512xf32>
    %dot_general3A_25 = arith.constant dense<0.000000e+00> : vector<512x512xf32>
    %dot_general3A_26 = tpu.matmul %mul3A_17, %get3A_24, %dot_general3A_25 {dimension_numbers = #tpu.dot_dimension_numbers<[1], [0], [0], [1], [0, 0, 1, 1], [], []>, transpose_lhs_hint = false} : vector<512x128xf32>, vector<128x512xf32>, vector<512x512xf32> -> vector<512x512xf32>
    %add3A_27 = arith.addf %dot_general3A_21, %dot_general3A_26 : vector<512x512xf32>
    %get3A_28 = arith.constant 0 : index
    %get3A_29 = arith.constant 0 : index
    %get3A_30 = vector.load %arg7[%get3A_28, %get3A_29] : memref<1x512xf32, #tpu.memory_space<vmem>>, vector<1x512xf32>
    %add3A_31 = vector.broadcast %get3A_30 : vector<1x512xf32> to vector<512x512xf32>
    %add3A_32 = arith.addf %add3A_27, %add3A_31 : vector<512x512xf32>
    %max3A = arith.constant 0.000000e+00 : f32
    %max3A_33 = vector.broadcast %max3A : f32 to vector<512x512xf32>
    %max3A_34 = arith.maximumf %add3A_32, %max3A_33 : vector<512x512xf32>
    %get3A_35 = arith.constant 0 : index
    %get3A_36 = arith.constant 0 : index
    %get3A_37 = vector.load %arg8[%get3A_35, %get3A_36] : memref<512x256xf32, #tpu.memory_space<vmem>>, vector<512x256xf32>
    %dot_general3A_38 = arith.constant dense<0.000000e+00> : vector<512x256xf32>
    %dot_general3A_39 = tpu.matmul %max3A_34, %get3A_37, %dot_general3A_38 {dimension_numbers = #tpu.dot_dimension_numbers<[1], [0], [0], [1], [0, 0, 1, 1], [], []>, transpose_lhs_hint = false} : vector<512x512xf32>, vector<512x256xf32>, vector<512x256xf32> -> vector<512x256xf32>
    %slice3A = vector.extract_strided_slice %dot_general3A_39 {offsets = [0, 0], sizes = [512, 128], strides = [1, 1]} : vector<512x256xf32> to vector<512x128xf32>
    %mul3A_40 = vector.broadcast %get3A_1 : vector<512x1xf32> to vector<512x128xf32>
    %mul3A_41 = arith.mulf %slice3A, %mul3A_40 : vector<512x128xf32>
    %swap3A = arith.constant 0 : index
    %swap3A_42 = arith.constant 0 : index
    %swap3A_43 = vector.load %arg9[%swap3A, %swap3A_42] : memref<512x128xf32, #tpu.memory_space<vmem>>, vector<512x128xf32>
    tpu.vector_store %arg9[%swap3A, %swap3A_42], %mul3A_41 {strides = array<i32>} : memref<512x128xf32, #tpu.memory_space<vmem>>, vector<512x128xf32>,
    %slice3A_44 = vector.extract_strided_slice %dot_general3A_39 {offsets = [0, 128], sizes = [512, 128], strides = [1, 1]} : vector<512x256xf32> to vector<512x128xf32>
    %mul3A_45 = vector.broadcast %get3A_1 : vector<512x1xf32> to vector<512x128xf32>
    %mul3A_46 = arith.mulf %slice3A_44, %mul3A_45 : vector<512x128xf32>
    %swap3A_47 = arith.constant 0 : index
    %swap3A_48 = arith.constant 0 : index
    %swap3A_49 = vector.load %arg10[%swap3A_47, %swap3A_48] : memref<512x128xf32, #tpu.memory_space<vmem>>, vector<512x128xf32>
    tpu.vector_store %arg10[%swap3A_47, %swap3A_48], %mul3A_46 {strides = array<i32>} : memref<512x128xf32, #tpu.memory_space<vmem>>, vector<512x128xf32>,
    return
  }
  func.func @transform_0(%arg0: i32) -> (i32, i32) {
    %c0_i32 = arith.constant 0 : i32
    %c0_i32_0 = arith.constant 0 : i32
    return %arg0, %c0_i32 : i32, i32
  }
  func.func @transform_1(%arg0: i32) -> (i32, i32) {
    %c0_i32 = arith.constant 0 : i32
    %c0_i32_0 = arith.constant 0 : i32
    return %arg0, %c0_i32 : i32, i32
  }
  func.func @transform_2(%arg0: i32) -> (i32, i32) {
    %c0_i32 = arith.constant 0 : i32
    %c0_i32_0 = arith.constant 0 : i32
    return %arg0, %c0_i32 : i32, i32
  }
  func.func @transform_3(%arg0: i32) -> (i32, i32) {
    %c0_i32 = arith.constant 0 : i32
    %c0_i32_0 = arith.constant 0 : i32
    return %arg0, %c0_i32 : i32, i32
  }
  func.func @transform_4(%arg0: i32) -> (i32, i32) {
    %c0_i32 = arith.constant 0 : i32
    %c0_i32_0 = arith.constant 0 : i32
    return %arg0, %c0_i32 : i32, i32
  }
  func.func @transform_5(%arg0: i32) -> (i32, i32) {
    %c0_i32 = arith.constant 0 : i32
    %c0_i32_0 = arith.constant 0 : i32
    %c0_i32_1 = arith.constant 0 : i32
    return %c0_i32, %c0_i32_0 : i32, i32
  }
  func.func @transform_6(%arg0: i32) -> (i32, i32) {
    %c0_i32 = arith.constant 0 : i32
    %c0_i32_0 = arith.constant 0 : i32
    %c0_i32_1 = arith.constant 0 : i32
    return %c0_i32, %c0_i32_0 : i32, i32
  }
  func.func @transform_7(%arg0: i32) -> (i32, i32) {
    %c0_i32 = arith.constant 0 : i32
    %c0_i32_0 = arith.constant 0 : i32
    %c0_i32_1 = arith.constant 0 : i32
    return %c0_i32, %c0_i32_0 : i32, i32
  }
  func.func @transform_8(%arg0: i32) -> (i32, i32) {
    %c0_i32 = arith.constant 0 : i32
    %c0_i32_0 = arith.constant 0 : i32
    return %arg0, %c0_i32 : i32, i32
  }
  func.func @transform_9(%arg0: i32) -> (i32, i32) {
    %c0_i32 = arith.constant 0 : i32
    %c0_i32_0 = arith.constant 0 : i32
    return %arg0, %c0_i32 : i32, i32
  }
}

module attributes {stable_mosaic.version = 14 : i64} {
  func.func @_final_body(%arg0: i32, %arg1: memref<512x128xf32, #tpu.memory_space<vmem>>, %arg2: memref<512x128xf32, #tpu.memory_space<vmem>>, %arg3: memref<512x128xf32, #tpu.memory_space<vmem>>, %arg4: memref<512x128xf32, #tpu.memory_space<vmem>>, %arg5: memref<512x1xf32, #tpu.memory_space<vmem>>, %arg6: memref<1x256xf32, #tpu.memory_space<vmem>>, %arg7: memref<512x256xf32, #tpu.memory_space<vmem>>) attributes {dimension_semantics = [#tpu.dimension_semantics<arbitrary>], iteration_bounds = array<i64: 20>, scalar_prefetch = 0 : i64, scratch_operands = 0 : i64, tpu.core_type = #tpu.core_type<tc>, window_params = [{transform_indices = @transform_0, window_bounds = array<i64: 512, 128>}, {transform_indices = @transform_1, window_bounds = array<i64: 512, 128>}, {transform_indices = @transform_2, window_bounds = array<i64: 512, 128>}, {transform_indices = @transform_3, window_bounds = array<i64: 512, 128>}, {transform_indices = @transform_4, window_bounds = array<i64: 512, 1>}, {pipeline_mode = #tpu.pipeline_mode<synchronous>, transform_indices = @transform_5, window_bounds = array<i64: 1, 256>}, {transform_indices = @transform_6, window_bounds = array<i64: 512, 256>}]} {
    %get3A = arith.constant 0 : index
    %get3A_0 = arith.constant 0 : index
    %get3A_1 = vector.load %arg5[%get3A, %get3A_0] : memref<512x1xf32, #tpu.memory_space<vmem>>, vector<512x1xf32>
    %get3A_2 = arith.constant 0 : index
    %get3A_3 = arith.constant 0 : index
    %get3A_4 = vector.load %arg1[%get3A_2, %get3A_3] : memref<512x128xf32, #tpu.memory_space<vmem>>, vector<512x128xf32>
    %get3A_5 = arith.constant 0 : index
    %get3A_6 = arith.constant 0 : index
    %get3A_7 = vector.load %arg3[%get3A_5, %get3A_6] : memref<512x128xf32, #tpu.memory_space<vmem>>, vector<512x128xf32>
    %add3A = arith.addf %get3A_4, %get3A_7 : vector<512x128xf32>
    %mul3A = vector.broadcast %get3A_1 : vector<512x1xf32> to vector<512x128xf32>
    %mul3A_8 = arith.mulf %add3A, %mul3A : vector<512x128xf32>
    %get3A_9 = arith.constant 0 : index
    %get3A_10 = arith.constant 0 : index
    %get3A_11 = vector.load %arg6[%get3A_9, %get3A_10] : memref<1x256xf32, #tpu.memory_space<vmem>>, vector<1x128xf32>
    %add3A_12 = vector.broadcast %get3A_11 : vector<1x128xf32> to vector<512x128xf32>
    %add3A_13 = arith.addf %mul3A_8, %add3A_12 : vector<512x128xf32>
    %logistic3A = arith.negf %add3A_13 : vector<512x128xf32>
    %logistic3A_14 = math.exp %logistic3A : vector<512x128xf32>
    %logistic3A_15 = arith.constant 1.000000e+00 : f32
    %logistic3A_16 = vector.broadcast %logistic3A_15 : f32 to vector<512x128xf32>
    %logistic3A_17 = arith.addf %logistic3A_16, %logistic3A_14 : vector<512x128xf32>
    %logistic3A_18 = arith.divf %logistic3A_16, %logistic3A_17 : vector<512x128xf32>
    %swap3A = arith.constant 0 : index
    %swap3A_19 = arith.constant 0 : index
    %swap3A_20 = vector.load %arg7[%swap3A, %swap3A_19] : memref<512x256xf32, #tpu.memory_space<vmem>>, vector<512x128xf32>
    tpu.vector_store %arg7[%swap3A, %swap3A_19], %logistic3A_18 {strides = array<i32>} : memref<512x256xf32, #tpu.memory_space<vmem>>, vector<512x128xf32>,
    %get3A_21 = arith.constant 0 : index
    %get3A_22 = arith.constant 0 : index
    %get3A_23 = vector.load %arg2[%get3A_21, %get3A_22] : memref<512x128xf32, #tpu.memory_space<vmem>>, vector<512x128xf32>
    %get3A_24 = arith.constant 0 : index
    %get3A_25 = arith.constant 0 : index
    %get3A_26 = vector.load %arg4[%get3A_24, %get3A_25] : memref<512x128xf32, #tpu.memory_space<vmem>>, vector<512x128xf32>
    %add3A_27 = arith.addf %get3A_23, %get3A_26 : vector<512x128xf32>
    %mul3A_28 = vector.broadcast %get3A_1 : vector<512x1xf32> to vector<512x128xf32>
    %mul3A_29 = arith.mulf %add3A_27, %mul3A_28 : vector<512x128xf32>
    %get3A_30 = arith.constant 0 : index
    %get3A_31 = arith.constant 128 : index
    %get3A_32 = vector.load %arg6[%get3A_30, %get3A_31] : memref<1x256xf32, #tpu.memory_space<vmem>>, vector<1x128xf32>
    %add3A_33 = vector.broadcast %get3A_32 : vector<1x128xf32> to vector<512x128xf32>
    %add3A_34 = arith.addf %mul3A_29, %add3A_33 : vector<512x128xf32>
    %logistic3A_35 = arith.negf %add3A_34 : vector<512x128xf32>
    %logistic3A_36 = math.exp %logistic3A_35 : vector<512x128xf32>
    %logistic3A_37 = arith.constant 1.000000e+00 : f32
    %logistic3A_38 = vector.broadcast %logistic3A_37 : f32 to vector<512x128xf32>
    %logistic3A_39 = arith.addf %logistic3A_38, %logistic3A_36 : vector<512x128xf32>
    %logistic3A_40 = arith.divf %logistic3A_38, %logistic3A_39 : vector<512x128xf32>
    %swap3A_41 = arith.constant 0 : index
    %swap3A_42 = arith.constant 128 : index
    %swap3A_43 = vector.load %arg7[%swap3A_41, %swap3A_42] : memref<512x256xf32, #tpu.memory_space<vmem>>, vector<512x128xf32>
    tpu.vector_store %arg7[%swap3A_41, %swap3A_42], %logistic3A_40 {strides = array<i32>} : memref<512x256xf32, #tpu.memory_space<vmem>>, vector<512x128xf32>,
    return
  }
  func.func @transform_0(%arg0: i32) -> (i32, i32) {
    %c0_i32 = arith.constant 0 : i32
    %c0_i32_0 = arith.constant 0 : i32
    return %arg0, %c0_i32 : i32, i32
  }
  func.func @transform_1(%arg0: i32) -> (i32, i32) {
    %c0_i32 = arith.constant 0 : i32
    %c0_i32_0 = arith.constant 0 : i32
    return %arg0, %c0_i32 : i32, i32
  }
  func.func @transform_2(%arg0: i32) -> (i32, i32) {
    %c0_i32 = arith.constant 0 : i32
    %c0_i32_0 = arith.constant 0 : i32
    return %arg0, %c0_i32 : i32, i32
  }
  func.func @transform_3(%arg0: i32) -> (i32, i32) {
    %c0_i32 = arith.constant 0 : i32
    %c0_i32_0 = arith.constant 0 : i32
    return %arg0, %c0_i32 : i32, i32
  }
  func.func @transform_4(%arg0: i32) -> (i32, i32) {
    %c0_i32 = arith.constant 0 : i32
    %c0_i32_0 = arith.constant 0 : i32
    return %arg0, %c0_i32 : i32, i32
  }
  func.func @transform_5(%arg0: i32) -> (i32, i32) {
    %c0_i32 = arith.constant 0 : i32
    %c0_i32_0 = arith.constant 0 : i32
    %c0_i32_1 = arith.constant 0 : i32
    return %c0_i32, %c0_i32_0 : i32, i32
  }
  func.func @transform_6(%arg0: i32) -> (i32, i32) {
    %c0_i32 = arith.constant 0 : i32
    %c0_i32_0 = arith.constant 0 : i32
    return %arg0, %c0_i32 : i32, i32
  }
}

</mosaic_0001>

<sc_bundles>
// kernel: kernel.11.cloned.1.call-start
scs
__scs_entry_jumppad:
0x0: {  	(pc) =	sbr.rel $0x88, $3  }
0x1: {  	(tag) =	ssettag $0x0;
	lr =	simm.s32 $0x1  }
0x2: {  	[smem:$0x3F9B] =	sst lr;
	_ =	strace $0xD0000000  }
0x3: {  	_ = 	snop  }
0x4: {  	_ = 	snop  }
0x5: {  	_ = 	snop  }
0x6: {  	_ = 	snop  }
0x7: {  	_ = 	snop  }
__scs_overlays_trampoline_lowered:
0x8: {  	[smem:$0x3FAA] =	sst s0  }
0x9: {  	[smem:$0x3FAB] =	sst s1  }
0xa: {  	[smem:$0x3FAC] =	sst s2  }
0xb: {  	[smem:$0x3FAD] =	sst s3  }
0xc: {  	[smem:$0x3FAE] =	sst s4  }
0xd: {  	[smem:$0x3FAF] =	sst s5  }
0xe: {  	[smem:$0x3FB0] =	sst s6  }
0xf: {  	[smem:$0x3FB1] =	sst s7  }
0x10: {  	[smem:$0x3FB2] =	sst s8  }
0x11: {  	[smem:$0x3FB3] =	sst s9;
	s0 =	simm.s32 @!p0 $0x0  }
0x12: {  	s1 =	sld [smem:$0x3F99];
	s0 =	simm.s32 @p0 $0x1  }
0x13: {  	[smem:$0x3FB4] =	sst s0;
	s0 =	simm.s32 @!p1 $0x0  }
0x14: {  	s2 =	sld [smem:$0x3F98];
	s0 =	simm.s32 @p1 $0x1  }
0x15: {  	[smem:$0x3FB5] =	sst s0;
	s0 =	simm.s32 @!p2 $0x0  }
0x16: {  	s3 =	sld [smem:$0x3FDB];
	s0 =	simm.s32 @p2 $0x1  }
0x17: {  	s4 =	simm.s32 $0x1BF5;
	[smem:$0x3FB7] =	sst s0  }
0x18: {  	s0 =	sld [smem:$0x3F9A];
	_ =	swait.ge [sflag:s4], $0x0  }
0x19: {  	s7 =	sld [smem:$0x3F9B]  }
0x1a: {  	s8 =	sadd.s32 $0xFFFFE003, lr  }
0x1b: {  	s9 =	sadd.s32 $0xFFFFFEF7, lr;
	s5 =	simm.s32 $0xFFFFFFFF;
	p2 =	slt.u32 s8, $0xFFFFF086  }
0x1c: {  	p1 =	slt.u32 s9, $0xF7A;
	s5 =	simm.s32 @!p2 $0x0  }
0x1d: {  	s5 =	simm.s32 @p1 $0x1;
	p0 =	seq.s32 s7, s2  }
0x1e: {  	s7 =	smul.u32 @!p0 $0xF7A, s2;
	p2 =	seq.s32 @!p0 s5, $0x0  }
0x1f: {  	s9 =	smul.u32 $0xF7A, s1;
	s8 =	simm.s32 @!p0 $0x1BF5;
	p2 =	por !p2, p0  }
0x20: {  	[sflag:s8] =	ssyncset.s32 @!p0 $0xFFFFF086;
	s6 =	sadd.s32 @!p0 s3, s7;
	s7 =	simm.s32 @!p0 $0x108  }
0x21: {  	s3 =	sadd.s32 s3, s9;
	s6 =	sadd.s32 @!p0 $0x88, s6;
	s7 =	simm.s32 @p2 $0x1082  }
0x22: {  	[simem:s7], [sflag:s8] =	dma.local @!p0 [hbm:s6], $0xF7A  }
0x23: {  	s9 =	sor.u32 $0xD0000000, s2;
	s6 =	simm.s32 $0x108;
	_ =	swait.ge @!p0 [sflag:s8], $0x0  }
0x24: {  	s3 =	sadd.s32 $0x88, s3;
	s6 =	simm.s32 @!p1 $0x1082;
	[sflag:s4] =	ssyncset.s32 $0xFFFFF086  }
0x25: {  	[simem:s6], [sflag:s4] =	dma.local [hbm:s3], $0xF7A  }
0x26: {  	[smem:$0x3F9B] =	sst s1;
	(tag) =	ssettag s2;
	_ =	strace s9  }
0x27: {  	s1 =	sld [smem:$0x3FAB]  }
0x28: {  	s2 =	sld [smem:$0x3FAC]  }
0x29: {  	s4 =	sld [smem:$0x3FAE]  }
0x2a: {  	p0 =	seq.s32 s5, $0x0;
	s5 =	sld [smem:$0x3FAF]  }
0x2b: {  	s6 =	sld [smem:$0x3FB0]  }
0x2c: {  	s7 =	sld [smem:$0x3FB1]  }
0x2d: {  	s3 =	simm.s32 $0x108;
	s8 =	sld [smem:$0x3FB2]  }
0x2e: {  	s3 =	simm.s32 @!p0 $0x1082;
	s9 =	sld [smem:$0x3FB3]  }
0x2f: {  	lr =	sadd.s32 s0, s3;
	s0 =	sld [smem:$0x3FAA]  }
0x30: {  	s3 =	sld [smem:$0x3FAD]  }
0x31: {  	[smem:$0x3FB6] =	sst s10  }
0x32: {  	s10 =	sld [smem:$0x3FB4];
	_ =	sdelay $0x3  }
0x33: {  	p0 =	seq.s32 s10, $0x1;
	s10 =	sld [smem:$0x3FB6];
	_ =	sdelay $0x3  }
0x34: {  	[smem:$0x3FB6] =	sst s10  }
0x35: {  	s10 =	sld [smem:$0x3FB5];
	_ =	sdelay $0x3  }
0x36: {  	p1 =	seq.s32 s10, $0x1;
	s10 =	sld [smem:$0x3FB6];
	_ =	sdelay $0x3  }
0x37: {  	[smem:$0x3FB6] =	sst s10  }
0x38: {  	s10 =	sld [smem:$0x3FB7]  }
0x39: {  	_ = 	snop;
	(pc) =	sbr.ind lr, $3  }
0x3a: {  	_ = 	snop  }
0x3b: {  	_ = 	snop  }
0x3c: {  	p2 =	seq.s32 s10, $0x1;
	s10 =	sld [smem:$0x3FB6]  }
0x3d: {  	_ =	shalt  }
0x3e: {  	_ =	shalt  }
0x3f: {  	_ =	shalt  }
0x40: {  	_ =	shalt  }
0x41: {  	_ =	shalt  }
0x42: {  	_ =	shalt  }
0x43: {  	_ =	shalt  }
0x44: {  	_ =	shalt  }
0x45: {  	_ =	shalt  }
0x46: {  	_ =	shalt  }
0x47: {  	_ =	shalt  }
0x48: {  	_ =	shalt  }
0x49: {  	_ =	shalt  }
0x4a: {  	_ =	shalt  }
0x4b: {  	_ =	shalt  }
0x4c: {  	_ =	shalt  }
0x4d: {  	_ =	shalt  }
0x4e: {  	_ =	shalt  }
0x4f: {  	_ =	shalt  }
0x50: {  	_ =	shalt  }
0x51: {  	_ =	shalt  }
0x52: {  	_ =	shalt  }
0x53: {  	_ =	shalt  }
0x54: {  	_ =	shalt  }
0x55: {  	_ =	shalt  }
0x56: {  	_ =	shalt  }
0x57: {  	_ =	shalt  }
0x58: {  	_ =	shalt  }
0x59: {  	_ =	shalt  }
0x5a: {  	_ =	shalt  }
0x5b: {  	_ =	shalt  }
0x5c: {  	_ =	shalt  }
0x5d: {  	_ =	shalt  }
0x5e: {  	_ =	shalt  }
0x5f: {  	_ =	shalt  }
0x60: {  	_ =	shalt  }
0x61: {  	_ =	shalt  }
0x62: {  	_ =	shalt  }
0x63: {  	_ =	shalt  }
0x64: {  	_ =	shalt  }
0x65: {  	_ =	shalt  }
0x66: {  	_ =	shalt  }
0x67: {  	_ =	shalt  }
0x68: {  	_ =	shalt  }
0x69: {  	_ =	shalt  }
0x6a: {  	_ =	shalt  }
0x6b: {  	_ =	shalt  }
0x6c: {  	_ =	shalt  }
0x6d: {  	_ =	shalt  }
0x6e: {  	_ =	shalt  }
0x6f: {  	_ =	shalt  }
0x70: {  	_ =	shalt  }
0x71: {  	_ =	shalt  }
0x72: {  	_ =	shalt  }
0x73: {  	_ =	shalt  }
0x74: {  	_ =	shalt  }
0x75: {  	_ =	shalt  }
0x76: {  	_ =	shalt  }
0x77: {  	_ =	shalt  }
0x78: {  	_ =	shalt  }
0x79: {  	_ =	shalt  }
0x7a: {  	_ =	shalt  }
0x7b: {  	_ =	shalt  }
0x7c: {  	_ =	shalt  }
0x7d: {  	_ =	shalt  }
0x7e: {  	_ =	shalt  }
0x7f: {  	_ =	shalt  }
0x80: {  	_ =	shalt  }
0x81: {  	_ =	shalt  }
0x82: {  	_ =	shalt  }
0x83: {  	_ =	shalt  }
0x84: {  	_ =	shalt  }
0x85: {  	_ =	shalt  }
0x86: {  	_ =	shalt  }
0x87: {  	_ =	shalt  }
.Lfunc_end0:
.L_simem_size_0:
called_computation.1_lowered:
.L_overlay_start_0:
0x88: {  	s2 =	sld [smem:$0x3FD9]  }
0x89: {  	s3 =	sld [smem:$0x3FFE];
	_ =	sdelay $0x1  }
0x8a: {  	s1 =	srdreg.scid  }
0x8b: {  	s0 =	sand.u32 $0x1, s1  }
0x8c: {  	s17 =	sshll.u32 s0, $0xA;
	s2 =	sadd.s32 s3, s2  }
0x8d: {  	s2 =	sadd.s32 s2, s17  }
0x8e: {  	[smem:$0x3FC2] =	sst s2  }
0x8f: {  	_ = 	snop  }
0x90: {  	s2 =	sld [smem:$0x3FD0];
	(tm) =	ssettm $0x1  }
0x91: {  	s18 =	sld [smem:$0x3FFB];
	_ =	sdelay $0x3  }
0x92: {  	_ =	strace s18  }
0x93: {  	s3 =	sld [smem:$0x3FFC];
	_ =	sdelay $0x3  }
0x94: {  	_ =	strace s3  }
0x95: {  	s3 =	sld [smem:$0x3FFD];
	_ =	sdelay $0x3  }
0x96: {  	_ =	strace s3  }
0x97: {  	_ =	strace $0x8FFFFFFF  }
0x98: {  	s19 =	sld [smem:$0x3FDB];
	_ =	sdelay $0x1  }
0x99: {  	s4 =	simm.s32 $_scs_section_size  }
0x9a: {  	s5 =	simm.s32 $_size__tile_overlayer_lowered;
	s6 =	simm.s32 $_tile_overlayer_lowered  }
0x9b: {  	s22 =	simm.s32 $0x1BFF;
	s21 =	sshll.u32 s6, $0x1;
	s3 =	sadd.s32 s4, s19  }
0x9c: {  	s7 =	simm.s32 $0x0;
	s20 =	sshll.u32 s5, $0x1;
	s5 =	sadd.s32 s21, s3  }
0x9d: {  	[timem:s7], [sflag:s22] =	dma.local [hbm:s5], s20  }
0x9e: {  	_ =	swait.ge [sflag:s22], s20  }
0x9f: {  	s4 =	ssub.s32 $0x0, s20;
	[sflag:s22] =	ssyncset.done $0x0  }
0xa0: {  	[sflag:s22] =	ssyncadd.s32 s4;
	_ =	sdelay $0x1  }
0xa1: {  	s23 =	simm.s32 $0x1B8B  }
0xa2: {  	_ =	swait.ge [sflag:s23], $0x1  }
0xa3: {  	[sflag:s23] =	ssyncset.done $0x0  }
0xa4: {  	s25 =	simm.s32 $0x1B8E;
	s24 =	sld [smem:$0x3FFE];
	[sflag:s23] =	ssyncadd.s32 $0xFFFFFFFF  }
0xa5: {  	s26 =	simm.s32 $execute0_lowered;
	[smem:$0x3FD2] =	sst s25  }
0xa6: {  	s5 =	sshll.u32 s26, $0x1;
	_ =	strace $0x80000049;
	[dreg:$0x1] =	wrdreg $0xFFFFFFFF  }
0xa7: {  	s28 =	simm.s32 $_size_execute0_lowered;
	s3 =	sadd.s32 s3, s5;
	[dreg:$0x0] =	wrdreg $0x0  }
0xa8: {  	s5 =	sshll.u32 s28, $0x1;
	[dreg:$0x2] =	wrdreg s3  }
0xa9: {  	[dreg:$0x3] =	wrdreg s5  }
0xaa: {  	[dreg:$0x4] =	wrdreg $0xC0  }
0xab: {  	_ =	task [dreg:s7], $0x5FFFF  }
0xac: {  	[dreg:$0x1] =	wrdreg $0xFFFFFFFF  }
0xad: {  	[dreg:$0x0] =	wrdreg $0x60  }
0xae: {  	[dreg:$0x2] =	wrdreg s2  }
0xaf: {  	[dreg:$0x3] =	wrdreg s24  }
0xb0: {  	[dreg:$0x4] =	wrdreg $0x84000  }
0xb1: {  	[dreg:$0x5] =	wrdreg $0x9  }
0xb2: {  	_ =	task.clear_ibuf [dreg:s7], $0x6FFFF;
	_ =	strace $0x90000049  }
0xb3: {  	s29 =	simm.s32 $0x9;
	_ =	strace $0x8000004B  }
0xb4: {  	_ =	swait.ge [sflag:s29], $0x1  }
0xb5: {  	[sflag:s29] =	ssyncadd.s32 $0xFFFFFFFF  }
0xb6: {  	_ =	strace $0x9000004B  }
0xb7: {  	_ =	sfence  }
0xb8: {  	s30 =	sld [smem:$0x0];
	_ =	sdelay $0x2  }
0xb9: {  	s31 =	sshll.u32 s1, $0xD;
	s1 =	sshrl.u32 s1, $0x2  }
0xba: {  	s3 =	sand.u32 $0x4000, s31;
	s1 =	sadd.s32 s1, s30  }
0xbb: {  	s0 =	sor.u32 s3, s0;
	s1 =	sshll.u32 s1, $0x11  }
0xbc: {  	s0 =	sor.u32 s1, s0  }
0xbd: {  	s0 =	sadd.s32 $0x8F2B, s0  }
0xbe: {  	[sflag:s0] =	ssyncadd.remote.s32 $0x1  }
0xbf: {  	_ =	sfence.sel $0xFFFF  }
0xc0: {  	[dreg:$0x0] =	wrdreg $0xFFFFFFFF;
	(pc) =	sbr.abs _section_cstart, $3  }
0xc1: {  	[dreg:$0x1] =	wrdreg $0xFFFFFFFF  }
0xc2: {  	_ =	task.clear_ibuf [dreg:s7], $0x2FFFF;
	_ =	strace $0x9FFFFFFF  }
0xc3: {  	(tm) =	ssettm $0x7FFFFFFF  }
tec
execute0_lowered:
.L_overlay_start_1:
0x0: {  	(tag) =	ssettag $0x1  }
0x1: {  	s0 =	rddreg [dreg:$0x0]  }
0x2: {  	s4 =	rddreg [dreg:$0x1]  }
0x3: {  	s1 =	rddreg [dreg:$0x2]  }
0x4: {  	s2 =	simm.s32 $0x0;
	s5 =	srdreg.scid;
	s11 =	stileid.u32  }
0x5: {  	s28 =	simm.s32 $0x280;
	s29 =	simm.s32 $0x4;
	s30 =	simm.s32 $0x4400  }
0x6: {  	s31 =	simm.s32 $0x1;
	s17 =	simm.s32 $0x380;
	[smem:$0x7FF] =	sst s2  }
0x7: {  	s3 =	sadd.s32 $0xD600, s4;
	s6 =	sadd.s32 $0x8600, s4;
	s5 =	sand.u32 $0x1, s5  }
0x8: {  	s7 =	smul.u32 $0x4E000, s11;
	s8 =	sadd.s32 $0x3600, s4;
	s15 =	sadd.s32 $0x5BA00, s4  }
0x9: {  	s16 =	sadd.s32 $0x82C00, s4;
	s19 =	smul.u32 $0x500, s11;
	s12 =	sadd.s32 $0x138000, s1  }
0xa: {  	s23 =	smul.u32 $0x2700, s11;
	p2 =	seq.s32 s11, $0x0;
	_ =	strace $0x8000004A  }
0xb: {  	s9 =	ssub.s32 $0x2, s5;
	p0 =	seq.s32 s5, $0x0;
	[dreg:$0x5] =	wrdreg s16  }
0xc: {  	[dreg:$0x4] =	wrdreg s15;
	p1 =	sne.s32 s5, $0x0;
	s5 =	simm.s32 $0x2  }
0xd: {  	s18 =	sshrl.u32 s9, $0x1;
	s7 =	sshrl.u32 s7, $0x2;
	s13 =	sadd.s32 s6, s19  }
0xe: {  	s14 =	sadd.s32 s8, s19;
	s25 =	sadd.s32 s16, s23;
	s26 =	sadd.s32 s15, s23  }
0xf: {  	s3 =	smov.u32 @p0 s0;
	s7 =	sadd.s32 s7, s1;
	[dreg:$0xc] =	wrdreg s25  }
0x10: {  	p0 =	sne.s32 s11, $0x0;
	[dreg:$0xd] =	wrdreg s26;
	s10 =	sadd.s32 $0x4000, s7  }
0x11: {  	s23 =	simm.s32 $0x100;
	s20 =	sadd.s32 $0x8000, s7;
	[dreg:$0x6] =	wrdreg s10  }
0x12: {  	s4 =	ssub.s32 s9, s18;
	s21 =	sadd.s32 $0xC000, s7;
	[dreg:$0x7] =	wrdreg s20  }
0x13: {  	s9 =	sor.u32 $0x10, s19;
	s22 =	sadd.s32 $0x10000, s7;
	[dreg:$0x8] =	wrdreg s21  }
0x14: {  	s0 =	simm.s32 $0x300;
	s6 =	sadd.s32 s6, s9;
	[dreg:$0x9] =	wrdreg s22  }
.Ltmp0:
0x15: {  	s24 =	sadd.s32 s8, s9;
	[dreg:$0xa] =	wrdreg s6;
	(pc) =	sbr.rel .LBB2_1-.Ltmp0, $4  }
0x16: {  	s25 =	simm.s32 $0x3;
	s4 =	smax.u32 s4, $0x1;
	[dreg:$0xb] =	wrdreg s24  }
0x17: {  	s26 =	simm.s32 $0x200;
	s18 =	simm.s32 $0x5;
	[dreg:$0xe] =	wrdreg s4  }
0x18: {  	s20 =	simm.s32 $0x400;
	s21 =	simm.s32 $0x7;
	s22 =	simm.s32 $0x80  }
0x19: {  	v0 =	vimm.f32 $0.0e+00;
	s24 =	simm.s32 $0x180;
	s6 =	simm.s32 $0x6;
	s4 =	simm.s32 $0x0  }
.LBB2_8:
0x1a: {  	s9 =	sadd.s32 $0x27000, s9;
	s10 =	sshrl.u32 s12, $0x3  }
0x1b: {  	[hbm:s9], [sflag:s8] =	dma.local [spmem:s10], $0x100  }
0x1c: {  	_ =	swait.ge [sflag:s21], $0x100  }
0x1d: {  	[sflag:s21] =	ssyncset.done $0x0  }
0x1e: {  	[sflag:s21] =	ssyncadd.s32 $0xFFFFFF00  }
.LBB2_9:
0x1f: {  	s4 =	sadd.s32 $0x1, s4;
	s8 =	rddreg [dreg:$0xe]  }
0x20: {  	p3 =	sne.s32 s4, s8  }
.Ltmp1:
0x21: {  	_ = 	snop;
	(pc) =	sbr.rel @!p3 .LBB2_10-.Ltmp1, $1  }
0x22: {  	_ =	sdelay $0x3  }
.LBB2_1:
0x23: {  	s8 =	simm.s32 $0x0;
	s9 =	simm.s32 $0x200  }
.LBB2_2:
0x24: {  	p3 =	sne.s32 s9, $0xFE00;
	[tilespmem:s8+$0x470] =	vst v0  }
0x25: {  	[tilespmem:s8+$0x400] =	vst v0  }
0x26: {  	[tilespmem:s8+$0x410] =	vst v0  }
.Ltmp2:
0x27: {  	[tilespmem:s8+$0x420] =	vst v0;
	(pc) =	sbr.rel @p3 .LBB2_2-.Ltmp2, $4  }
0x28: {  	[tilespmem:s8+$0x430] =	vst v0  }
0x29: {  	[tilespmem:s8+$0x440] =	vst v0  }
0x2a: {  	[tilespmem:s8+$0x450] =	vst v0  }
0x2b: {  	[tilespmem:s8+$0x460] =	vst v0;
	s8 =	sshra.s32 s9, $0x2;
	s9 =	sadd.s32 $0x200, s9  }
0x2c: {  	[tilespmem:s8+$0x470] =	vst v0  }
0x2d: {  	[tilespmem:s8+$0x400] =	vst v0  }
0x2e: {  	[tilespmem:s8+$0x410] =	vst v0  }
0x2f: {  	[tilespmem:s8+$0x420] =	vst v0  }
0x30: {  	[tilespmem:s8+$0x430] =	vst v0  }
0x31: {  	[tilespmem:s8+$0x440] =	vst v0  }
0x32: {  	[tilespmem:s8+$0x450] =	vst v0  }
0x33: {  	[tilespmem:s8+$0x460] =	vst v0  }
0x34: {  	[spmem:s7] =	stream.linear.scatter [tilespmem:s20], [sflag:$0x7], $0x4000, $0x38;
	[tilespmem:$0x1C080] =	vst v63  }
0x35: {  	_ =	swait.ge [sflag:s21], $0x4000  }
0x36: {  	[sflag:s21] =	ssyncset.done $0x0  }
0x37: {  	s10 =	rddreg [dreg:$0x6];
	[sflag:s21] =	ssyncadd.s32 $0xFFFFC000  }
0x38: {  	[spmem:s10] =	stream.linear.scatter [tilespmem:s20], [sflag:$0x7], $0x4000, $0x38;
	[tilespmem:$0x1C080] =	vst v63  }
0x39: {  	_ =	swait.ge [sflag:s21], $0x4000  }
0x3a: {  	[sflag:s21] =	ssyncset.done $0x0  }
0x3b: {  	s11 =	rddreg [dreg:$0x7];
	[sflag:s21] =	ssyncadd.s32 $0xFFFFC000  }
0x3c: {  	[spmem:s11] =	stream.linear.scatter [tilespmem:s20], [sflag:$0x7], $0x4000, $0x38;
	[tilespmem:$0x1C080] =	vst v63  }
0x3d: {  	_ =	swait.ge [sflag:s21], $0x4000  }
0x3e: {  	[sflag:s21] =	ssyncset.done $0x0  }
0x3f: {  	s15 =	rddreg [dreg:$0x8];
	[sflag:s21] =	ssyncadd.s32 $0xFFFFC000  }
0x40: {  	[spmem:s15] =	stream.linear.scatter [tilespmem:s20], [sflag:$0x7], $0x4000, $0x38;
	[tilespmem:$0x1C080] =	vst v63  }
0x41: {  	_ =	swait.ge [sflag:s21], $0x4000  }
0x42: {  	[sflag:s21] =	ssyncset.done $0x0  }
0x43: {  	s16 =	rddreg [dreg:$0x9];
	[sflag:s21] =	ssyncadd.s32 $0xFFFFC000  }
0x44: {  	[spmem:s16] =	stream.linear.scatter [tilespmem:s20], [sflag:$0x7], $0x3800, $0x38;
	[tilespmem:$0x1C080] =	vst v63  }
0x45: {  	_ =	swait.ge [sflag:s21], $0x3800  }
0x46: {  	[sflag:s21] =	ssyncset.done $0x0  }
0x47: {  	s8 =	simm.s32 @!p0 $0x400;
	[sflag:s21] =	ssyncadd.s32 $0xFFFFC800  }
0x48: {  	[spmem:s12] =	stream.linear.scatter @!p0 [tilespmem:s8], [sflag:$0x7], $0x800, $0x38;
	[tilespmem:$0x1C080] =	vst v63  }
0x49: {  	s8 =	simm.s32 @!p0 $0x7  }
0x4a: {  	_ =	swait.ge @!p0 [sflag:s8], $0x800  }
0x4b: {  	[sflag:s8] =	ssyncset.done @!p0 $0x0  }
0x4c: {  	[sflag:s8] =	ssyncadd.s32 @!p0 $0xFFFFF800  }
0x4d: {  	s19 =	simm.s32 $0x0;
	[bflag:$0x0] =	sbarrier.arrive $0xFFFF  }
0x4e: {  	[tilespmem:s19], [sflag:$0x3] =	stream.linear.gather [hbm4b:s13+s19], $0x80, $0x38;
	[tilespmem:$0x1C080] =	vst v63  }
0x4f: {  	_ = 	snop  }
0x50: {  	[tilespmem:s22], [sflag:$0x3] =	stream.linear.gather [hbm4b:s14+s19], $0x80, $0x38;
	[tilespmem:$0x1C080] =	vst v63  }
0x51: {  	s9 =	rddreg [dreg:$0xa]  }
0x52: {  	[tilespmem:s23], [sflag:$0x4] =	stream.linear.gather [hbm4b:s9+s19], $0x80, $0x38;
	[tilespmem:$0x1C080] =	vst v63  }
0x53: {  	s10 =	rddreg [dreg:$0xb]  }
0x54: {  	[tilespmem:s24], [sflag:$0x4] =	stream.linear.gather [hbm4b:s10+s19], $0x80, $0x38;
	[tilespmem:$0x1C080] =	vst v63  }
0x55: {  	_ =	swait.ge [sflag:s25], $0x80  }
0x56: {  	[sflag:s25] =	ssyncset.done $0x0  }
0x57: {  	[sflag:s25] =	ssyncadd.s32 $0xFFFFFF80  }
0x58: {  	_ =	swait.ge [sflag:s25], $0x80  }
0x59: {  	[sflag:s25] =	ssyncset.done $0x0  }
0x5a: {  	s11 =	sadd.s32 $0x0, s13;
	[sflag:s25] =	ssyncadd.s32 $0xFFFFFF80  }
0x5b: {  	[tilespmem:s20], [sflag:$0x1] =	stream.indirect.gather [hbm4b:s3+s22], $0x80, s19, s22, $0xb8;
	[tilespmem:$0x1C080] =	vst v63  }
0x5c: {  	s15 =	sadd.s32 $0x20, s11;
	s10 =	sadd.s32 $0x0, s14  }
0x5d: {  	[tilespmem:s26], [sflag:$0x5] =	stream.linear.gather [hbm4b:s15+s2], $0x80, $0x38;
	[tilespmem:$0x1C080] =	vst v63  }
0x5e: {  	s16 =	sadd.s32 $0x20, s10  }
0x5f: {  	[tilespmem:s28], [sflag:$0x5] =	stream.linear.gather [hbm4b:s16+s2], $0x80, $0x38;
	[tilespmem:$0x1C080] =	vst v63  }
0x60: {  	_ =	swait.ge [sflag:s29], $0x80  }
0x61: {  	[sflag:s29] =	ssyncset.done $0x0  }
0x62: {  	[sflag:s29] =	ssyncadd.s32 $0xFFFFFF80  }
0x63: {  	_ =	swait.ge [sflag:s29], $0x80  }
0x64: {  	[sflag:s29] =	ssyncset.done $0x0  }
0x65: {  	[sflag:s29] =	ssyncadd.s32 $0xFFFFFF80  }
0x66: {  	[tilespmem:s30], [sflag:$0x2] =	stream.indirect.gather [hbm4b:s3+s22], $0x80, s23, s22, $0xb8;
	[tilespmem:$0x1C080] =	vst v63  }
0x67: {  	_ =	swait.ge [sflag:s31], $0x4000  }
0x68: {  	[sflag:s31] =	ssyncset.done $0x0  }
0x69: {  	[sflag:s31] =	ssyncadd.s32 $0xFFFFC000  }
0x6a: {  	[spmem:s1] =	stream.indirect.scatter.add.f32 [tilespmem:s20], [sflag:$0x7], $0x80, s22, s22, $0xb8;
	[tilespmem:$0x1C080] =	vst v63  }
0x6b: {  	_ =	swait.ge [sflag:s21], $0x4000  }
0x6c: {  	[sflag:s21] =	ssyncset.done $0x0  }
0x6d: {  	s8 =	sadd.s32 $0x30, s11;
	[sflag:s21] =	ssyncadd.s32 $0xFFFFC000  }
0x6e: {  	[tilespmem:s0], [sflag:$0x6] =	stream.linear.gather [hbm4b:s8+s2], $0x80, $0x38;
	[tilespmem:$0x1C080] =	vst v63  }
0x6f: {  	s19 =	sadd.s32 $0x30, s10  }
0x70: {  	[tilespmem:s17], [sflag:$0x6] =	stream.linear.gather [hbm4b:s19+s2], $0x80, $0x38;
	[tilespmem:$0x1C080] =	vst v63  }
0x71: {  	_ =	swait.ge [sflag:s18], $0x80  }
0x72: {  	[sflag:s18] =	ssyncset.done $0x0  }
0x73: {  	[sflag:s18] =	ssyncadd.s32 $0xFFFFFF80  }
0x74: {  	_ =	swait.ge [sflag:s18], $0x80  }
0x75: {  	[sflag:s18] =	ssyncset.done $0x0  }
0x76: {  	[sflag:s18] =	ssyncadd.s32 $0xFFFFFF80  }
0x77: {  	[tilespmem:s20], [sflag:$0x1] =	stream.indirect.gather [hbm4b:s3+s22], $0x80, s26, s22, $0xb8;
	[tilespmem:$0x1C080] =	vst v63  }
0x78: {  	_ =	swait.ge [sflag:s5], $0x4000  }
0x79: {  	[sflag:s5] =	ssyncset.done $0x0  }
0x7a: {  	[sflag:s5] =	ssyncadd.s32 $0xFFFFC000  }
0x7b: {  	[spmem:s1] =	stream.indirect.scatter.add.f32 [tilespmem:s30], [sflag:$0x7], $0x80, s24, s22, $0xb8;
	[tilespmem:$0x1C080] =	vst v63  }
0x7c: {  	p3 =	por $0x0, $0x0;
	_ =	swait.ge [sflag:s21], $0x4000  }
0x7d: {  	s11 =	simm.s32 @!p3 $0x0;
	s8 =	sadd.s32 @!p3 $0x0, s13;
	[sflag:s21] =	ssyncset.done $0x0  }
0x7e: {  	s9 =	sadd.s32 @!p3 $0x0, s14;
	s10 =	sadd.s32 @!p3 $0x40, s8;
	[sflag:s21] =	ssyncadd.s32 $0xFFFFC000  }
0x7f: {  	[tilespmem:s11], [sflag:$0x3] =	stream.linear.gather @!p3 [hbm4b:s10+s11], $0x80, $0x38;
	[tilespmem:$0x1C080] =	vst v63  }
0x80: {  	s15 =	simm.s32 @!p3 $0x80;
	s10 =	sadd.s32 @!p3 $0x40, s9  }
0x81: {  	[tilespmem:s15], [sflag:$0x3] =	stream.linear.gather @!p3 [hbm4b:s10+s11], $0x80, $0x38;
	[tilespmem:$0x1C080] =	vst v63  }
0x82: {  	_ =	swait.ge [sflag:s6], $0x80  }
0x83: {  	[sflag:s6] =	ssyncset.done $0x0  }
0x84: {  	[sflag:s6] =	ssyncadd.s32 $0xFFFFFF80  }
0x85: {  	_ =	swait.ge [sflag:s6], $0x80  }
0x86: {  	[sflag:s6] =	ssyncset.done $0x0  }
0x87: {  	[sflag:s6] =	ssyncadd.s32 $0xFFFFFF80  }
0x88: {  	[tilespmem:s30], [sflag:$0x2] =	stream.indirect.gather [hbm4b:s3+s22], $0x80, s0, s22, $0xb8;
	[tilespmem:$0x1C080] =	vst v63  }
0x89: {  	_ =	swait.ge [sflag:s31], $0x4000  }
0x8a: {  	[sflag:s31] =	ssyncset.done $0x0  }
0x8b: {  	[sflag:s31] =	ssyncadd.s32 $0xFFFFC000  }
0x8c: {  	[spmem:s1] =	stream.indirect.scatter.add.f32 [tilespmem:s20], [sflag:$0x7], $0x80, s28, s22, $0xb8;
	[tilespmem:$0x1C080] =	vst v63  }
0x8d: {  	_ =	swait.ge [sflag:s21], $0x4000  }
0x8e: {  	[sflag:s21] =	ssyncset.done $0x0  }
0x8f: {  	s8 =	sadd.s32 @!p3 $0x50, s8;
	s10 =	simm.s32 @!p3 $0x100;
	[sflag:s21] =	ssyncadd.s32 $0xFFFFC000  }
0x90: {  	[tilespmem:s10], [sflag:$0x4] =	stream.linear.gather @!p3 [hbm4b:s8+s11], $0x80, $0x38;
	[tilespmem:$0x1C080] =	vst v63  }
0x91: {  	s8 =	sadd.s32 @!p3 $0x50, s9;
	s9 =	simm.s32 @!p3 $0x180  }
0x92: {  	[tilespmem:s9], [sflag:$0x4] =	stream.linear.gather @!p3 [hbm4b:s8+s11], $0x80, $0x38;
	[tilespmem:$0x1C080] =	vst v63  }
0x93: {  	s8 =	simm.s32 @!p3 $0x3  }
0x94: {  	_ =	swait.ge @!p3 [sflag:s8], $0x80  }
0x95: {  	[sflag:s8] =	ssyncset.done @!p3 $0x0  }
0x96: {  	[sflag:s8] =	ssyncadd.s32 @!p3 $0xFFFFFF80  }
0x97: {  	_ =	swait.ge @!p3 [sflag:s8], $0x80  }
0x98: {  	[sflag:s8] =	ssyncset.done @!p3 $0x0  }
0x99: {  	[sflag:s8] =	ssyncadd.s32 @!p3 $0xFFFFFF80;
	s8 =	simm.s32 @!p3 $0x400  }
0x9a: {  	[tilespmem:s8], [sflag:$0x1] =	stream.indirect.gather @!p3 [hbm4b:s3+s15], $0x80, s11, s15, $0xb8;
	[tilespmem:$0x1C080] =	vst v63  }
0x9b: {  	_ =	swait.ge [sflag:s5], $0x4000  }
0x9c: {  	[sflag:s5] =	ssyncset.done $0x0  }
0x9d: {  	[sflag:s5] =	ssyncadd.s32 $0xFFFFC000  }
0x9e: {  	[spmem:s1] =	stream.indirect.scatter.add.f32 [tilespmem:s30], [sflag:$0x7], $0x80, s17, s22, $0xb8;
	[tilespmem:$0x1C080] =	vst v63  }
0x9f: {  	s9 =	simm.s32 $0x80;
	_ =	swait.ge [sflag:s21], $0x4000  }
0xa0: {  	s8 =	simm.s32 $0x40;
	s11 =	sadd.s32 $0x40, s13;
	[sflag:s21] =	ssyncset.done $0x0  }
.LBB2_4:
0xa1: {  	s10 =	sadd.s32 $0x20, s11;
	s15 =	sadd.s32 s8, s14;
	[sflag:s21] =	ssyncadd.s32 $0xFFFFC000  }
0xa2: {  	[tilespmem:s26], [sflag:$0x5] =	stream.linear.gather [hbm4b:s10+s2], $0x80, $0x38;
	[tilespmem:$0x1C080] =	vst v63  }
0xa3: {  	s16 =	sadd.s32 $0x20, s15;
	s10 =	smov.u32 s9;
	s9 =	sadd.s32 $0x40, s9  }
0xa4: {  	[tilespmem:s28], [sflag:$0x5] =	stream.linear.gather [hbm4b:s16+s2], $0x80, $0x38;
	[tilespmem:$0x1C080] =	vst v63  }
0xa5: {  	p3 =	sne.s32 s9, $0x500;
	_ =	swait.ge [sflag:s29], $0x80  }
0xa6: {  	[sflag:s29] =	ssyncset.done $0x0  }
0xa7: {  	[sflag:s29] =	ssyncadd.s32 $0xFFFFFF80  }
0xa8: {  	_ =	swait.ge [sflag:s29], $0x80  }
0xa9: {  	[sflag:s29] =	ssyncset.done $0x0  }
0xaa: {  	[sflag:s29] =	ssyncadd.s32 $0xFFFFFF80  }
0xab: {  	[tilespmem:s30], [sflag:$0x2] =	stream.indirect.gather [hbm4b:s3+s22], $0x80, s23, s22, $0xb8;
	[tilespmem:$0x1C080] =	vst v63  }
0xac: {  	_ =	swait.ge [sflag:s31], $0x4000  }
0xad: {  	[sflag:s31] =	ssyncset.done $0x0  }
0xae: {  	[sflag:s31] =	ssyncadd.s32 $0xFFFFC000  }
0xaf: {  	[spmem:s1] =	stream.indirect.scatter.add.f32 [tilespmem:s20], [sflag:$0x7], $0x80, s22, s22, $0xb8;
	[tilespmem:$0x1C080] =	vst v63  }
0xb0: {  	_ =	swait.ge [sflag:s21], $0x4000  }
0xb1: {  	[sflag:s21] =	ssyncset.done $0x0  }
0xb2: {  	s11 =	sadd.s32 $0x30, s11;
	[sflag:s21] =	ssyncadd.s32 $0xFFFFC000  }
0xb3: {  	[tilespmem:s0], [sflag:$0x6] =	stream.linear.gather [hbm4b:s11+s2], $0x80, $0x38;
	[tilespmem:$0x1C080] =	vst v63  }
0xb4: {  	s11 =	sadd.s32 $0x30, s15  }
0xb5: {  	[tilespmem:s17], [sflag:$0x6] =	stream.linear.gather [hbm4b:s11+s2], $0x80, $0x38;
	[tilespmem:$0x1C080] =	vst v63  }
0xb6: {  	_ =	swait.ge [sflag:s18], $0x80  }
0xb7: {  	[sflag:s18] =	ssyncset.done $0x0  }
0xb8: {  	[sflag:s18] =	ssyncadd.s32 $0xFFFFFF80  }
0xb9: {  	_ =	swait.ge [sflag:s18], $0x80  }
0xba: {  	[sflag:s18] =	ssyncset.done $0x0  }
0xbb: {  	[sflag:s18] =	ssyncadd.s32 $0xFFFFFF80  }
0xbc: {  	[tilespmem:s20], [sflag:$0x1] =	stream.indirect.gather [hbm4b:s3+s22], $0x80, s26, s22, $0xb8;
	[tilespmem:$0x1C080] =	vst v63  }
0xbd: {  	_ =	swait.ge [sflag:s5], $0x4000  }
0xbe: {  	[sflag:s5] =	ssyncset.done $0x0  }
0xbf: {  	[sflag:s5] =	ssyncadd.s32 $0xFFFFC000  }
0xc0: {  	[spmem:s1] =	stream.indirect.scatter.add.f32 [tilespmem:s30], [sflag:$0x7], $0x80, s24, s22, $0xb8;
	[tilespmem:$0x1C080] =	vst v63  }
0xc1: {  	p4 =	seq.s32 s8, $0x4C0;
	_ =	swait.ge [sflag:s21], $0x4000  }
0xc2: {  	s11 =	sadd.s32 @!p4 s8, s13;
	s8 =	sadd.s32 @!p4 s8, s14;
	[sflag:s21] =	ssyncset.done $0x0  }
0xc3: {  	s16 =	simm.s32 @!p4 $0x0;
	s15 =	sadd.s32 @!p4 $0x40, s11;
	[sflag:s21] =	ssyncadd.s32 $0xFFFFC000  }
0xc4: {  	[tilespmem:s16], [sflag:$0x3] =	stream.linear.gather @!p4 [hbm4b:s15+s16], $0x80, $0x38;
	[tilespmem:$0x1C080] =	vst v63  }
0xc5: {  	s19 =	simm.s32 @!p4 $0x80;
	s11 =	sadd.s32 @!p4 $0x50, s11;
	s15 =	sadd.s32 @!p4 $0x40, s8  }
0xc6: {  	[tilespmem:s19], [sflag:$0x3] =	stream.linear.gather @!p4 [hbm4b:s15+s16], $0x80, $0x38;
	[tilespmem:$0x1C080] =	vst v63  }
0xc7: {  	s15 =	sadd.s32 @!p4 $0x50, s8;
	s8 =	smov.u32 s10;
	_ =	swait.ge [sflag:s6], $0x80  }
0xc8: {  	[sflag:s6] =	ssyncset.done $0x0  }
0xc9: {  	[sflag:s6] =	ssyncadd.s32 $0xFFFFFF80  }
0xca: {  	_ =	swait.ge [sflag:s6], $0x80  }
0xcb: {  	[sflag:s6] =	ssyncset.done $0x0  }
0xcc: {  	[sflag:s6] =	ssyncadd.s32 $0xFFFFFF80  }
0xcd: {  	[tilespmem:s30], [sflag:$0x2] =	stream.indirect.gather [hbm4b:s3+s22], $0x80, s0, s22, $0xb8;
	[tilespmem:$0x1C080] =	vst v63  }
0xce: {  	_ =	swait.ge [sflag:s31], $0x4000  }
0xcf: {  	[sflag:s31] =	ssyncset.done $0x0  }
0xd0: {  	[sflag:s31] =	ssyncadd.s32 $0xFFFFC000  }
0xd1: {  	[spmem:s1] =	stream.indirect.scatter.add.f32 [tilespmem:s20], [sflag:$0x7], $0x80, s28, s22, $0xb8;
	[tilespmem:$0x1C080] =	vst v63  }
0xd2: {  	_ =	swait.ge [sflag:s21], $0x4000  }
0xd3: {  	[sflag:s21] =	ssyncset.done $0x0  }
0xd4: {  	s10 =	simm.s32 @!p4 $0x100;
	[sflag:s21] =	ssyncadd.s32 $0xFFFFC000  }
0xd5: {  	[tilespmem:s10], [sflag:$0x4] =	stream.linear.gather @!p4 [hbm4b:s11+s16], $0x80, $0x38;
	[tilespmem:$0x1C080] =	vst v63  }
0xd6: {  	s10 =	simm.s32 @!p4 $0x180;
	s11 =	simm.s32 @!p4 $0x3  }
0xd7: {  	[tilespmem:s10], [sflag:$0x4] =	stream.linear.gather @!p4 [hbm4b:s15+s16], $0x80, $0x38;
	[tilespmem:$0x1C080] =	vst v63  }
0xd8: {  	_ =	swait.ge @!p4 [sflag:s11], $0x80  }
0xd9: {  	[sflag:s11] =	ssyncset.done @!p4 $0x0  }
0xda: {  	[sflag:s11] =	ssyncadd.s32 @!p4 $0xFFFFFF80  }
0xdb: {  	_ =	swait.ge @!p4 [sflag:s11], $0x80  }
0xdc: {  	[sflag:s11] =	ssyncset.done @!p4 $0x0  }
0xdd: {  	s10 =	simm.s32 @!p4 $0x400;
	[sflag:s11] =	ssyncadd.s32 @!p4 $0xFFFFFF80  }
0xde: {  	[tilespmem:s10], [sflag:$0x1] =	stream.indirect.gather @!p4 [hbm4b:s3+s19], $0x80, s16, s19, $0xb8;
	[tilespmem:$0x1C080] =	vst v63  }
0xdf: {  	_ =	swait.ge [sflag:s5], $0x4000  }
.Ltmp3:
0xe0: {  	[sflag:s5] =	ssyncset.done $0x0;
	(pc) =	sbr.rel @p3 .LBB2_4-.Ltmp3, $4  }
0xe1: {  	[sflag:s5] =	ssyncadd.s32 $0xFFFFC000  }
0xe2: {  	[spmem:s1] =	stream.indirect.scatter.add.f32 [tilespmem:s30], [sflag:$0x7], $0x80, s17, s22, $0xb8;
	[tilespmem:$0x1C080] =	vst v63  }
0xe3: {  	_ =	swait.ge [sflag:s21], $0x4000  }
0xe4: {  	s11 =	sadd.s32 s8, s13;
	[sflag:s21] =	ssyncset.done $0x0  }
0xe5: {  	s9 =	sadd.s32 $0x20, s11;
	s10 =	sadd.s32 s8, s14;
	[sflag:s21] =	ssyncadd.s32 $0xFFFFC000  }
0xe6: {  	[tilespmem:s26], [sflag:$0x5] =	stream.linear.gather [hbm4b:s9+s2], $0x80, $0x38;
	[tilespmem:$0x1C080] =	vst v63  }
0xe7: {  	s19 =	sadd.s32 $0x20, s10  }
0xe8: {  	[tilespmem:s28], [sflag:$0x5] =	stream.linear.gather [hbm4b:s19+s2], $0x80, $0x38;
	[tilespmem:$0x1C080] =	vst v63  }
0xe9: {  	_ =	swait.ge [sflag:s29], $0x80  }
0xea: {  	[sflag:s29] =	ssyncset.done $0x0  }
0xeb: {  	[sflag:s29] =	ssyncadd.s32 $0xFFFFFF80  }
0xec: {  	_ =	swait.ge [sflag:s29], $0x80  }
0xed: {  	[sflag:s29] =	ssyncset.done $0x0  }
0xee: {  	[sflag:s29] =	ssyncadd.s32 $0xFFFFFF80  }
0xef: {  	[tilespmem:s30], [sflag:$0x2] =	stream.indirect.gather [hbm4b:s3+s22], $0x80, s23, s22, $0xb8;
	[tilespmem:$0x1C080] =	vst v63  }
0xf0: {  	_ =	swait.ge [sflag:s31], $0x4000  }
0xf1: {  	[sflag:s31] =	ssyncset.done $0x0  }
0xf2: {  	[sflag:s31] =	ssyncadd.s32 $0xFFFFC000  }
0xf3: {  	[spmem:s1] =	stream.indirect.scatter.add.f32 [tilespmem:s20], [sflag:$0x7], $0x80, s22, s22, $0xb8;
	[tilespmem:$0x1C080] =	vst v63  }
0xf4: {  	_ =	swait.ge [sflag:s21], $0x4000  }
0xf5: {  	[sflag:s21] =	ssyncset.done $0x0  }
0xf6: {  	s15 =	sadd.s32 $0x30, s11;
	[sflag:s21] =	ssyncadd.s32 $0xFFFFC000  }
0xf7: {  	[tilespmem:s0], [sflag:$0x6] =	stream.linear.gather [hbm4b:s15+s2], $0x80, $0x38;
	[tilespmem:$0x1C080] =	vst v63  }
0xf8: {  	s16 =	sadd.s32 $0x30, s10  }
0xf9: {  	[tilespmem:s17], [sflag:$0x6] =	stream.linear.gather [hbm4b:s16+s2], $0x80, $0x38;
	[tilespmem:$0x1C080] =	vst v63  }
0xfa: {  	_ =	swait.ge [sflag:s18], $0x80  }
0xfb: {  	[sflag:s18] =	ssyncset.done $0x0  }
0xfc: {  	[sflag:s18] =	ssyncadd.s32 $0xFFFFFF80  }
0xfd: {  	_ =	swait.ge [sflag:s18], $0x80  }
0xfe: {  	[sflag:s18] =	ssyncset.done $0x0  }
0xff: {  	[sflag:s18] =	ssyncadd.s32 $0xFFFFFF80  }
0x100: {  	[tilespmem:s20], [sflag:$0x1] =	stream.indirect.gather [hbm4b:s3+s22], $0x80, s26, s22, $0xb8;
	[tilespmem:$0x1C080] =	vst v63  }
0x101: {  	_ =	swait.ge [sflag:s5], $0x4000  }
0x102: {  	[sflag:s5] =	ssyncset.done $0x0  }
0x103: {  	[sflag:s5] =	ssyncadd.s32 $0xFFFFC000  }
0x104: {  	[spmem:s1] =	stream.indirect.scatter.add.f32 [tilespmem:s30], [sflag:$0x7], $0x80, s24, s22, $0xb8;
	[tilespmem:$0x1C080] =	vst v63  }
0x105: {  	p3 =	seq.s32 s8, $0x4C0;
	_ =	swait.ge [sflag:s21], $0x4000  }
0x106: {  	s9 =	sadd.s32 @!p3 s8, s13;
	s8 =	sadd.s32 @!p3 s8, s14;
	[sflag:s21] =	ssyncset.done $0x0  }
0x107: {  	s11 =	simm.s32 @!p3 $0x0;
	s10 =	sadd.s32 @!p3 $0x40, s9;
	[sflag:s21] =	ssyncadd.s32 $0xFFFFC000  }
0x108: {  	[tilespmem:s11], [sflag:$0x3] =	stream.linear.gather @!p3 [hbm4b:s10+s11], $0x80, $0x38;
	[tilespmem:$0x1C080] =	vst v63  }
0x109: {  	s15 =	simm.s32 @!p3 $0x80;
	s10 =	sadd.s32 @!p3 $0x40, s8  }
0x10a: {  	[tilespmem:s15], [sflag:$0x3] =	stream.linear.gather @!p3 [hbm4b:s10+s11], $0x80, $0x38;
	[tilespmem:$0x1C080] =	vst v63  }
0x10b: {  	_ =	swait.ge [sflag:s6], $0x80  }
0x10c: {  	[sflag:s6] =	ssyncset.done $0x0  }
0x10d: {  	[sflag:s6] =	ssyncadd.s32 $0xFFFFFF80  }
0x10e: {  	_ =	swait.ge [sflag:s6], $0x80  }
0x10f: {  	[sflag:s6] =	ssyncset.done $0x0  }
0x110: {  	[sflag:s6] =	ssyncadd.s32 $0xFFFFFF80  }
0x111: {  	[tilespmem:s30], [sflag:$0x2] =	stream.indirect.gather [hbm4b:s3+s22], $0x80, s0, s22, $0xb8;
	[tilespmem:$0x1C080] =	vst v63  }
0x112: {  	_ =	swait.ge [sflag:s31], $0x4000  }
0x113: {  	[sflag:s31] =	ssyncset.done $0x0  }
0x114: {  	[sflag:s31] =	ssyncadd.s32 $0xFFFFC000  }
0x115: {  	[spmem:s1] =	stream.indirect.scatter.add.f32 [tilespmem:s20], [sflag:$0x7], $0x80, s28, s22, $0xb8;
	[tilespmem:$0x1C080] =	vst v63  }
0x116: {  	_ =	swait.ge [sflag:s21], $0x4000  }
0x117: {  	[sflag:s21] =	ssyncset.done $0x0  }
0x118: {  	s9 =	sadd.s32 @!p3 $0x50, s9;
	s10 =	simm.s32 @!p3 $0x100;
	[sflag:s21] =	ssyncadd.s32 $0xFFFFC000  }
0x119: {  	[tilespmem:s10], [sflag:$0x4] =	stream.linear.gather @!p3 [hbm4b:s9+s11], $0x80, $0x38;
	[tilespmem:$0x1C080] =	vst v63  }
0x11a: {  	s8 =	sadd.s32 @!p3 $0x50, s8;
	s9 =	simm.s32 @!p3 $0x180  }
0x11b: {  	[tilespmem:s9], [sflag:$0x4] =	stream.linear.gather @!p3 [hbm4b:s8+s11], $0x80, $0x38;
	[tilespmem:$0x1C080] =	vst v63  }
0x11c: {  	s8 =	simm.s32 @!p3 $0x3  }
0x11d: {  	_ =	swait.ge @!p3 [sflag:s8], $0x80  }
0x11e: {  	[sflag:s8] =	ssyncset.done @!p3 $0x0  }
0x11f: {  	[sflag:s8] =	ssyncadd.s32 @!p3 $0xFFFFFF80  }
0x120: {  	_ =	swait.ge @!p3 [sflag:s8], $0x80  }
0x121: {  	[sflag:s8] =	ssyncset.done @!p3 $0x0  }
0x122: {  	[sflag:s8] =	ssyncadd.s32 @!p3 $0xFFFFFF80;
	s8 =	simm.s32 @!p3 $0x400  }
0x123: {  	[tilespmem:s8], [sflag:$0x1] =	stream.indirect.gather @!p3 [hbm4b:s3+s15], $0x80, s11, s15, $0xb8;
	[tilespmem:$0x1C080] =	vst v63  }
0x124: {  	_ =	swait.ge [sflag:s5], $0x4000  }
0x125: {  	[sflag:s5] =	ssyncset.done $0x0  }
0x126: {  	[sflag:s5] =	ssyncadd.s32 $0xFFFFC000  }
0x127: {  	[spmem:s1] =	stream.indirect.scatter.add.f32 [tilespmem:s30], [sflag:$0x7], $0x80, s17, s22, $0xb8;
	[tilespmem:$0x1C080] =	vst v63  }
.Ltmp4:
0x128: {  	_ =	swait.ge [sflag:s21], $0x4000;
	(pc) =	sbr.rel @p1 .LBB2_7-.Ltmp4, $4  }
0x129: {  	[sflag:s21] =	ssyncset.done $0x0  }
0x12a: {  	s19 =	stileid.u32;
	[sflag:s21] =	ssyncadd.s32 $0xFFFFC000  }
0x12b: {  	s10 =	sshll.u32 s19, $0x6;
	[bflag:$0x0] =	sbarrier.arrive $0xFFFF  }
0x12c: {  	s9 =	sshrl.u32 s7, $0x3;
	s8 =	sor.u32 $0x1C07, s10  }
0x12d: {  	s8 =	sor.u32 $0x1C07, s10;
	s19 =	rddreg [dreg:$0xd]  }
0x12e: {  	[hbm:s19], [sflag:s8] =	dma.local [spmem:s9], $0x2700  }
.Ltmp5:
0x12f: {  	_ = 	snop;
	(pc) =	sbr.rel @!p2 .LBB2_9-.Ltmp5, $4  }
.Ltmp6:
0x130: {  	_ = 	snop;
	(pc) =	sbr.rel @p2 .LBB2_8-.Ltmp6, $4  }
0x131: {  	_ =	swait.ge [sflag:s21], $0x2700  }
0x132: {  	[sflag:s21] =	ssyncset.done $0x0  }
0x133: {  	s9 =	rddreg [dreg:$0x4];
	[sflag:s21] =	ssyncadd.s32 $0xFFFFD900  }
0x134: {  	_ = 	snop  }
.LBB2_7:
0x135: {  	s10 =	rddreg [dreg:$0xc]  }
0x136: {  	[hbm:s10], [sflag:s8] =	dma.local [spmem:s9], $0x2700  }
.Ltmp7:
0x137: {  	_ = 	snop;
	(pc) =	sbr.rel @p0 .LBB2_9-.Ltmp7, $4  }
.Ltmp8:
0x138: {  	_ = 	snop;
	(pc) =	sbr.rel @!p0 .LBB2_8-.Ltmp8, $4  }
0x139: {  	_ =	swait.ge [sflag:s21], $0x2700  }
0x13a: {  	[sflag:s21] =	ssyncset.done $0x0  }
0x13b: {  	s9 =	rddreg [dreg:$0x5];
	[sflag:s21] =	ssyncadd.s32 $0xFFFFD900  }
0x13c: {  	_ = 	snop  }
.LBB2_10:
0x13d: {  	_ =	sfence.sel $0x180000  }
0x13e: {  	[bflag:$0x0] =	sbarrier.arrive $0xFFFF  }
0x13f: {  	_ =	strace $0x9000004A  }
0x140: {  	[bflag:$0x2] =	sbarrier.arrive $0xFFFF  }
0x141: {  	s0 =	rddreg [dreg:$0x3]  }
0x142: {  	s0 =	sadd.s32 @!p0 $0x100000, s0  }
0x143: {  	[sflag:s0] =	ssyncadd.tile.s32 @!p0 $0x1;
	_ =	shalt  }
.Lfunc_end2:
_tile_overlayer_lowered:
.L_overlay_start_2:
0x144: {  	(tag) =	ssettag $0x2  }
0x145: {  	s0 =	rddreg [dreg:$0x0];
	s2 =	stileid.u32  }
0x146: {  	s1 =	rddreg [dreg:$0x1];
	p0 =	sne.s32 s2, $0x0  }
0x147: {  	s3 =	rddreg [dreg:$0x2];
	[bflag:$0x3] =	sbarrier.arrive $0xFFFF;
	s2 =	simm.s32 @!p0 $0x1C07  }
0x148: {  	[timem:s3], [sflag:s2] =	dma.local @!p0 [hbm:s0], s1  }
0x149: {  	s0 =	simm.s32 @!p0 $0x7  }
0x14a: {  	_ =	swait.ge @!p0 [sflag:s0], s1  }
0x14b: {  	s1 =	ssub.s32 @!p0 $0x0, s1;
	[sflag:s0] =	ssyncset.done @!p0 $0x0  }
0x14c: {  	[sflag:s0] =	ssyncadd.s32 @!p0 s1  }
0x14d: {  	[bflag:$0x3] =	sbarrier.arrive $0xFFFF  }
0x14e: {  	_ =	shalt  }

// kernel: kernel.14.cloned.1.call-start
scs
__scs_entry_jumppad:
0x0: {  	(pc) =	sbr.rel $0x88, $3  }
0x1: {  	(tag) =	ssettag $0x0;
	lr =	simm.s32 $0x1  }
0x2: {  	[smem:$0x3F9B] =	sst lr;
	_ =	strace $0xD0000000  }
0x3: {  	_ = 	snop  }
0x4: {  	_ = 	snop  }
0x5: {  	_ = 	snop  }
0x6: {  	_ = 	snop  }
0x7: {  	_ = 	snop  }
__scs_overlays_trampoline_lowered:
0x8: {  	[smem:$0x3FAA] =	sst s0  }
0x9: {  	[smem:$0x3FAB] =	sst s1  }
0xa: {  	[smem:$0x3FAC] =	sst s2  }
0xb: {  	[smem:$0x3FAD] =	sst s3  }
0xc: {  	[smem:$0x3FAE] =	sst s4  }
0xd: {  	[smem:$0x3FAF] =	sst s5  }
0xe: {  	[smem:$0x3FB0] =	sst s6  }
0xf: {  	[smem:$0x3FB1] =	sst s7  }
0x10: {  	[smem:$0x3FB2] =	sst s8  }
0x11: {  	[smem:$0x3FB3] =	sst s9;
	s0 =	simm.s32 @!p0 $0x0  }
0x12: {  	s1 =	sld [smem:$0x3F99];
	s0 =	simm.s32 @p0 $0x1  }
0x13: {  	[smem:$0x3FB4] =	sst s0;
	s0 =	simm.s32 @!p1 $0x0  }
0x14: {  	s2 =	sld [smem:$0x3F98];
	s0 =	simm.s32 @p1 $0x1  }
0x15: {  	[smem:$0x3FB5] =	sst s0;
	s0 =	simm.s32 @!p2 $0x0  }
0x16: {  	s3 =	sld [smem:$0x3FDB];
	s0 =	simm.s32 @p2 $0x1  }
0x17: {  	s4 =	simm.s32 $0x1BF5;
	[smem:$0x3FB7] =	sst s0  }
0x18: {  	s0 =	sld [smem:$0x3F9A];
	_ =	swait.ge [sflag:s4], $0x0  }
0x19: {  	s7 =	sld [smem:$0x3F9B]  }
0x1a: {  	s8 =	sadd.s32 $0xFFFFE003, lr  }
0x1b: {  	s9 =	sadd.s32 $0xFFFFFEF7, lr;
	s5 =	simm.s32 $0xFFFFFFFF;
	p2 =	slt.u32 s8, $0xFFFFF086  }
0x1c: {  	p1 =	slt.u32 s9, $0xF7A;
	s5 =	simm.s32 @!p2 $0x0  }
0x1d: {  	s5 =	simm.s32 @p1 $0x1;
	p0 =	seq.s32 s7, s2  }
0x1e: {  	s7 =	smul.u32 @!p0 $0xF7A, s2;
	p2 =	seq.s32 @!p0 s5, $0x0  }
0x1f: {  	s9 =	smul.u32 $0xF7A, s1;
	s8 =	simm.s32 @!p0 $0x1BF5;
	p2 =	por !p2, p0  }
0x20: {  	[sflag:s8] =	ssyncset.s32 @!p0 $0xFFFFF086;
	s6 =	sadd.s32 @!p0 s3, s7;
	s7 =	simm.s32 @!p0 $0x108  }
0x21: {  	s3 =	sadd.s32 s3, s9;
	s6 =	sadd.s32 @!p0 $0x88, s6;
	s7 =	simm.s32 @p2 $0x1082  }
0x22: {  	[simem:s7], [sflag:s8] =	dma.local @!p0 [hbm:s6], $0xF7A  }
0x23: {  	s9 =	sor.u32 $0xD0000000, s2;
	s6 =	simm.s32 $0x108;
	_ =	swait.ge @!p0 [sflag:s8], $0x0  }
0x24: {  	s3 =	sadd.s32 $0x88, s3;
	s6 =	simm.s32 @!p1 $0x1082;
	[sflag:s4] =	ssyncset.s32 $0xFFFFF086  }
0x25: {  	[simem:s6], [sflag:s4] =	dma.local [hbm:s3], $0xF7A  }
0x26: {  	[smem:$0x3F9B] =	sst s1;
	(tag) =	ssettag s2;
	_ =	strace s9  }
0x27: {  	s1 =	sld [smem:$0x3FAB]  }
0x28: {  	s2 =	sld [smem:$0x3FAC]  }
0x29: {  	s4 =	sld [smem:$0x3FAE]  }
0x2a: {  	p0 =	seq.s32 s5, $0x0;
	s5 =	sld [smem:$0x3FAF]  }
0x2b: {  	s6 =	sld [smem:$0x3FB0]  }
0x2c: {  	s7 =	sld [smem:$0x3FB1]  }
0x2d: {  	s3 =	simm.s32 $0x108;
	s8 =	sld [smem:$0x3FB2]  }
0x2e: {  	s3 =	simm.s32 @!p0 $0x1082;
	s9 =	sld [smem:$0x3FB3]  }
0x2f: {  	lr =	sadd.s32 s0, s3;
	s0 =	sld [smem:$0x3FAA]  }
0x30: {  	s3 =	sld [smem:$0x3FAD]  }
0x31: {  	[smem:$0x3FB6] =	sst s10  }
0x32: {  	s10 =	sld [smem:$0x3FB4];
	_ =	sdelay $0x3  }
0x33: {  	p0 =	seq.s32 s10, $0x1;
	s10 =	sld [smem:$0x3FB6];
	_ =	sdelay $0x3  }
0x34: {  	[smem:$0x3FB6] =	sst s10  }
0x35: {  	s10 =	sld [smem:$0x3FB5];
	_ =	sdelay $0x3  }
0x36: {  	p1 =	seq.s32 s10, $0x1;
	s10 =	sld [smem:$0x3FB6];
	_ =	sdelay $0x3  }
0x37: {  	[smem:$0x3FB6] =	sst s10  }
0x38: {  	s10 =	sld [smem:$0x3FB7]  }
0x39: {  	_ = 	snop;
	(pc) =	sbr.ind lr, $3  }
0x3a: {  	_ = 	snop  }
0x3b: {  	_ = 	snop  }
0x3c: {  	p2 =	seq.s32 s10, $0x1;
	s10 =	sld [smem:$0x3FB6]  }
0x3d: {  	_ =	shalt  }
0x3e: {  	_ =	shalt  }
0x3f: {  	_ =	shalt  }
0x40: {  	_ =	shalt  }
0x41: {  	_ =	shalt  }
0x42: {  	_ =	shalt  }
0x43: {  	_ =	shalt  }
0x44: {  	_ =	shalt  }
0x45: {  	_ =	shalt  }
0x46: {  	_ =	shalt  }
0x47: {  	_ =	shalt  }
0x48: {  	_ =	shalt  }
0x49: {  	_ =	shalt  }
0x4a: {  	_ =	shalt  }
0x4b: {  	_ =	shalt  }
0x4c: {  	_ =	shalt  }
0x4d: {  	_ =	shalt  }
0x4e: {  	_ =	shalt  }
0x4f: {  	_ =	shalt  }
0x50: {  	_ =	shalt  }
0x51: {  	_ =	shalt  }
0x52: {  	_ =	shalt  }
0x53: {  	_ =	shalt  }
0x54: {  	_ =	shalt  }
0x55: {  	_ =	shalt  }
0x56: {  	_ =	shalt  }
0x57: {  	_ =	shalt  }
0x58: {  	_ =	shalt  }
0x59: {  	_ =	shalt  }
0x5a: {  	_ =	shalt  }
0x5b: {  	_ =	shalt  }
0x5c: {  	_ =	shalt  }
0x5d: {  	_ =	shalt  }
0x5e: {  	_ =	shalt  }
0x5f: {  	_ =	shalt  }
0x60: {  	_ =	shalt  }
0x61: {  	_ =	shalt  }
0x62: {  	_ =	shalt  }
0x63: {  	_ =	shalt  }
0x64: {  	_ =	shalt  }
0x65: {  	_ =	shalt  }
0x66: {  	_ =	shalt  }
0x67: {  	_ =	shalt  }
0x68: {  	_ =	shalt  }
0x69: {  	_ =	shalt  }
0x6a: {  	_ =	shalt  }
0x6b: {  	_ =	shalt  }
0x6c: {  	_ =	shalt  }
0x6d: {  	_ =	shalt  }
0x6e: {  	_ =	shalt  }
0x6f: {  	_ =	shalt  }
0x70: {  	_ =	shalt  }
0x71: {  	_ =	shalt  }
0x72: {  	_ =	shalt  }
0x73: {  	_ =	shalt  }
0x74: {  	_ =	shalt  }
0x75: {  	_ =	shalt  }
0x76: {  	_ =	shalt  }
0x77: {  	_ =	shalt  }
0x78: {  	_ =	shalt  }
0x79: {  	_ =	shalt  }
0x7a: {  	_ =	shalt  }
0x7b: {  	_ =	shalt  }
0x7c: {  	_ =	shalt  }
0x7d: {  	_ =	shalt  }
0x7e: {  	_ =	shalt  }
0x7f: {  	_ =	shalt  }
0x80: {  	_ =	shalt  }
0x81: {  	_ =	shalt  }
0x82: {  	_ =	shalt  }
0x83: {  	_ =	shalt  }
0x84: {  	_ =	shalt  }
0x85: {  	_ =	shalt  }
0x86: {  	_ =	shalt  }
0x87: {  	_ =	shalt  }
.Lfunc_end0:
.L_simem_size_0:
called_computation.2_lowered:
.L_overlay_start_0:
0x88: {  	s2 =	sld [smem:$0x3FD9]  }
0x89: {  	s3 =	sld [smem:$0x3FFE];
	_ =	sdelay $0x1  }
0x8a: {  	s1 =	srdreg.scid  }
0x8b: {  	s0 =	sand.u32 $0x1, s1  }
0x8c: {  	s17 =	sshll.u32 s0, $0xA;
	s2 =	sadd.s32 s3, s2  }
0x8d: {  	s2 =	sadd.s32 s2, s17  }
0x8e: {  	[smem:$0x3FC2] =	sst s2  }
0x8f: {  	_ = 	snop  }
0x90: {  	s2 =	sld [smem:$0x3FD0];
	(tm) =	ssettm $0x1  }
0x91: {  	s18 =	sld [smem:$0x3FFB];
	_ =	sdelay $0x3  }
0x92: {  	_ =	strace s18  }
0x93: {  	s3 =	sld [smem:$0x3FFC];
	_ =	sdelay $0x3  }
0x94: {  	_ =	strace s3  }
0x95: {  	s3 =	sld [smem:$0x3FFD];
	_ =	sdelay $0x3  }
0x96: {  	_ =	strace s3  }
0x97: {  	_ =	strace $0x8FFFFFFF  }
0x98: {  	s19 =	sld [smem:$0x3FDB];
	_ =	sdelay $0x1  }
0x99: {  	s4 =	simm.s32 $_scs_section_size  }
0x9a: {  	s5 =	simm.s32 $_size__tile_overlayer_lowered;
	s6 =	simm.s32 $_tile_overlayer_lowered  }
0x9b: {  	s22 =	simm.s32 $0x1BFF;
	s21 =	sshll.u32 s6, $0x1;
	s3 =	sadd.s32 s4, s19  }
0x9c: {  	s7 =	simm.s32 $0x0;
	s20 =	sshll.u32 s5, $0x1;
	s5 =	sadd.s32 s21, s3  }
0x9d: {  	[timem:s7], [sflag:s22] =	dma.local [hbm:s5], s20  }
0x9e: {  	_ =	swait.ge [sflag:s22], s20  }
0x9f: {  	s4 =	ssub.s32 $0x0, s20;
	[sflag:s22] =	ssyncset.done $0x0  }
0xa0: {  	[sflag:s22] =	ssyncadd.s32 s4;
	_ =	sdelay $0x1  }
0xa1: {  	s23 =	simm.s32 $0x1B8B  }
0xa2: {  	_ =	swait.ge [sflag:s23], $0x1  }
0xa3: {  	[sflag:s23] =	ssyncset.done $0x0  }
0xa4: {  	s25 =	simm.s32 $0x1B8E;
	s24 =	sld [smem:$0x3FFE];
	[sflag:s23] =	ssyncadd.s32 $0xFFFFFFFF  }
0xa5: {  	s26 =	simm.s32 $execute0_lowered;
	[smem:$0x3FD2] =	sst s25  }
0xa6: {  	s5 =	sshll.u32 s26, $0x1;
	_ =	strace $0x8000004C;
	[dreg:$0x1] =	wrdreg $0xFFFFFFFF  }
0xa7: {  	s28 =	simm.s32 $_size_execute0_lowered;
	s3 =	sadd.s32 s3, s5;
	[dreg:$0x0] =	wrdreg $0x0  }
0xa8: {  	s5 =	sshll.u32 s28, $0x1;
	[dreg:$0x2] =	wrdreg s3  }
0xa9: {  	[dreg:$0x3] =	wrdreg s5  }
0xaa: {  	[dreg:$0x4] =	wrdreg $0xC0  }
0xab: {  	_ =	task [dreg:s7], $0x5FFFF  }
0xac: {  	[dreg:$0x1] =	wrdreg $0xFFFFFFFF  }
0xad: {  	[dreg:$0x0] =	wrdreg $0x60  }
0xae: {  	[dreg:$0x2] =	wrdreg s2  }
0xaf: {  	[dreg:$0x3] =	wrdreg s24  }
0xb0: {  	[dreg:$0x4] =	wrdreg $0x84000  }
0xb1: {  	[dreg:$0x5] =	wrdreg $0x9  }
0xb2: {  	_ =	task.clear_ibuf [dreg:s7], $0x6FFFF;
	_ =	strace $0x9000004C  }
0xb3: {  	s29 =	simm.s32 $0x9;
	_ =	strace $0x8000004E  }
0xb4: {  	_ =	swait.ge [sflag:s29], $0x1  }
0xb5: {  	[sflag:s29] =	ssyncadd.s32 $0xFFFFFFFF  }
0xb6: {  	_ =	strace $0x9000004E  }
0xb7: {  	_ =	sfence  }
0xb8: {  	s30 =	sld [smem:$0x0];
	_ =	sdelay $0x2  }
0xb9: {  	s31 =	sshll.u32 s1, $0xD;
	s1 =	sshrl.u32 s1, $0x2  }
0xba: {  	s3 =	sand.u32 $0x4000, s31;
	s1 =	sadd.s32 s1, s30  }
0xbb: {  	s0 =	sor.u32 s3, s0;
	s1 =	sshll.u32 s1, $0x11  }
0xbc: {  	s0 =	sor.u32 s1, s0  }
0xbd: {  	s0 =	sadd.s32 $0x8F2B, s0  }
0xbe: {  	[sflag:s0] =	ssyncadd.remote.s32 $0x1  }
0xbf: {  	_ =	sfence.sel $0xFFFF  }
0xc0: {  	[dreg:$0x0] =	wrdreg $0xFFFFFFFF;
	(pc) =	sbr.abs _section_cstart, $3  }
0xc1: {  	[dreg:$0x1] =	wrdreg $0xFFFFFFFF  }
0xc2: {  	_ =	task.clear_ibuf [dreg:s7], $0x2FFFF;
	_ =	strace $0x9FFFFFFF  }
0xc3: {  	(tm) =	ssettm $0x7FFFFFFF  }
tec
execute0_lowered:
.L_overlay_start_1:
0x0: {  	(tag) =	ssettag $0x1  }
0x1: {  	s0 =	rddreg [dreg:$0x0]  }
0x2: {  	s4 =	rddreg [dreg:$0x1]  }
0x3: {  	s1 =	rddreg [dreg:$0x2]  }
0x4: {  	s2 =	simm.s32 $0x0;
	s5 =	srdreg.scid;
	s11 =	stileid.u32  }
0x5: {  	s28 =	simm.s32 $0x280;
	s29 =	simm.s32 $0x4;
	s30 =	simm.s32 $0x4400  }
0x6: {  	s31 =	simm.s32 $0x1;
	s17 =	simm.s32 $0x380;
	[smem:$0x7FF] =	sst s2  }
0x7: {  	s3 =	sadd.s32 $0xD600, s4;
	s6 =	sadd.s32 $0x8600, s4;
	s5 =	sand.u32 $0x1, s5  }
0x8: {  	s7 =	smul.u32 $0x4E000, s11;
	s8 =	sadd.s32 $0x3600, s4;
	s15 =	sadd.s32 $0x5BA00, s4  }
0x9: {  	s16 =	sadd.s32 $0x82C00, s4;
	s19 =	smul.u32 $0x500, s11;
	s12 =	sadd.s32 $0x138000, s1  }
0xa: {  	s23 =	smul.u32 $0x2700, s11;
	p2 =	seq.s32 s11, $0x0;
	_ =	strace $0x8000004D  }
0xb: {  	s9 =	ssub.s32 $0x2, s5;
	p0 =	seq.s32 s5, $0x0;
	[dreg:$0x5] =	wrdreg s16  }
0xc: {  	[dreg:$0x4] =	wrdreg s15;
	p1 =	sne.s32 s5, $0x0;
	s5 =	simm.s32 $0x2  }
0xd: {  	s18 =	sshrl.u32 s9, $0x1;
	s7 =	sshrl.u32 s7, $0x2;
	s13 =	sadd.s32 s6, s19  }
0xe: {  	s14 =	sadd.s32 s8, s19;
	s25 =	sadd.s32 s16, s23;
	s26 =	sadd.s32 s15, s23  }
0xf: {  	s3 =	smov.u32 @p0 s0;
	s7 =	sadd.s32 s7, s1;
	[dreg:$0xc] =	wrdreg s25  }
0x10: {  	p0 =	sne.s32 s11, $0x0;
	[dreg:$0xd] =	wrdreg s26;
	s10 =	sadd.s32 $0x4000, s7  }
0x11: {  	s23 =	simm.s32 $0x100;
	s20 =	sadd.s32 $0x8000, s7;
	[dreg:$0x6] =	wrdreg s10  }
0x12: {  	s4 =	ssub.s32 s9, s18;
	s21 =	sadd.s32 $0xC000, s7;
	[dreg:$0x7] =	wrdreg s20  }
0x13: {  	s9 =	sor.u32 $0x10, s19;
	s22 =	sadd.s32 $0x10000, s7;
	[dreg:$0x8] =	wrdreg s21  }
0x14: {  	s0 =	simm.s32 $0x300;
	s6 =	sadd.s32 s6, s9;
	[dreg:$0x9] =	wrdreg s22  }
.Ltmp0:
0x15: {  	s24 =	sadd.s32 s8, s9;
	[dreg:$0xa] =	wrdreg s6;
	(pc) =	sbr.rel .LBB2_1-.Ltmp0, $4  }
0x16: {  	s25 =	simm.s32 $0x3;
	s4 =	smax.u32 s4, $0x1;
	[dreg:$0xb] =	wrdreg s24  }
0x17: {  	s26 =	simm.s32 $0x200;
	s18 =	simm.s32 $0x5;
	[dreg:$0xe] =	wrdreg s4  }
0x18: {  	s20 =	simm.s32 $0x400;
	s21 =	simm.s32 $0x7;
	s22 =	simm.s32 $0x80  }
0x19: {  	v0 =	vimm.f32 $0.0e+00;
	s24 =	simm.s32 $0x180;
	s6 =	simm.s32 $0x6;
	s4 =	simm.s32 $0x0  }
.LBB2_8:
0x1a: {  	s9 =	sadd.s32 $0x27000, s9;
	s10 =	sshrl.u32 s12, $0x3  }
0x1b: {  	[hbm:s9], [sflag:s8] =	dma.local [spmem:s10], $0x100  }
0x1c: {  	_ =	swait.ge [sflag:s21], $0x100  }
0x1d: {  	[sflag:s21] =	ssyncset.done $0x0  }
0x1e: {  	[sflag:s21] =	ssyncadd.s32 $0xFFFFFF00  }
.LBB2_9:
0x1f: {  	s4 =	sadd.s32 $0x1, s4;
	s8 =	rddreg [dreg:$0xe]  }
0x20: {  	p3 =	sne.s32 s4, s8  }
.Ltmp1:
0x21: {  	_ = 	snop;
	(pc) =	sbr.rel @!p3 .LBB2_10-.Ltmp1, $1  }
0x22: {  	_ =	sdelay $0x3  }
.LBB2_1:
0x23: {  	s8 =	simm.s32 $0x0;
	s9 =	simm.s32 $0x200  }
.LBB2_2:
0x24: {  	p3 =	sne.s32 s9, $0xFE00;
	[tilespmem:s8+$0x470] =	vst v0  }
0x25: {  	[tilespmem:s8+$0x400] =	vst v0  }
0x26: {  	[tilespmem:s8+$0x410] =	vst v0  }
.Ltmp2:
0x27: {  	[tilespmem:s8+$0x420] =	vst v0;
	(pc) =	sbr.rel @p3 .LBB2_2-.Ltmp2, $4  }
0x28: {  	[tilespmem:s8+$0x430] =	vst v0  }
0x29: {  	[tilespmem:s8+$0x440] =	vst v0  }
0x2a: {  	[tilespmem:s8+$0x450] =	vst v0  }
0x2b: {  	[tilespmem:s8+$0x460] =	vst v0;
	s8 =	sshra.s32 s9, $0x2;
	s9 =	sadd.s32 $0x200, s9  }
0x2c: {  	[tilespmem:s8+$0x470] =	vst v0  }
0x2d: {  	[tilespmem:s8+$0x400] =	vst v0  }
0x2e: {  	[tilespmem:s8+$0x410] =	vst v0  }
0x2f: {  	[tilespmem:s8+$0x420] =	vst v0  }
0x30: {  	[tilespmem:s8+$0x430] =	vst v0  }
0x31: {  	[tilespmem:s8+$0x440] =	vst v0  }
0x32: {  	[tilespmem:s8+$0x450] =	vst v0  }
0x33: {  	[tilespmem:s8+$0x460] =	vst v0  }
0x34: {  	[spmem:s7] =	stream.linear.scatter [tilespmem:s20], [sflag:$0x7], $0x4000, $0x38;
	[tilespmem:$0x1C080] =	vst v63  }
0x35: {  	_ =	swait.ge [sflag:s21], $0x4000  }
0x36: {  	[sflag:s21] =	ssyncset.done $0x0  }
0x37: {  	s10 =	rddreg [dreg:$0x6];
	[sflag:s21] =	ssyncadd.s32 $0xFFFFC000  }
0x38: {  	[spmem:s10] =	stream.linear.scatter [tilespmem:s20], [sflag:$0x7], $0x4000, $0x38;
	[tilespmem:$0x1C080] =	vst v63  }
0x39: {  	_ =	swait.ge [sflag:s21], $0x4000  }
0x3a: {  	[sflag:s21] =	ssyncset.done $0x0  }
0x3b: {  	s11 =	rddreg [dreg:$0x7];
	[sflag:s21] =	ssyncadd.s32 $0xFFFFC000  }
0x3c: {  	[spmem:s11] =	stream.linear.scatter [tilespmem:s20], [sflag:$0x7], $0x4000, $0x38;
	[tilespmem:$0x1C080] =	vst v63  }
0x3d: {  	_ =	swait.ge [sflag:s21], $0x4000  }
0x3e: {  	[sflag:s21] =	ssyncset.done $0x0  }
0x3f: {  	s15 =	rddreg [dreg:$0x8];
	[sflag:s21] =	ssyncadd.s32 $0xFFFFC000  }
0x40: {  	[spmem:s15] =	stream.linear.scatter [tilespmem:s20], [sflag:$0x7], $0x4000, $0x38;
	[tilespmem:$0x1C080] =	vst v63  }
0x41: {  	_ =	swait.ge [sflag:s21], $0x4000  }
0x42: {  	[sflag:s21] =	ssyncset.done $0x0  }
0x43: {  	s16 =	rddreg [dreg:$0x9];
	[sflag:s21] =	ssyncadd.s32 $0xFFFFC000  }
0x44: {  	[spmem:s16] =	stream.linear.scatter [tilespmem:s20], [sflag:$0x7], $0x3800, $0x38;
	[tilespmem:$0x1C080] =	vst v63  }
0x45: {  	_ =	swait.ge [sflag:s21], $0x3800  }
0x46: {  	[sflag:s21] =	ssyncset.done $0x0  }
0x47: {  	s8 =	simm.s32 @!p0 $0x400;
	[sflag:s21] =	ssyncadd.s32 $0xFFFFC800  }
0x48: {  	[spmem:s12] =	stream.linear.scatter @!p0 [tilespmem:s8], [sflag:$0x7], $0x800, $0x38;
	[tilespmem:$0x1C080] =	vst v63  }
0x49: {  	s8 =	simm.s32 @!p0 $0x7  }
0x4a: {  	_ =	swait.ge @!p0 [sflag:s8], $0x800  }
0x4b: {  	[sflag:s8] =	ssyncset.done @!p0 $0x0  }
0x4c: {  	[sflag:s8] =	ssyncadd.s32 @!p0 $0xFFFFF800  }
0x4d: {  	s19 =	simm.s32 $0x0;
	[bflag:$0x0] =	sbarrier.arrive $0xFFFF  }
0x4e: {  	[tilespmem:s19], [sflag:$0x3] =	stream.linear.gather [hbm4b:s13+s19], $0x80, $0x38;
	[tilespmem:$0x1C080] =	vst v63  }
0x4f: {  	_ = 	snop  }
0x50: {  	[tilespmem:s22], [sflag:$0x3] =	stream.linear.gather [hbm4b:s14+s19], $0x80, $0x38;
	[tilespmem:$0x1C080] =	vst v63  }
0x51: {  	s9 =	rddreg [dreg:$0xa]  }
0x52: {  	[tilespmem:s23], [sflag:$0x4] =	stream.linear.gather [hbm4b:s9+s19], $0x80, $0x38;
	[tilespmem:$0x1C080] =	vst v63  }
0x53: {  	s10 =	rddreg [dreg:$0xb]  }
0x54: {  	[tilespmem:s24], [sflag:$0x4] =	stream.linear.gather [hbm4b:s10+s19], $0x80, $0x38;
	[tilespmem:$0x1C080] =	vst v63  }
0x55: {  	_ =	swait.ge [sflag:s25], $0x80  }
0x56: {  	[sflag:s25] =	ssyncset.done $0x0  }
0x57: {  	[sflag:s25] =	ssyncadd.s32 $0xFFFFFF80  }
0x58: {  	_ =	swait.ge [sflag:s25], $0x80  }
0x59: {  	[sflag:s25] =	ssyncset.done $0x0  }
0x5a: {  	s11 =	sadd.s32 $0x0, s13;
	[sflag:s25] =	ssyncadd.s32 $0xFFFFFF80  }
0x5b: {  	[tilespmem:s20], [sflag:$0x1] =	stream.indirect.gather [hbm4b:s3+s22], $0x80, s19, s22, $0xb8;
	[tilespmem:$0x1C080] =	vst v63  }
0x5c: {  	s15 =	sadd.s32 $0x20, s11;
	s10 =	sadd.s32 $0x0, s14  }
0x5d: {  	[tilespmem:s26], [sflag:$0x5] =	stream.linear.gather [hbm4b:s15+s2], $0x80, $0x38;
	[tilespmem:$0x1C080] =	vst v63  }
0x5e: {  	s16 =	sadd.s32 $0x20, s10  }
0x5f: {  	[tilespmem:s28], [sflag:$0x5] =	stream.linear.gather [hbm4b:s16+s2], $0x80, $0x38;
	[tilespmem:$0x1C080] =	vst v63  }
0x60: {  	_ =	swait.ge [sflag:s29], $0x80  }
0x61: {  	[sflag:s29] =	ssyncset.done $0x0  }
0x62: {  	[sflag:s29] =	ssyncadd.s32 $0xFFFFFF80  }
0x63: {  	_ =	swait.ge [sflag:s29], $0x80  }
0x64: {  	[sflag:s29] =	ssyncset.done $0x0  }
0x65: {  	[sflag:s29] =	ssyncadd.s32 $0xFFFFFF80  }
0x66: {  	[tilespmem:s30], [sflag:$0x2] =	stream.indirect.gather [hbm4b:s3+s22], $0x80, s23, s22, $0xb8;
	[tilespmem:$0x1C080] =	vst v63  }
0x67: {  	_ =	swait.ge [sflag:s31], $0x4000  }
0x68: {  	[sflag:s31] =	ssyncset.done $0x0  }
0x69: {  	[sflag:s31] =	ssyncadd.s32 $0xFFFFC000  }
0x6a: {  	[spmem:s1] =	stream.indirect.scatter.add.f32 [tilespmem:s20], [sflag:$0x7], $0x80, s22, s22, $0xb8;
	[tilespmem:$0x1C080] =	vst v63  }
0x6b: {  	_ =	swait.ge [sflag:s21], $0x4000  }
0x6c: {  	[sflag:s21] =	ssyncset.done $0x0  }
0x6d: {  	s8 =	sadd.s32 $0x30, s11;
	[sflag:s21] =	ssyncadd.s32 $0xFFFFC000  }
0x6e: {  	[tilespmem:s0], [sflag:$0x6] =	stream.linear.gather [hbm4b:s8+s2], $0x80, $0x38;
	[tilespmem:$0x1C080] =	vst v63  }
0x6f: {  	s19 =	sadd.s32 $0x30, s10  }
0x70: {  	[tilespmem:s17], [sflag:$0x6] =	stream.linear.gather [hbm4b:s19+s2], $0x80, $0x38;
	[tilespmem:$0x1C080] =	vst v63  }
0x71: {  	_ =	swait.ge [sflag:s18], $0x80  }
0x72: {  	[sflag:s18] =	ssyncset.done $0x0  }
0x73: {  	[sflag:s18] =	ssyncadd.s32 $0xFFFFFF80  }
0x74: {  	_ =	swait.ge [sflag:s18], $0x80  }
0x75: {  	[sflag:s18] =	ssyncset.done $0x0  }
0x76: {  	[sflag:s18] =	ssyncadd.s32 $0xFFFFFF80  }
0x77: {  	[tilespmem:s20], [sflag:$0x1] =	stream.indirect.gather [hbm4b:s3+s22], $0x80, s26, s22, $0xb8;
	[tilespmem:$0x1C080] =	vst v63  }
0x78: {  	_ =	swait.ge [sflag:s5], $0x4000  }
0x79: {  	[sflag:s5] =	ssyncset.done $0x0  }
0x7a: {  	[sflag:s5] =	ssyncadd.s32 $0xFFFFC000  }
0x7b: {  	[spmem:s1] =	stream.indirect.scatter.add.f32 [tilespmem:s30], [sflag:$0x7], $0x80, s24, s22, $0xb8;
	[tilespmem:$0x1C080] =	vst v63  }
0x7c: {  	p3 =	por $0x0, $0x0;
	_ =	swait.ge [sflag:s21], $0x4000  }
0x7d: {  	s11 =	simm.s32 @!p3 $0x0;
	s8 =	sadd.s32 @!p3 $0x0, s13;
	[sflag:s21] =	ssyncset.done $0x0  }
0x7e: {  	s9 =	sadd.s32 @!p3 $0x0, s14;
	s10 =	sadd.s32 @!p3 $0x40, s8;
	[sflag:s21] =	ssyncadd.s32 $0xFFFFC000  }
0x7f: {  	[tilespmem:s11], [sflag:$0x3] =	stream.linear.gather @!p3 [hbm4b:s10+s11], $0x80, $0x38;
	[tilespmem:$0x1C080] =	vst v63  }
0x80: {  	s15 =	simm.s32 @!p3 $0x80;
	s10 =	sadd.s32 @!p3 $0x40, s9  }
0x81: {  	[tilespmem:s15], [sflag:$0x3] =	stream.linear.gather @!p3 [hbm4b:s10+s11], $0x80, $0x38;
	[tilespmem:$0x1C080] =	vst v63  }
0x82: {  	_ =	swait.ge [sflag:s6], $0x80  }
0x83: {  	[sflag:s6] =	ssyncset.done $0x0  }
0x84: {  	[sflag:s6] =	ssyncadd.s32 $0xFFFFFF80  }
0x85: {  	_ =	swait.ge [sflag:s6], $0x80  }
0x86: {  	[sflag:s6] =	ssyncset.done $0x0  }
0x87: {  	[sflag:s6] =	ssyncadd.s32 $0xFFFFFF80  }
0x88: {  	[tilespmem:s30], [sflag:$0x2] =	stream.indirect.gather [hbm4b:s3+s22], $0x80, s0, s22, $0xb8;
	[tilespmem:$0x1C080] =	vst v63  }
0x89: {  	_ =	swait.ge [sflag:s31], $0x4000  }
0x8a: {  	[sflag:s31] =	ssyncset.done $0x0  }
0x8b: {  	[sflag:s31] =	ssyncadd.s32 $0xFFFFC000  }
0x8c: {  	[spmem:s1] =	stream.indirect.scatter.add.f32 [tilespmem:s20], [sflag:$0x7], $0x80, s28, s22, $0xb8;
	[tilespmem:$0x1C080] =	vst v63  }
0x8d: {  	_ =	swait.ge [sflag:s21], $0x4000  }
0x8e: {  	[sflag:s21] =	ssyncset.done $0x0  }
0x8f: {  	s8 =	sadd.s32 @!p3 $0x50, s8;
	s10 =	simm.s32 @!p3 $0x100;
	[sflag:s21] =	ssyncadd.s32 $0xFFFFC000  }
0x90: {  	[tilespmem:s10], [sflag:$0x4] =	stream.linear.gather @!p3 [hbm4b:s8+s11], $0x80, $0x38;
	[tilespmem:$0x1C080] =	vst v63  }
0x91: {  	s8 =	sadd.s32 @!p3 $0x50, s9;
	s9 =	simm.s32 @!p3 $0x180  }
0x92: {  	[tilespmem:s9], [sflag:$0x4] =	stream.linear.gather @!p3 [hbm4b:s8+s11], $0x80, $0x38;
	[tilespmem:$0x1C080] =	vst v63  }
0x93: {  	s8 =	simm.s32 @!p3 $0x3  }
0x94: {  	_ =	swait.ge @!p3 [sflag:s8], $0x80  }
0x95: {  	[sflag:s8] =	ssyncset.done @!p3 $0x0  }
0x96: {  	[sflag:s8] =	ssyncadd.s32 @!p3 $0xFFFFFF80  }
0x97: {  	_ =	swait.ge @!p3 [sflag:s8], $0x80  }
0x98: {  	[sflag:s8] =	ssyncset.done @!p3 $0x0  }
0x99: {  	[sflag:s8] =	ssyncadd.s32 @!p3 $0xFFFFFF80;
	s8 =	simm.s32 @!p3 $0x400  }
0x9a: {  	[tilespmem:s8], [sflag:$0x1] =	stream.indirect.gather @!p3 [hbm4b:s3+s15], $0x80, s11, s15, $0xb8;
	[tilespmem:$0x1C080] =	vst v63  }
0x9b: {  	_ =	swait.ge [sflag:s5], $0x4000  }
0x9c: {  	[sflag:s5] =	ssyncset.done $0x0  }
0x9d: {  	[sflag:s5] =	ssyncadd.s32 $0xFFFFC000  }
0x9e: {  	[spmem:s1] =	stream.indirect.scatter.add.f32 [tilespmem:s30], [sflag:$0x7], $0x80, s17, s22, $0xb8;
	[tilespmem:$0x1C080] =	vst v63  }
0x9f: {  	s9 =	simm.s32 $0x80;
	_ =	swait.ge [sflag:s21], $0x4000  }
0xa0: {  	s8 =	simm.s32 $0x40;
	s11 =	sadd.s32 $0x40, s13;
	[sflag:s21] =	ssyncset.done $0x0  }
.LBB2_4:
0xa1: {  	s10 =	sadd.s32 $0x20, s11;
	s15 =	sadd.s32 s8, s14;
	[sflag:s21] =	ssyncadd.s32 $0xFFFFC000  }
0xa2: {  	[tilespmem:s26], [sflag:$0x5] =	stream.linear.gather [hbm4b:s10+s2], $0x80, $0x38;
	[tilespmem:$0x1C080] =	vst v63  }
0xa3: {  	s16 =	sadd.s32 $0x20, s15;
	s10 =	smov.u32 s9;
	s9 =	sadd.s32 $0x40, s9  }
0xa4: {  	[tilespmem:s28], [sflag:$0x5] =	stream.linear.gather [hbm4b:s16+s2], $0x80, $0x38;
	[tilespmem:$0x1C080] =	vst v63  }
0xa5: {  	p3 =	sne.s32 s9, $0x500;
	_ =	swait.ge [sflag:s29], $0x80  }
0xa6: {  	[sflag:s29] =	ssyncset.done $0x0  }
0xa7: {  	[sflag:s29] =	ssyncadd.s32 $0xFFFFFF80  }
0xa8: {  	_ =	swait.ge [sflag:s29], $0x80  }
0xa9: {  	[sflag:s29] =	ssyncset.done $0x0  }
0xaa: {  	[sflag:s29] =	ssyncadd.s32 $0xFFFFFF80  }
0xab: {  	[tilespmem:s30], [sflag:$0x2] =	stream.indirect.gather [hbm4b:s3+s22], $0x80, s23, s22, $0xb8;
	[tilespmem:$0x1C080] =	vst v63  }
0xac: {  	_ =	swait.ge [sflag:s31], $0x4000  }
0xad: {  	[sflag:s31] =	ssyncset.done $0x0  }
0xae: {  	[sflag:s31] =	ssyncadd.s32 $0xFFFFC000  }
0xaf: {  	[spmem:s1] =	stream.indirect.scatter.add.f32 [tilespmem:s20], [sflag:$0x7], $0x80, s22, s22, $0xb8;
	[tilespmem:$0x1C080] =	vst v63  }
0xb0: {  	_ =	swait.ge [sflag:s21], $0x4000  }
0xb1: {  	[sflag:s21] =	ssyncset.done $0x0  }
0xb2: {  	s11 =	sadd.s32 $0x30, s11;
	[sflag:s21] =	ssyncadd.s32 $0xFFFFC000  }
0xb3: {  	[tilespmem:s0], [sflag:$0x6] =	stream.linear.gather [hbm4b:s11+s2], $0x80, $0x38;
	[tilespmem:$0x1C080] =	vst v63  }
0xb4: {  	s11 =	sadd.s32 $0x30, s15  }
0xb5: {  	[tilespmem:s17], [sflag:$0x6] =	stream.linear.gather [hbm4b:s11+s2], $0x80, $0x38;
	[tilespmem:$0x1C080] =	vst v63  }
0xb6: {  	_ =	swait.ge [sflag:s18], $0x80  }
0xb7: {  	[sflag:s18] =	ssyncset.done $0x0  }
0xb8: {  	[sflag:s18] =	ssyncadd.s32 $0xFFFFFF80  }
0xb9: {  	_ =	swait.ge [sflag:s18], $0x80  }
0xba: {  	[sflag:s18] =	ssyncset.done $0x0  }
0xbb: {  	[sflag:s18] =	ssyncadd.s32 $0xFFFFFF80  }
0xbc: {  	[tilespmem:s20], [sflag:$0x1] =	stream.indirect.gather [hbm4b:s3+s22], $0x80, s26, s22, $0xb8;
	[tilespmem:$0x1C080] =	vst v63  }
0xbd: {  	_ =	swait.ge [sflag:s5], $0x4000  }
0xbe: {  	[sflag:s5] =	ssyncset.done $0x0  }
0xbf: {  	[sflag:s5] =	ssyncadd.s32 $0xFFFFC000  }
0xc0: {  	[spmem:s1] =	stream.indirect.scatter.add.f32 [tilespmem:s30], [sflag:$0x7], $0x80, s24, s22, $0xb8;
	[tilespmem:$0x1C080] =	vst v63  }
0xc1: {  	p4 =	seq.s32 s8, $0x4C0;
	_ =	swait.ge [sflag:s21], $0x4000  }
0xc2: {  	s11 =	sadd.s32 @!p4 s8, s13;
	s8 =	sadd.s32 @!p4 s8, s14;
	[sflag:s21] =	ssyncset.done $0x0  }
0xc3: {  	s16 =	simm.s32 @!p4 $0x0;
	s15 =	sadd.s32 @!p4 $0x40, s11;
	[sflag:s21] =	ssyncadd.s32 $0xFFFFC000  }
0xc4: {  	[tilespmem:s16], [sflag:$0x3] =	stream.linear.gather @!p4 [hbm4b:s15+s16], $0x80, $0x38;
	[tilespmem:$0x1C080] =	vst v63  }
0xc5: {  	s19 =	simm.s32 @!p4 $0x80;
	s11 =	sadd.s32 @!p4 $0x50, s11;
	s15 =	sadd.s32 @!p4 $0x40, s8  }
0xc6: {  	[tilespmem:s19], [sflag:$0x3] =	stream.linear.gather @!p4 [hbm4b:s15+s16], $0x80, $0x38;
	[tilespmem:$0x1C080] =	vst v63  }
0xc7: {  	s15 =	sadd.s32 @!p4 $0x50, s8;
	s8 =	smov.u32 s10;
	_ =	swait.ge [sflag:s6], $0x80  }
0xc8: {  	[sflag:s6] =	ssyncset.done $0x0  }
0xc9: {  	[sflag:s6] =	ssyncadd.s32 $0xFFFFFF80  }
0xca: {  	_ =	swait.ge [sflag:s6], $0x80  }
0xcb: {  	[sflag:s6] =	ssyncset.done $0x0  }
0xcc: {  	[sflag:s6] =	ssyncadd.s32 $0xFFFFFF80  }
0xcd: {  	[tilespmem:s30], [sflag:$0x2] =	stream.indirect.gather [hbm4b:s3+s22], $0x80, s0, s22, $0xb8;
	[tilespmem:$0x1C080] =	vst v63  }
0xce: {  	_ =	swait.ge [sflag:s31], $0x4000  }
0xcf: {  	[sflag:s31] =	ssyncset.done $0x0  }
0xd0: {  	[sflag:s31] =	ssyncadd.s32 $0xFFFFC000  }
0xd1: {  	[spmem:s1] =	stream.indirect.scatter.add.f32 [tilespmem:s20], [sflag:$0x7], $0x80, s28, s22, $0xb8;
	[tilespmem:$0x1C080] =	vst v63  }
0xd2: {  	_ =	swait.ge [sflag:s21], $0x4000  }
0xd3: {  	[sflag:s21] =	ssyncset.done $0x0  }
0xd4: {  	s10 =	simm.s32 @!p4 $0x100;
	[sflag:s21] =	ssyncadd.s32 $0xFFFFC000  }
0xd5: {  	[tilespmem:s10], [sflag:$0x4] =	stream.linear.gather @!p4 [hbm4b:s11+s16], $0x80, $0x38;
	[tilespmem:$0x1C080] =	vst v63  }
0xd6: {  	s10 =	simm.s32 @!p4 $0x180;
	s11 =	simm.s32 @!p4 $0x3  }
0xd7: {  	[tilespmem:s10], [sflag:$0x4] =	stream.linear.gather @!p4 [hbm4b:s15+s16], $0x80, $0x38;
	[tilespmem:$0x1C080] =	vst v63  }
0xd8: {  	_ =	swait.ge @!p4 [sflag:s11], $0x80  }
0xd9: {  	[sflag:s11] =	ssyncset.done @!p4 $0x0  }
0xda: {  	[sflag:s11] =	ssyncadd.s32 @!p4 $0xFFFFFF80  }
0xdb: {  	_ =	swait.ge @!p4 [sflag:s11], $0x80  }
0xdc: {  	[sflag:s11] =	ssyncset.done @!p4 $0x0  }
0xdd: {  	s10 =	simm.s32 @!p4 $0x400;
	[sflag:s11] =	ssyncadd.s32 @!p4 $0xFFFFFF80  }
0xde: {  	[tilespmem:s10], [sflag:$0x1] =	stream.indirect.gather @!p4 [hbm4b:s3+s19], $0x80, s16, s19, $0xb8;
	[tilespmem:$0x1C080] =	vst v63  }
0xdf: {  	_ =	swait.ge [sflag:s5], $0x4000  }
.Ltmp3:
0xe0: {  	[sflag:s5] =	ssyncset.done $0x0;
	(pc) =	sbr.rel @p3 .LBB2_4-.Ltmp3, $4  }
0xe1: {  	[sflag:s5] =	ssyncadd.s32 $0xFFFFC000  }
0xe2: {  	[spmem:s1] =	stream.indirect.scatter.add.f32 [tilespmem:s30], [sflag:$0x7], $0x80, s17, s22, $0xb8;
	[tilespmem:$0x1C080] =	vst v63  }
0xe3: {  	_ =	swait.ge [sflag:s21], $0x4000  }
0xe4: {  	s11 =	sadd.s32 s8, s13;
	[sflag:s21] =	ssyncset.done $0x0  }
0xe5: {  	s9 =	sadd.s32 $0x20, s11;
	s10 =	sadd.s32 s8, s14;
	[sflag:s21] =	ssyncadd.s32 $0xFFFFC000  }
0xe6: {  	[tilespmem:s26], [sflag:$0x5] =	stream.linear.gather [hbm4b:s9+s2], $0x80, $0x38;
	[tilespmem:$0x1C080] =	vst v63  }
0xe7: {  	s19 =	sadd.s32 $0x20, s10  }
0xe8: {  	[tilespmem:s28], [sflag:$0x5] =	stream.linear.gather [hbm4b:s19+s2], $0x80, $0x38;
	[tilespmem:$0x1C080] =	vst v63  }
0xe9: {  	_ =	swait.ge [sflag:s29], $0x80  }
0xea: {  	[sflag:s29] =	ssyncset.done $0x0  }
0xeb: {  	[sflag:s29] =	ssyncadd.s32 $0xFFFFFF80  }
0xec: {  	_ =	swait.ge [sflag:s29], $0x80  }
0xed: {  	[sflag:s29] =	ssyncset.done $0x0  }
0xee: {  	[sflag:s29] =	ssyncadd.s32 $0xFFFFFF80  }
0xef: {  	[tilespmem:s30], [sflag:$0x2] =	stream.indirect.gather [hbm4b:s3+s22], $0x80, s23, s22, $0xb8;
	[tilespmem:$0x1C080] =	vst v63  }
0xf0: {  	_ =	swait.ge [sflag:s31], $0x4000  }
0xf1: {  	[sflag:s31] =	ssyncset.done $0x0  }
0xf2: {  	[sflag:s31] =	ssyncadd.s32 $0xFFFFC000  }
0xf3: {  	[spmem:s1] =	stream.indirect.scatter.add.f32 [tilespmem:s20], [sflag:$0x7], $0x80, s22, s22, $0xb8;
	[tilespmem:$0x1C080] =	vst v63  }
0xf4: {  	_ =	swait.ge [sflag:s21], $0x4000  }
0xf5: {  	[sflag:s21] =	ssyncset.done $0x0  }
0xf6: {  	s15 =	sadd.s32 $0x30, s11;
	[sflag:s21] =	ssyncadd.s32 $0xFFFFC000  }
0xf7: {  	[tilespmem:s0], [sflag:$0x6] =	stream.linear.gather [hbm4b:s15+s2], $0x80, $0x38;
	[tilespmem:$0x1C080] =	vst v63  }
0xf8: {  	s16 =	sadd.s32 $0x30, s10  }
0xf9: {  	[tilespmem:s17], [sflag:$0x6] =	stream.linear.gather [hbm4b:s16+s2], $0x80, $0x38;
	[tilespmem:$0x1C080] =	vst v63  }
0xfa: {  	_ =	swait.ge [sflag:s18], $0x80  }
0xfb: {  	[sflag:s18] =	ssyncset.done $0x0  }
0xfc: {  	[sflag:s18] =	ssyncadd.s32 $0xFFFFFF80  }
0xfd: {  	_ =	swait.ge [sflag:s18], $0x80  }
0xfe: {  	[sflag:s18] =	ssyncset.done $0x0  }
0xff: {  	[sflag:s18] =	ssyncadd.s32 $0xFFFFFF80  }
0x100: {  	[tilespmem:s20], [sflag:$0x1] =	stream.indirect.gather [hbm4b:s3+s22], $0x80, s26, s22, $0xb8;
	[tilespmem:$0x1C080] =	vst v63  }
0x101: {  	_ =	swait.ge [sflag:s5], $0x4000  }
0x102: {  	[sflag:s5] =	ssyncset.done $0x0  }
0x103: {  	[sflag:s5] =	ssyncadd.s32 $0xFFFFC000  }
0x104: {  	[spmem:s1] =	stream.indirect.scatter.add.f32 [tilespmem:s30], [sflag:$0x7], $0x80, s24, s22, $0xb8;
	[tilespmem:$0x1C080] =	vst v63  }
0x105: {  	p3 =	seq.s32 s8, $0x4C0;
	_ =	swait.ge [sflag:s21], $0x4000  }
0x106: {  	s9 =	sadd.s32 @!p3 s8, s13;
	s8 =	sadd.s32 @!p3 s8, s14;
	[sflag:s21] =	ssyncset.done $0x0  }
0x107: {  	s11 =	simm.s32 @!p3 $0x0;
	s10 =	sadd.s32 @!p3 $0x40, s9;
	[sflag:s21] =	ssyncadd.s32 $0xFFFFC000  }
0x108: {  	[tilespmem:s11], [sflag:$0x3] =	stream.linear.gather @!p3 [hbm4b:s10+s11], $0x80, $0x38;
	[tilespmem:$0x1C080] =	vst v63  }
0x109: {  	s15 =	simm.s32 @!p3 $0x80;
	s10 =	sadd.s32 @!p3 $0x40, s8  }
0x10a: {  	[tilespmem:s15], [sflag:$0x3] =	stream.linear.gather @!p3 [hbm4b:s10+s11], $0x80, $0x38;
	[tilespmem:$0x1C080] =	vst v63  }
0x10b: {  	_ =	swait.ge [sflag:s6], $0x80  }
0x10c: {  	[sflag:s6] =	ssyncset.done $0x0  }
0x10d: {  	[sflag:s6] =	ssyncadd.s32 $0xFFFFFF80  }
0x10e: {  	_ =	swait.ge [sflag:s6], $0x80  }
0x10f: {  	[sflag:s6] =	ssyncset.done $0x0  }
0x110: {  	[sflag:s6] =	ssyncadd.s32 $0xFFFFFF80  }
0x111: {  	[tilespmem:s30], [sflag:$0x2] =	stream.indirect.gather [hbm4b:s3+s22], $0x80, s0, s22, $0xb8;
	[tilespmem:$0x1C080] =	vst v63  }
0x112: {  	_ =	swait.ge [sflag:s31], $0x4000  }
0x113: {  	[sflag:s31] =	ssyncset.done $0x0  }
0x114: {  	[sflag:s31] =	ssyncadd.s32 $0xFFFFC000  }
0x115: {  	[spmem:s1] =	stream.indirect.scatter.add.f32 [tilespmem:s20], [sflag:$0x7], $0x80, s28, s22, $0xb8;
	[tilespmem:$0x1C080] =	vst v63  }
0x116: {  	_ =	swait.ge [sflag:s21], $0x4000  }
0x117: {  	[sflag:s21] =	ssyncset.done $0x0  }
0x118: {  	s9 =	sadd.s32 @!p3 $0x50, s9;
	s10 =	simm.s32 @!p3 $0x100;
	[sflag:s21] =	ssyncadd.s32 $0xFFFFC000  }
0x119: {  	[tilespmem:s10], [sflag:$0x4] =	stream.linear.gather @!p3 [hbm4b:s9+s11], $0x80, $0x38;
	[tilespmem:$0x1C080] =	vst v63  }
0x11a: {  	s8 =	sadd.s32 @!p3 $0x50, s8;
	s9 =	simm.s32 @!p3 $0x180  }
0x11b: {  	[tilespmem:s9], [sflag:$0x4] =	stream.linear.gather @!p3 [hbm4b:s8+s11], $0x80, $0x38;
	[tilespmem:$0x1C080] =	vst v63  }
0x11c: {  	s8 =	simm.s32 @!p3 $0x3  }
0x11d: {  	_ =	swait.ge @!p3 [sflag:s8], $0x80  }
0x11e: {  	[sflag:s8] =	ssyncset.done @!p3 $0x0  }
0x11f: {  	[sflag:s8] =	ssyncadd.s32 @!p3 $0xFFFFFF80  }
0x120: {  	_ =	swait.ge @!p3 [sflag:s8], $0x80  }
0x121: {  	[sflag:s8] =	ssyncset.done @!p3 $0x0  }
0x122: {  	[sflag:s8] =	ssyncadd.s32 @!p3 $0xFFFFFF80;
	s8 =	simm.s32 @!p3 $0x400  }
0x123: {  	[tilespmem:s8], [sflag:$0x1] =	stream.indirect.gather @!p3 [hbm4b:s3+s15], $0x80, s11, s15, $0xb8;
	[tilespmem:$0x1C080] =	vst v63  }
0x124: {  	_ =	swait.ge [sflag:s5], $0x4000  }
0x125: {  	[sflag:s5] =	ssyncset.done $0x0  }
0x126: {  	[sflag:s5] =	ssyncadd.s32 $0xFFFFC000  }
0x127: {  	[spmem:s1] =	stream.indirect.scatter.add.f32 [tilespmem:s30], [sflag:$0x7], $0x80, s17, s22, $0xb8;
	[tilespmem:$0x1C080] =	vst v63  }
.Ltmp4:
0x128: {  	_ =	swait.ge [sflag:s21], $0x4000;
	(pc) =	sbr.rel @p1 .LBB2_7-.Ltmp4, $4  }
0x129: {  	[sflag:s21] =	ssyncset.done $0x0  }
0x12a: {  	s19 =	stileid.u32;
	[sflag:s21] =	ssyncadd.s32 $0xFFFFC000  }
0x12b: {  	s10 =	sshll.u32 s19, $0x6;
	[bflag:$0x0] =	sbarrier.arrive $0xFFFF  }
0x12c: {  	s9 =	sshrl.u32 s7, $0x3;
	s8 =	sor.u32 $0x1C07, s10  }
0x12d: {  	s8 =	sor.u32 $0x1C07, s10;
	s19 =	rddreg [dreg:$0xd]  }
0x12e: {  	[hbm:s19], [sflag:s8] =	dma.local [spmem:s9], $0x2700  }
.Ltmp5:
0x12f: {  	_ = 	snop;
	(pc) =	sbr.rel @!p2 .LBB2_9-.Ltmp5, $4  }
.Ltmp6:
0x130: {  	_ = 	snop;
	(pc) =	sbr.rel @p2 .LBB2_8-.Ltmp6, $4  }
0x131: {  	_ =	swait.ge [sflag:s21], $0x2700  }
0x132: {  	[sflag:s21] =	ssyncset.done $0x0  }
0x133: {  	s9 =	rddreg [dreg:$0x4];
	[sflag:s21] =	ssyncadd.s32 $0xFFFFD900  }
0x134: {  	_ = 	snop  }
.LBB2_7:
0x135: {  	s10 =	rddreg [dreg:$0xc]  }
0x136: {  	[hbm:s10], [sflag:s8] =	dma.local [spmem:s9], $0x2700  }
.Ltmp7:
0x137: {  	_ = 	snop;
	(pc) =	sbr.rel @p0 .LBB2_9-.Ltmp7, $4  }
.Ltmp8:
0x138: {  	_ = 	snop;
	(pc) =	sbr.rel @!p0 .LBB2_8-.Ltmp8, $4  }
0x139: {  	_ =	swait.ge [sflag:s21], $0x2700  }
0x13a: {  	[sflag:s21] =	ssyncset.done $0x0  }
0x13b: {  	s9 =	rddreg [dreg:$0x5];
	[sflag:s21] =	ssyncadd.s32 $0xFFFFD900  }
0x13c: {  	_ = 	snop  }
.LBB2_10:
0x13d: {  	_ =	sfence.sel $0x180000  }
0x13e: {  	[bflag:$0x0] =	sbarrier.arrive $0xFFFF  }
0x13f: {  	_ =	strace $0x9000004D  }
0x140: {  	[bflag:$0x2] =	sbarrier.arrive $0xFFFF  }
0x141: {  	s0 =	rddreg [dreg:$0x3]  }
0x142: {  	s0 =	sadd.s32 @!p0 $0x100000, s0  }
0x143: {  	[sflag:s0] =	ssyncadd.tile.s32 @!p0 $0x1;
	_ =	shalt  }
.Lfunc_end2:
_tile_overlayer_lowered:
.L_overlay_start_2:
0x144: {  	(tag) =	ssettag $0x2  }
0x145: {  	s0 =	rddreg [dreg:$0x0];
	s2 =	stileid.u32  }
0x146: {  	s1 =	rddreg [dreg:$0x1];
	p0 =	sne.s32 s2, $0x0  }
0x147: {  	s3 =	rddreg [dreg:$0x2];
	[bflag:$0x3] =	sbarrier.arrive $0xFFFF;
	s2 =	simm.s32 @!p0 $0x1C07  }
0x148: {  	[timem:s3], [sflag:s2] =	dma.local @!p0 [hbm:s0], s1  }
0x149: {  	s0 =	simm.s32 @!p0 $0x7  }
0x14a: {  	_ =	swait.ge @!p0 [sflag:s0], s1  }
0x14b: {  	s1 =	ssub.s32 @!p0 $0x0, s1;
	[sflag:s0] =	ssyncset.done @!p0 $0x0  }
0x14c: {  	[sflag:s0] =	ssyncadd.s32 @!p0 s1  }
0x14d: {  	[bflag:$0x3] =	sbarrier.arrive $0xFFFF  }
0x14e: {  	_ =	shalt  }

// kernel: kernel.8.cloned.1.call-start
scs
__scs_entry_jumppad:
0x0: {  	(pc) =	sbr.rel $0x88, $3  }
0x1: {  	(tag) =	ssettag $0x0;
	lr =	simm.s32 $0x1  }
0x2: {  	[smem:$0x3F9B] =	sst lr;
	_ =	strace $0xD0000000  }
0x3: {  	_ = 	snop  }
0x4: {  	_ = 	snop  }
0x5: {  	_ = 	snop  }
0x6: {  	_ = 	snop  }
0x7: {  	_ = 	snop  }
__scs_overlays_trampoline_lowered:
0x8: {  	[smem:$0x3FAA] =	sst s0  }
0x9: {  	[smem:$0x3FAB] =	sst s1  }
0xa: {  	[smem:$0x3FAC] =	sst s2  }
0xb: {  	[smem:$0x3FAD] =	sst s3  }
0xc: {  	[smem:$0x3FAE] =	sst s4  }
0xd: {  	[smem:$0x3FAF] =	sst s5  }
0xe: {  	[smem:$0x3FB0] =	sst s6  }
0xf: {  	[smem:$0x3FB1] =	sst s7  }
0x10: {  	[smem:$0x3FB2] =	sst s8  }
0x11: {  	[smem:$0x3FB3] =	sst s9;
	s0 =	simm.s32 @!p0 $0x0  }
0x12: {  	s1 =	sld [smem:$0x3F99];
	s0 =	simm.s32 @p0 $0x1  }
0x13: {  	[smem:$0x3FB4] =	sst s0;
	s0 =	simm.s32 @!p1 $0x0  }
0x14: {  	s2 =	sld [smem:$0x3F98];
	s0 =	simm.s32 @p1 $0x1  }
0x15: {  	[smem:$0x3FB5] =	sst s0;
	s0 =	simm.s32 @!p2 $0x0  }
0x16: {  	s3 =	sld [smem:$0x3FDB];
	s0 =	simm.s32 @p2 $0x1  }
0x17: {  	s4 =	simm.s32 $0x1BF5;
	[smem:$0x3FB7] =	sst s0  }
0x18: {  	s0 =	sld [smem:$0x3F9A];
	_ =	swait.ge [sflag:s4], $0x0  }
0x19: {  	s7 =	sld [smem:$0x3F9B]  }
0x1a: {  	s8 =	sadd.s32 $0xFFFFE003, lr  }
0x1b: {  	s9 =	sadd.s32 $0xFFFFFEF7, lr;
	s5 =	simm.s32 $0xFFFFFFFF;
	p2 =	slt.u32 s8, $0xFFFFF086  }
0x1c: {  	p1 =	slt.u32 s9, $0xF7A;
	s5 =	simm.s32 @!p2 $0x0  }
0x1d: {  	s5 =	simm.s32 @p1 $0x1;
	p0 =	seq.s32 s7, s2  }
0x1e: {  	s7 =	smul.u32 @!p0 $0xF7A, s2;
	p2 =	seq.s32 @!p0 s5, $0x0  }
0x1f: {  	s9 =	smul.u32 $0xF7A, s1;
	s8 =	simm.s32 @!p0 $0x1BF5;
	p2 =	por !p2, p0  }
0x20: {  	[sflag:s8] =	ssyncset.s32 @!p0 $0xFFFFF086;
	s6 =	sadd.s32 @!p0 s3, s7;
	s7 =	simm.s32 @!p0 $0x108  }
0x21: {  	s3 =	sadd.s32 s3, s9;
	s6 =	sadd.s32 @!p0 $0x88, s6;
	s7 =	simm.s32 @p2 $0x1082  }
0x22: {  	[simem:s7], [sflag:s8] =	dma.local @!p0 [hbm:s6], $0xF7A  }
0x23: {  	s9 =	sor.u32 $0xD0000000, s2;
	s6 =	simm.s32 $0x108;
	_ =	swait.ge @!p0 [sflag:s8], $0x0  }
0x24: {  	s3 =	sadd.s32 $0x88, s3;
	s6 =	simm.s32 @!p1 $0x1082;
	[sflag:s4] =	ssyncset.s32 $0xFFFFF086  }
0x25: {  	[simem:s6], [sflag:s4] =	dma.local [hbm:s3], $0xF7A  }
0x26: {  	[smem:$0x3F9B] =	sst s1;
	(tag) =	ssettag s2;
	_ =	strace s9  }
0x27: {  	s1 =	sld [smem:$0x3FAB]  }
0x28: {  	s2 =	sld [smem:$0x3FAC]  }
0x29: {  	s4 =	sld [smem:$0x3FAE]  }
0x2a: {  	p0 =	seq.s32 s5, $0x0;
	s5 =	sld [smem:$0x3FAF]  }
0x2b: {  	s6 =	sld [smem:$0x3FB0]  }
0x2c: {  	s7 =	sld [smem:$0x3FB1]  }
0x2d: {  	s3 =	simm.s32 $0x108;
	s8 =	sld [smem:$0x3FB2]  }
0x2e: {  	s3 =	simm.s32 @!p0 $0x1082;
	s9 =	sld [smem:$0x3FB3]  }
0x2f: {  	lr =	sadd.s32 s0, s3;
	s0 =	sld [smem:$0x3FAA]  }
0x30: {  	s3 =	sld [smem:$0x3FAD]  }
0x31: {  	[smem:$0x3FB6] =	sst s10  }
0x32: {  	s10 =	sld [smem:$0x3FB4];
	_ =	sdelay $0x3  }
0x33: {  	p0 =	seq.s32 s10, $0x1;
	s10 =	sld [smem:$0x3FB6];
	_ =	sdelay $0x3  }
0x34: {  	[smem:$0x3FB6] =	sst s10  }
0x35: {  	s10 =	sld [smem:$0x3FB5];
	_ =	sdelay $0x3  }
0x36: {  	p1 =	seq.s32 s10, $0x1;
	s10 =	sld [smem:$0x3FB6];
	_ =	sdelay $0x3  }
0x37: {  	[smem:$0x3FB6] =	sst s10  }
0x38: {  	s10 =	sld [smem:$0x3FB7]  }
0x39: {  	_ = 	snop;
	(pc) =	sbr.ind lr, $3  }
0x3a: {  	_ = 	snop  }
0x3b: {  	_ = 	snop  }
0x3c: {  	p2 =	seq.s32 s10, $0x1;
	s10 =	sld [smem:$0x3FB6]  }
0x3d: {  	_ =	shalt  }
0x3e: {  	_ =	shalt  }
0x3f: {  	_ =	shalt  }
0x40: {  	_ =	shalt  }
0x41: {  	_ =	shalt  }
0x42: {  	_ =	shalt  }
0x43: {  	_ =	shalt  }
0x44: {  	_ =	shalt  }
0x45: {  	_ =	shalt  }
0x46: {  	_ =	shalt  }
0x47: {  	_ =	shalt  }
0x48: {  	_ =	shalt  }
0x49: {  	_ =	shalt  }
0x4a: {  	_ =	shalt  }
0x4b: {  	_ =	shalt  }
0x4c: {  	_ =	shalt  }
0x4d: {  	_ =	shalt  }
0x4e: {  	_ =	shalt  }
0x4f: {  	_ =	shalt  }
0x50: {  	_ =	shalt  }
0x51: {  	_ =	shalt  }
0x52: {  	_ =	shalt  }
0x53: {  	_ =	shalt  }
0x54: {  	_ =	shalt  }
0x55: {  	_ =	shalt  }
0x56: {  	_ =	shalt  }
0x57: {  	_ =	shalt  }
0x58: {  	_ =	shalt  }
0x59: {  	_ =	shalt  }
0x5a: {  	_ =	shalt  }
0x5b: {  	_ =	shalt  }
0x5c: {  	_ =	shalt  }
0x5d: {  	_ =	shalt  }
0x5e: {  	_ =	shalt  }
0x5f: {  	_ =	shalt  }
0x60: {  	_ =	shalt  }
0x61: {  	_ =	shalt  }
0x62: {  	_ =	shalt  }
0x63: {  	_ =	shalt  }
0x64: {  	_ =	shalt  }
0x65: {  	_ =	shalt  }
0x66: {  	_ =	shalt  }
0x67: {  	_ =	shalt  }
0x68: {  	_ =	shalt  }
0x69: {  	_ =	shalt  }
0x6a: {  	_ =	shalt  }
0x6b: {  	_ =	shalt  }
0x6c: {  	_ =	shalt  }
0x6d: {  	_ =	shalt  }
0x6e: {  	_ =	shalt  }
0x6f: {  	_ =	shalt  }
0x70: {  	_ =	shalt  }
0x71: {  	_ =	shalt  }
0x72: {  	_ =	shalt  }
0x73: {  	_ =	shalt  }
0x74: {  	_ =	shalt  }
0x75: {  	_ =	shalt  }
0x76: {  	_ =	shalt  }
0x77: {  	_ =	shalt  }
0x78: {  	_ =	shalt  }
0x79: {  	_ =	shalt  }
0x7a: {  	_ =	shalt  }
0x7b: {  	_ =	shalt  }
0x7c: {  	_ =	shalt  }
0x7d: {  	_ =	shalt  }
0x7e: {  	_ =	shalt  }
0x7f: {  	_ =	shalt  }
0x80: {  	_ =	shalt  }
0x81: {  	_ =	shalt  }
0x82: {  	_ =	shalt  }
0x83: {  	_ =	shalt  }
0x84: {  	_ =	shalt  }
0x85: {  	_ =	shalt  }
0x86: {  	_ =	shalt  }
0x87: {  	_ =	shalt  }
.Lfunc_end0:
.L_simem_size_0:
called_computation_lowered:
.L_overlay_start_0:
0x88: {  	s2 =	sld [smem:$0x3FD9]  }
0x89: {  	s3 =	sld [smem:$0x3FFE];
	_ =	sdelay $0x1  }
0x8a: {  	s1 =	srdreg.scid  }
0x8b: {  	s0 =	sand.u32 $0x1, s1  }
0x8c: {  	s17 =	sshll.u32 s0, $0xA;
	s2 =	sadd.s32 s3, s2  }
0x8d: {  	s2 =	sadd.s32 s2, s17  }
0x8e: {  	[smem:$0x3FC2] =	sst s2  }
0x8f: {  	_ = 	snop  }
0x90: {  	s2 =	sld [smem:$0x3FD0];
	(tm) =	ssettm $0x1  }
0x91: {  	s18 =	sld [smem:$0x3FFB];
	_ =	sdelay $0x3  }
0x92: {  	_ =	strace s18  }
0x93: {  	s3 =	sld [smem:$0x3FFC];
	_ =	sdelay $0x3  }
0x94: {  	_ =	strace s3  }
0x95: {  	s3 =	sld [smem:$0x3FFD];
	_ =	sdelay $0x3  }
0x96: {  	_ =	strace s3  }
0x97: {  	_ =	strace $0x8FFFFFFF  }
0x98: {  	s19 =	sld [smem:$0x3FDB];
	_ =	sdelay $0x1  }
0x99: {  	s4 =	simm.s32 $_scs_section_size  }
0x9a: {  	s5 =	simm.s32 $_size__tile_overlayer_lowered;
	s6 =	simm.s32 $_tile_overlayer_lowered  }
0x9b: {  	s22 =	simm.s32 $0x1BFF;
	s21 =	sshll.u32 s6, $0x1;
	s3 =	sadd.s32 s4, s19  }
0x9c: {  	s7 =	simm.s32 $0x0;
	s20 =	sshll.u32 s5, $0x1;
	s5 =	sadd.s32 s21, s3  }
0x9d: {  	[timem:s7], [sflag:s22] =	dma.local [hbm:s5], s20  }
0x9e: {  	_ =	swait.ge [sflag:s22], s20  }
0x9f: {  	s4 =	ssub.s32 $0x0, s20;
	[sflag:s22] =	ssyncset.done $0x0  }
0xa0: {  	[sflag:s22] =	ssyncadd.s32 s4;
	_ =	sdelay $0x1  }
0xa1: {  	s23 =	simm.s32 $0x1B8B  }
0xa2: {  	_ =	swait.ge [sflag:s23], $0x1  }
0xa3: {  	[sflag:s23] =	ssyncset.done $0x0  }
0xa4: {  	s25 =	simm.s32 $0x1B8E;
	s24 =	sld [smem:$0x3FFE];
	[sflag:s23] =	ssyncadd.s32 $0xFFFFFFFF  }
0xa5: {  	s26 =	simm.s32 $execute0_lowered;
	[smem:$0x3FD2] =	sst s25  }
0xa6: {  	s5 =	sshll.u32 s26, $0x1;
	_ =	strace $0x80000046;
	[dreg:$0x1] =	wrdreg $0xFFFFFFFF  }
0xa7: {  	s28 =	simm.s32 $_size_execute0_lowered;
	s3 =	sadd.s32 s3, s5;
	[dreg:$0x0] =	wrdreg $0x0  }
0xa8: {  	s5 =	sshll.u32 s28, $0x1;
	[dreg:$0x2] =	wrdreg s3  }
0xa9: {  	[dreg:$0x3] =	wrdreg s5  }
0xaa: {  	[dreg:$0x4] =	wrdreg $0xC0  }
0xab: {  	_ =	task [dreg:s7], $0x5FFFF  }
0xac: {  	[dreg:$0x1] =	wrdreg $0xFFFFFFFF  }
0xad: {  	[dreg:$0x0] =	wrdreg $0x60  }
0xae: {  	[dreg:$0x2] =	wrdreg s24  }
0xaf: {  	[dreg:$0x3] =	wrdreg s2  }
0xb0: {  	[dreg:$0x4] =	wrdreg $0x94000  }
0xb1: {  	[dreg:$0x5] =	wrdreg $0x9  }
0xb2: {  	_ =	task.clear_ibuf [dreg:s7], $0x6FFFF;
	_ =	strace $0x90000046  }
0xb3: {  	s29 =	simm.s32 $0x9;
	_ =	strace $0x80000048  }
0xb4: {  	_ =	swait.ge [sflag:s29], $0x1  }
0xb5: {  	[sflag:s29] =	ssyncadd.s32 $0xFFFFFFFF  }
0xb6: {  	_ =	strace $0x90000048  }
0xb7: {  	_ =	sfence  }
0xb8: {  	s30 =	sld [smem:$0x0];
	_ =	sdelay $0x2  }
0xb9: {  	s31 =	sshll.u32 s1, $0xD;
	s1 =	sshrl.u32 s1, $0x2  }
0xba: {  	s3 =	sand.u32 $0x4000, s31;
	s1 =	sadd.s32 s1, s30  }
0xbb: {  	s0 =	sor.u32 s3, s0;
	s1 =	sshll.u32 s1, $0x11  }
0xbc: {  	s0 =	sor.u32 s1, s0  }
0xbd: {  	s0 =	sadd.s32 $0x8F2B, s0  }
0xbe: {  	[sflag:s0] =	ssyncadd.remote.s32 $0x1  }
0xbf: {  	_ =	sfence.sel $0xFFFF  }
0xc0: {  	[dreg:$0x0] =	wrdreg $0xFFFFFFFF;
	(pc) =	sbr.abs _section_cstart, $3  }
0xc1: {  	[dreg:$0x1] =	wrdreg $0xFFFFFFFF  }
0xc2: {  	_ =	task.clear_ibuf [dreg:s7], $0x2FFFF;
	_ =	strace $0x9FFFFFFF  }
0xc3: {  	(tm) =	ssettm $0x7FFFFFFF  }
tec
execute0_lowered:
.L_overlay_start_1:
0x0: {  	(tag) =	ssettag $0x1  }
0x1: {  	s0 =	rddreg [dreg:$0x0];
	s1 =	srdreg.scid  }
0x2: {  	s13 =	stileid.u32;
	s14 =	rddreg [dreg:$0x1]  }
0x3: {  	s3 =	rddreg [dreg:$0x2];
	s4 =	simm.s32 $0x0;
	s16 =	simm.s32 $0x5400  }
0x4: {  	s17 =	simm.s32 $0x2;
	s18 =	simm.s32 $0x80;
	s19 =	simm.s32 $0x1400  }
0x5: {  	s30 =	simm.s32 $0xE00;
	s31 =	simm.s32 $0xE80;
	s20 =	simm.s32 $0x1180  }
0x6: {  	s21 =	simm.s32 $0x1200;
	s22 =	simm.s32 $0x1280;
	s23 =	simm.s32 $0x1380  }
0x7: {  	s24 =	simm.s32 $0x1;
	s1 =	sand.u32 $0x1, s1;
	s2 =	sshll.u32 s13, $0x1  }
0x8: {  	[smem:$0x7FF] =	sst s4;
	s5 =	smul.u32 $0x4E000, s13;
	s15 =	sadd.s32 $0xD600, s0  }
0x9: {  	s26 =	smul.u32 $0x2700, s13;
	s11 =	sadd.s32 $0x138000, s3;
	p0 =	sne.s32 s13, $0x0  }
0xa: {  	p2 =	seq.s32 s13, $0x0;
	s13 =	simm.s32 $0x1080;
	s2 =	sor.u32 s1, s2  }
0xb: {  	_ =	strace $0x80000047;
	s6 =	ssub.s32 $0x2, s1;
	p1 =	seq.s32 s1, $0x1  }
0xc: {  	[dreg:$0x4] =	wrdreg s15;
	s1 =	simm.s32 $0xF00;
	s2 =	smul.u32 $0x280, s2  }
0xd: {  	s7 =	sshrl.u32 s6, $0x1;
	s5 =	sshrl.u32 s5, $0x2;
	s28 =	sadd.s32 s14, s26  }
0xe: {  	s29 =	sadd.s32 s15, s26;
	s14 =	simm.s32 $0x1100;
	s25 =	ssub.s32 s6, s7  }
.Ltmp0:
0xf: {  	s6 =	sadd.s32 s5, s3;
	[dreg:$0x5] =	wrdreg s28;
	(pc) =	sbr.rel .LBB2_1-.Ltmp0, $4  }
0x10: {  	[dreg:$0x6] =	wrdreg s29;
	s5 =	simm.s32 $0x1300;
	s2 =	sadd.s32 s2, s0  }
0x11: {  	s7 =	sadd.s32 $0x4000, s6;
	s8 =	sadd.s32 $0x8000, s6;
	s9 =	sadd.s32 $0xC000, s6  }
0x12: {  	s10 =	sadd.s32 $0x10000, s6;
	s15 =	smax.u32 s25, $0x1;
	s0 =	simm.s32 $0x1000  }
0x13: {  	v0 =	vimm.f32 $1.000000000e+00;
	v1 =	vimm.f32 $0.0e+00;
	s25 =	simm.s32 $0x0;
	s12 =	sadd.s32 $0x3600, s2;
	s2 =	simm.s32 $0xF80  }
.LBB2_8:
0x14: {  	s28 =	sadd.s32 $0x27000, s28;
	s29 =	sshrl.u32 s11, $0x3  }
0x15: {  	[hbm:s28], [sflag:s26] =	dma.local [spmem:s29], $0x100  }
0x16: {  	_ =	swait.ge [sflag:s17], $0x100  }
0x17: {  	[sflag:s17] =	ssyncset.done $0x0  }
0x18: {  	[sflag:s17] =	ssyncadd.s32 $0xFFFFFF00  }
.LBB2_9:
0x19: {  	s25 =	sadd.s32 $0x1, s25  }
0x1a: {  	p3 =	sne.s32 s25, s15  }
.Ltmp1:
0x1b: {  	_ = 	snop;
	(pc) =	sbr.rel @!p3 .LBB2_10-.Ltmp1, $1  }
0x1c: {  	_ =	sdelay $0x3  }
.LBB2_1:
0x1d: {  	s26 =	simm.s32 $0x200;
	s28 =	simm.s32 $0x0  }
.LBB2_2:
0x1e: {  	p3 =	sne.s32 s26, $0xFE00;
	[tilespmem:s28+$0x1400] =	vst v0;
	s29 =	smov.u32 s26;
	s26 =	sadd.s32 $0x200, s26  }
.Ltmp2:
0x1f: {  	[tilespmem:s28+$0x5400] =	vst v1;
	(pc) =	sbr.rel @p3 .LBB2_2-.Ltmp2, $2  }
0x20: {  	_ =	sdelay $0x2  }
0x21: {  	s28 =	sshra.s32 s29, $0x2  }
0x22: {  	[tilespmem:s28+$0x1400] =	vst v0  }
0x23: {  	[tilespmem:s28+$0x5400] =	vst v1  }
0x24: {  	[spmem:s6] =	stream.linear.scatter [tilespmem:s16], [sflag:$0x2], $0x4000, $0x38;
	[tilespmem:$0xBB90] =	vst v63  }
0x25: {  	_ =	swait.ge [sflag:s17], $0x4000  }
0x26: {  	[sflag:s17] =	ssyncset.done $0x0  }
0x27: {  	[sflag:s17] =	ssyncadd.s32 $0xFFFFC000  }
0x28: {  	[spmem:s7] =	stream.linear.scatter [tilespmem:s16], [sflag:$0x2], $0x4000, $0x38;
	[tilespmem:$0xBB90] =	vst v63  }
0x29: {  	_ =	swait.ge [sflag:s17], $0x4000  }
0x2a: {  	[sflag:s17] =	ssyncset.done $0x0  }
0x2b: {  	[sflag:s17] =	ssyncadd.s32 $0xFFFFC000  }
0x2c: {  	[spmem:s8] =	stream.linear.scatter [tilespmem:s16], [sflag:$0x2], $0x4000, $0x38;
	[tilespmem:$0xBB90] =	vst v63  }
0x2d: {  	_ =	swait.ge [sflag:s17], $0x4000  }
0x2e: {  	[sflag:s17] =	ssyncset.done $0x0  }
0x2f: {  	[sflag:s17] =	ssyncadd.s32 $0xFFFFC000  }
0x30: {  	[spmem:s9] =	stream.linear.scatter [tilespmem:s16], [sflag:$0x2], $0x4000, $0x38;
	[tilespmem:$0xBB90] =	vst v63  }
0x31: {  	_ =	swait.ge [sflag:s17], $0x4000  }
0x32: {  	[sflag:s17] =	ssyncset.done $0x0  }
0x33: {  	[sflag:s17] =	ssyncadd.s32 $0xFFFFC000  }
0x34: {  	[spmem:s10] =	stream.linear.scatter [tilespmem:s16], [sflag:$0x2], $0x3800, $0x38;
	[tilespmem:$0xBB90] =	vst v63  }
0x35: {  	_ =	swait.ge [sflag:s17], $0x3800  }
0x36: {  	[sflag:s17] =	ssyncset.done $0x0  }
0x37: {  	s26 =	simm.s32 @!p0 $0x5400;
	[sflag:s17] =	ssyncadd.s32 $0xFFFFC800  }
0x38: {  	[spmem:s11] =	stream.linear.scatter @!p0 [tilespmem:s26], [sflag:$0x2], $0x800, $0x38;
	[tilespmem:$0xBB90] =	vst v63  }
0x39: {  	s26 =	simm.s32 @!p0 $0x2  }
0x3a: {  	_ =	swait.ge @!p0 [sflag:s26], $0x800  }
0x3b: {  	[sflag:s26] =	ssyncset.done @!p0 $0x0  }
0x3c: {  	[sflag:s26] =	ssyncadd.s32 @!p0 $0xFFFFF800  }
0x3d: {  	[tilespmem:s4], [sflag:$0x2] =	stream.linear.gather [hbm4b:s12+s4], $0x1400, $0x38;
	[tilespmem:$0xBB90] =	vst v63  }
0x3e: {  	_ =	swait.ge [sflag:s17], $0x1400  }
0x3f: {  	[sflag:s17] =	ssyncset.done $0x0  }
0x40: {  	[sflag:s17] =	ssyncadd.s32 $0xFFFFEC00  }
0x41: {  	[bflag:$0x0] =	sbarrier.arrive $0xFFFF  }
0x42: {  	[spmem:s3] =	stream.indirect.scatter.add.f32 [tilespmem:s19], [sflag:$0x1], $0x10, s4, s18, $0xb8;
	[tilespmem:$0xBB90] =	vst v63  }
0x43: {  	_ = 	snop  }
0x44: {  	[spmem:s3] =	stream.indirect.scatter.add.f32 [tilespmem:s19], [sflag:$0x1], $0x10, s18, s18, $0xb8;
	[tilespmem:$0xBB90] =	vst v63  }
0x45: {  	s28 =	simm.s32 $0x100  }
0x46: {  	[spmem:s3] =	stream.indirect.scatter.add.f32 [tilespmem:s19], [sflag:$0x1], $0x10, s28, s18, $0xb8;
	[tilespmem:$0xBB90] =	vst v63  }
0x47: {  	s29 =	simm.s32 $0x180  }
0x48: {  	[spmem:s3] =	stream.indirect.scatter.add.f32 [tilespmem:s19], [sflag:$0x1], $0x10, s29, s18, $0xb8;
	[tilespmem:$0xBB90] =	vst v63  }
0x49: {  	s28 =	simm.s32 $0x200  }
0x4a: {  	[spmem:s3] =	stream.indirect.scatter.add.f32 [tilespmem:s19], [sflag:$0x1], $0x10, s28, s18, $0xb8;
	[tilespmem:$0xBB90] =	vst v63  }
0x4b: {  	s29 =	simm.s32 $0x280  }
0x4c: {  	[spmem:s3] =	stream.indirect.scatter.add.f32 [tilespmem:s19], [sflag:$0x1], $0x10, s29, s18, $0xb8;
	[tilespmem:$0xBB90] =	vst v63  }
0x4d: {  	s28 =	simm.s32 $0x300  }
0x4e: {  	[spmem:s3] =	stream.indirect.scatter.add.f32 [tilespmem:s19], [sflag:$0x1], $0x10, s28, s18, $0xb8;
	[tilespmem:$0xBB90] =	vst v63  }
0x4f: {  	s29 =	simm.s32 $0x380  }
0x50: {  	[spmem:s3] =	stream.indirect.scatter.add.f32 [tilespmem:s19], [sflag:$0x1], $0x10, s29, s18, $0xb8;
	[tilespmem:$0xBB90] =	vst v63  }
0x51: {  	s28 =	simm.s32 $0x400  }
0x52: {  	[spmem:s3] =	stream.indirect.scatter.add.f32 [tilespmem:s19], [sflag:$0x1], $0x10, s28, s18, $0xb8;
	[tilespmem:$0xBB90] =	vst v63  }
0x53: {  	s29 =	simm.s32 $0x480  }
0x54: {  	[spmem:s3] =	stream.indirect.scatter.add.f32 [tilespmem:s19], [sflag:$0x1], $0x10, s29, s18, $0xb8;
	[tilespmem:$0xBB90] =	vst v63  }
0x55: {  	s28 =	simm.s32 $0x500  }
0x56: {  	[spmem:s3] =	stream.indirect.scatter.add.f32 [tilespmem:s19], [sflag:$0x1], $0x10, s28, s18, $0xb8;
	[tilespmem:$0xBB90] =	vst v63  }
0x57: {  	s29 =	simm.s32 $0x580  }
0x58: {  	[spmem:s3] =	stream.indirect.scatter.add.f32 [tilespmem:s19], [sflag:$0x1], $0x10, s29, s18, $0xb8;
	[tilespmem:$0xBB90] =	vst v63  }
0x59: {  	s28 =	simm.s32 $0x600  }
0x5a: {  	[spmem:s3] =	stream.indirect.scatter.add.f32 [tilespmem:s19], [sflag:$0x1], $0x10, s28, s18, $0xb8;
	[tilespmem:$0xBB90] =	vst v63  }
0x5b: {  	s29 =	simm.s32 $0x680  }
0x5c: {  	[spmem:s3] =	stream.indirect.scatter.add.f32 [tilespmem:s19], [sflag:$0x1], $0x10, s29, s18, $0xb8;
	[tilespmem:$0xBB90] =	vst v63  }
0x5d: {  	s28 =	simm.s32 $0x700  }
0x5e: {  	[spmem:s3] =	stream.indirect.scatter.add.f32 [tilespmem:s19], [sflag:$0x1], $0x10, s28, s18, $0xb8;
	[tilespmem:$0xBB90] =	vst v63  }
0x5f: {  	s29 =	simm.s32 $0x780  }
0x60: {  	[spmem:s3] =	stream.indirect.scatter.add.f32 [tilespmem:s19], [sflag:$0x1], $0x10, s29, s18, $0xb8;
	[tilespmem:$0xBB90] =	vst v63  }
0x61: {  	s28 =	simm.s32 $0x800  }
0x62: {  	[spmem:s3] =	stream.indirect.scatter.add.f32 [tilespmem:s19], [sflag:$0x1], $0x10, s28, s18, $0xb8;
	[tilespmem:$0xBB90] =	vst v63  }
0x63: {  	s29 =	simm.s32 $0x880  }
0x64: {  	[spmem:s3] =	stream.indirect.scatter.add.f32 [tilespmem:s19], [sflag:$0x1], $0x10, s29, s18, $0xb8;
	[tilespmem:$0xBB90] =	vst v63  }
0x65: {  	s28 =	simm.s32 $0x900  }
0x66: {  	[spmem:s3] =	stream.indirect.scatter.add.f32 [tilespmem:s19], [sflag:$0x1], $0x10, s28, s18, $0xb8;
	[tilespmem:$0xBB90] =	vst v63  }
0x67: {  	s29 =	simm.s32 $0x980  }
0x68: {  	[spmem:s3] =	stream.indirect.scatter.add.f32 [tilespmem:s19], [sflag:$0x1], $0x10, s29, s18, $0xb8;
	[tilespmem:$0xBB90] =	vst v63  }
0x69: {  	s28 =	simm.s32 $0xA00  }
0x6a: {  	[spmem:s3] =	stream.indirect.scatter.add.f32 [tilespmem:s19], [sflag:$0x1], $0x10, s28, s18, $0xb8;
	[tilespmem:$0xBB90] =	vst v63  }
0x6b: {  	s29 =	simm.s32 $0xA80  }
0x6c: {  	[spmem:s3] =	stream.indirect.scatter.add.f32 [tilespmem:s19], [sflag:$0x1], $0x10, s29, s18, $0xb8;
	[tilespmem:$0xBB90] =	vst v63  }
0x6d: {  	s28 =	simm.s32 $0xB00  }
0x6e: {  	[spmem:s3] =	stream.indirect.scatter.add.f32 [tilespmem:s19], [sflag:$0x1], $0x10, s28, s18, $0xb8;
	[tilespmem:$0xBB90] =	vst v63  }
0x6f: {  	s29 =	simm.s32 $0xB80  }
0x70: {  	[spmem:s3] =	stream.indirect.scatter.add.f32 [tilespmem:s19], [sflag:$0x1], $0x10, s29, s18, $0xb8;
	[tilespmem:$0xBB90] =	vst v63  }
0x71: {  	s28 =	simm.s32 $0xC00  }
0x72: {  	[spmem:s3] =	stream.indirect.scatter.add.f32 [tilespmem:s19], [sflag:$0x1], $0x10, s28, s18, $0xb8;
	[tilespmem:$0xBB90] =	vst v63  }
0x73: {  	s29 =	simm.s32 $0xC80  }
0x74: {  	[spmem:s3] =	stream.indirect.scatter.add.f32 [tilespmem:s19], [sflag:$0x1], $0x10, s29, s18, $0xb8;
	[tilespmem:$0xBB90] =	vst v63  }
0x75: {  	s28 =	simm.s32 $0xD00  }
0x76: {  	[spmem:s3] =	stream.indirect.scatter.add.f32 [tilespmem:s19], [sflag:$0x1], $0x10, s28, s18, $0xb8;
	[tilespmem:$0xBB90] =	vst v63  }
0x77: {  	s29 =	simm.s32 $0xD80  }
0x78: {  	[spmem:s3] =	stream.indirect.scatter.add.f32 [tilespmem:s19], [sflag:$0x1], $0x10, s29, s18, $0xb8;
	[tilespmem:$0xBB90] =	vst v63  }
0x79: {  	_ = 	snop  }
0x7a: {  	[spmem:s3] =	stream.indirect.scatter.add.f32 [tilespmem:s19], [sflag:$0x1], $0x10, s30, s18, $0xb8;
	[tilespmem:$0xBB90] =	vst v63  }
0x7b: {  	_ = 	snop  }
0x7c: {  	[spmem:s3] =	stream.indirect.scatter.add.f32 [tilespmem:s19], [sflag:$0x1], $0x10, s31, s18, $0xb8;
	[tilespmem:$0xBB90] =	vst v63  }
0x7d: {  	_ = 	snop  }
0x7e: {  	[spmem:s3] =	stream.indirect.scatter.add.f32 [tilespmem:s19], [sflag:$0x1], $0x10, s1, s18, $0xb8;
	[tilespmem:$0xBB90] =	vst v63  }
0x7f: {  	_ = 	snop  }
0x80: {  	[spmem:s3] =	stream.indirect.scatter.add.f32 [tilespmem:s19], [sflag:$0x1], $0x10, s2, s18, $0xb8;
	[tilespmem:$0xBB90] =	vst v63  }
0x81: {  	_ = 	snop  }
0x82: {  	[spmem:s3] =	stream.indirect.scatter.add.f32 [tilespmem:s19], [sflag:$0x1], $0x10, s0, s18, $0xb8;
	[tilespmem:$0xBB90] =	vst v63  }
0x83: {  	_ = 	snop  }
0x84: {  	[spmem:s3] =	stream.indirect.scatter.add.f32 [tilespmem:s19], [sflag:$0x1], $0x10, s13, s18, $0xb8;
	[tilespmem:$0xBB90] =	vst v63  }
0x85: {  	_ = 	snop  }
0x86: {  	[spmem:s3] =	stream.indirect.scatter.add.f32 [tilespmem:s19], [sflag:$0x1], $0x10, s14, s18, $0xb8;
	[tilespmem:$0xBB90] =	vst v63  }
0x87: {  	_ = 	snop  }
0x88: {  	[spmem:s3] =	stream.indirect.scatter.add.f32 [tilespmem:s19], [sflag:$0x1], $0x10, s20, s18, $0xb8;
	[tilespmem:$0xBB90] =	vst v63  }
0x89: {  	_ = 	snop  }
0x8a: {  	[spmem:s3] =	stream.indirect.scatter.add.f32 [tilespmem:s19], [sflag:$0x1], $0x10, s21, s18, $0xb8;
	[tilespmem:$0xBB90] =	vst v63  }
0x8b: {  	_ = 	snop  }
0x8c: {  	[spmem:s3] =	stream.indirect.scatter.add.f32 [tilespmem:s19], [sflag:$0x1], $0x10, s22, s18, $0xb8;
	[tilespmem:$0xBB90] =	vst v63  }
0x8d: {  	_ = 	snop  }
0x8e: {  	[spmem:s3] =	stream.indirect.scatter.add.f32 [tilespmem:s19], [sflag:$0x1], $0x10, s5, s18, $0xb8;
	[tilespmem:$0xBB90] =	vst v63  }
0x8f: {  	_ = 	snop  }
0x90: {  	[spmem:s3] =	stream.indirect.scatter.add.f32 [tilespmem:s19], [sflag:$0x1], $0x10, s23, s18, $0xb8;
	[tilespmem:$0xBB90] =	vst v63  }
0x91: {  	_ =	swait.ge [sflag:s24], $0x800  }
0x92: {  	s26 =	simm.s32 $0x27;
	[sflag:s24] =	ssyncset.done $0x0  }
.LBB2_4:
0x93: {  	p3 =	sne.s32 s26, $0x1;
	s26 =	sadd.s32 $0xFFFFFFFF, s26;
	[sflag:s24] =	ssyncadd.s32 $0xFFFFF800  }
.Ltmp3:
0x94: {  	(pc) =	sbr.rel @p3 .LBB2_4-.Ltmp3, $3  }
0x95: {  	_ =	sdelay $0x1  }
0x96: {  	_ =	swait.ge [sflag:s24], $0x800  }
0x97: {  	[sflag:s24] =	ssyncset.done $0x0  }
.Ltmp4:
0x98: {  	(pc) =	sbr.rel @!p1 .LBB2_6-.Ltmp4, $4  }
0x99: {  	_ = 	snop  }
0x9a: {  	[sflag:s24] =	ssyncadd.s32 $0xFFFFF800;
	s26 =	stileid.u32  }
0x9b: {  	s29 =	sshll.u32 s26, $0x6;
	[bflag:$0x0] =	sbarrier.arrive $0xFFFF  }
0x9c: {  	s28 =	sshrl.u32 s6, $0x3;
	s26 =	sor.u32 $0x1C02, s29  }
0x9d: {  	s26 =	sor.u32 $0x1C02, s29;
	s29 =	rddreg [dreg:$0x6]  }
0x9e: {  	[hbm:s29], [sflag:s26] =	dma.local [spmem:s28], $0x2700  }
.Ltmp5:
0x9f: {  	_ = 	snop;
	(pc) =	sbr.rel @p0 .LBB2_9-.Ltmp5, $4  }
.Ltmp6:
0xa0: {  	_ = 	snop;
	(pc) =	sbr.rel @!p0 .LBB2_8-.Ltmp6, $4  }
0xa1: {  	_ =	swait.ge [sflag:s17], $0x2700  }
0xa2: {  	[sflag:s17] =	ssyncset.done $0x0  }
0xa3: {  	s28 =	rddreg [dreg:$0x4];
	[sflag:s17] =	ssyncadd.s32 $0xFFFFD900  }
0xa4: {  	_ = 	snop  }
.LBB2_6:
0xa5: {  	s29 =	rddreg [dreg:$0x5]  }
0xa6: {  	[hbm:s29], [sflag:s26] =	dma.local [spmem:s28], $0x2700  }
.Ltmp7:
0xa7: {  	_ = 	snop;
	(pc) =	sbr.rel @!p2 .LBB2_9-.Ltmp7, $4  }
.Ltmp8:
0xa8: {  	_ =	swait.ge [sflag:s17], $0x2700;
	(pc) =	sbr.rel @p2 .LBB2_8-.Ltmp8, $4  }
0xa9: {  	[sflag:s17] =	ssyncset.done $0x0  }
0xaa: {  	[sflag:s17] =	ssyncadd.s32 $0xFFFFD900  }
0xab: {  	s28 =	rddreg [dreg:$0x1]  }
0xac: {  	_ = 	snop  }
.LBB2_10:
0xad: {  	_ =	sfence.sel $0x180000  }
0xae: {  	[bflag:$0x0] =	sbarrier.arrive $0xFFFF  }
0xaf: {  	_ =	strace $0x90000047  }
0xb0: {  	[bflag:$0x2] =	sbarrier.arrive $0xFFFF  }
0xb1: {  	s0 =	rddreg [dreg:$0x3]  }
0xb2: {  	s0 =	sadd.s32 @!p0 $0x100000, s0  }
0xb3: {  	[sflag:s0] =	ssyncadd.tile.s32 @!p0 $0x1;
	_ =	shalt  }
.Lfunc_end2:
_tile_overlayer_lowered:
.L_overlay_start_2:
0xb4: {  	(tag) =	ssettag $0x2  }
0xb5: {  	s0 =	rddreg [dreg:$0x0];
	s2 =	stileid.u32  }
0xb6: {  	s1 =	rddreg [dreg:$0x1];
	p0 =	sne.s32 s2, $0x0  }
0xb7: {  	s3 =	rddreg [dreg:$0x2];
	[bflag:$0x3] =	sbarrier.arrive $0xFFFF;
	s2 =	simm.s32 @!p0 $0x1C02  }
0xb8: {  	[timem:s3], [sflag:s2] =	dma.local @!p0 [hbm:s0], s1  }
0xb9: {  	s0 =	simm.s32 @!p0 $0x2  }
0xba: {  	_ =	swait.ge @!p0 [sflag:s0], s1  }
0xbb: {  	s1 =	ssub.s32 @!p0 $0x0, s1;
	[sflag:s0] =	ssyncset.done @!p0 $0x0  }
0xbc: {  	[sflag:s0] =	ssyncadd.s32 @!p0 s1  }
0xbd: {  	[bflag:$0x3] =	sbarrier.arrive $0xFFFF  }
0xbe: {  	_ =	shalt  }

</sc_bundles>
